<compile_context>
chip_gen: v7x
topology: tpu7x:2x2x1
jax: 0.10.2.dev20260603
libtpu: 0.0.44.dev20260713+nightly
codegen_flags: <defaults>
</compile_context>

<pallas_src>
import functools
import numpy as np
import jax
import jax.numpy as jnp
from jax import lax
from jax.experimental import pallas as pl
from jax.experimental.pallas import tpu as pltpu
from jax.experimental.pallas import tpu_sc as plsc

LAMBDA_P = 0.1

_NC = 2
_NS = 16
_NW = _NC * _NS
_L = 16
_HB = 128


def _sc_histograms(nper, ntail):
    nvec = nper // _L
    nvec_tail = ntail // _L
    mesh = plsc.VectorSubcoreMesh(
        core_axis_name="c", subcore_axis_name="s", num_cores=_NC, num_subcores=_NS
    )

    @functools.partial(
        pl.kernel,
        out_type=(
            jax.ShapeDtypeStruct((_NW, _HB), jnp.float32),
            jax.ShapeDtypeStruct((_NW, _HB), jnp.float32),
        ),
        mesh=mesh,
        compiler_params=pltpu.CompilerParams(needs_layout_passes=False),
        scratch_types=[
            pltpu.VMEM((nper,), jnp.int32),
            pltpu.VMEM((_L * _HB,), jnp.float32),
            pltpu.VMEM((_HB,), jnp.float32),
        ],
    )
    def hist_kernel(a_hbm, b_hbm, out_a, out_b, chunk_v, hist_v, row_v):
        wid = lax.axis_index("s") * _NC + lax.axis_index("c")
        base = wid * nper
        lanes = lax.iota(jnp.int32, _L)
        ones = jnp.ones((_L,), jnp.float32)
        zeros = jnp.zeros((_L,), jnp.float32)

        lane_off = lanes * _HB
        is_tail = wid == _NW - 1
        my_nvec = jnp.where(is_tail, nvec_tail, nvec)

        def one_array(src_hbm, dst_hbm):
            for r in range(_L * _HB // _L):
                hist_v[pl.ds(r * _L, _L)] = zeros

            @pl.when(jnp.logical_not(is_tail))
            def _():
                pltpu.sync_copy(src_hbm.at[pl.ds(base, nper)], chunk_v)

            @pl.when(is_tail)
            def _():
                pltpu.sync_copy(
                    src_hbm.at[pl.ds(base, ntail)], chunk_v.at[pl.ds(0, ntail)]
                )

            def step(i, carry):
                v = chunk_v[pl.ds(i * _L, _L)]
                plsc.addupdate_scatter(hist_v, [lane_off + v], ones)
                return carry

            lax.fori_loop(0, my_nvec, step, 0)

            for c in range(_HB // _L):
                acc = hist_v[pl.ds(c * _L, _L)]
                for r in range(1, _L):
                    acc = acc + hist_v[pl.ds(r * _HB + c * _L, _L)]
                row_v[pl.ds(c * _L, _L)] = acc
            pltpu.sync_copy(row_v, dst_hbm.at[wid])

        one_array(a_hbm, out_a)
        one_array(b_hbm, out_b)

    return hist_kernel


def _tc_weighted_sum(x_ref, pg_ref, o_ref, *, nblocks, blk, nvalid, const, inv_b):
    i = pl.program_id(0)
    row = jax.lax.dot_general(
        pg_ref[...], x_ref[...], (((1,), (0,)), ((), ())),
        preferred_element_type=jnp.float32,
    )
    ids = i * blk + lax.broadcasted_iota(jnp.int32, (1, blk), 1)
    ps = jnp.sum(jnp.where(ids < nvalid, row, 0.0))

    @pl.when(i == 0)
    def _():
        o_ref[0, 0] = jnp.float32(0.0)

    acc = o_ref[0, 0] + ps

    @pl.when(i < nblocks - 1)
    def _():
        o_ref[0, 0] = acc

    @pl.when(i == nblocks - 1)
    def _():
        o_ref[0, 0] = jnp.float32(const) - acc * jnp.float32(inv_b)


def _tc_combine(pgl_ref, hp_ref, he_ref, o_ref, *, steps):
    hp = jnp.sum(hp_ref[...], axis=0, keepdims=True)
    he = jnp.sum(he_ref[...], axis=0, keepdims=True)
    cols = lax.broadcasted_iota(jnp.int32, (1, _HB), 1)
    valid = (cols >= 1) & (cols <= steps)
    pred = jnp.where(valid, hp, 0.0)
    emp = jnp.where(valid, he, 0.0)
    pred_n = pred / jnp.maximum(jnp.sum(pred), 1e-12)
    emp_n = emp / jnp.maximum(jnp.sum(emp), 1e-12)
    safe = jnp.where(emp_n > 0, emp_n, 1.0)
    xlogy = jnp.where(emp_n > 0, emp_n * jnp.log(safe), 0.0)
    eloss = jnp.sum(xlogy - emp_n * pred_n) / jnp.float32(steps)
    o_ref[0, 0] = pgl_ref[0, 0] + eloss


def kernel(p_halts, halt_steps, responses, response_times):
    del responses
    batch, steps = p_halts.shape

    blk = 25600
    nblocks = -(-batch // blk)

    pg = (LAMBDA_P * np.power(1.0 - LAMBDA_P, np.arange(steps))).astype(np.float32)
    const = float(np.sum(pg * np.log(pg)))
    pg2d = jnp.asarray(pg.reshape(1, steps))

    pgl = pl.pallas_call(
        functools.partial(
            _tc_weighted_sum, nblocks=nblocks, blk=blk, nvalid=batch,
            const=const, inv_b=1.0 / batch,
        ),
        grid=(nblocks,),
        in_specs=[
            pl.BlockSpec((steps, blk), lambda i: (0, i)),
            pl.BlockSpec((1, steps), lambda i: (0, 0)),
        ],
        out_specs=pl.BlockSpec(memory_space=pltpu.MemorySpace.SMEM),
        out_shape=jax.ShapeDtypeStruct((1, 1), jnp.float32),
        compiler_params=pltpu.CompilerParams(
            dimension_semantics=("arbitrary",),
        ),
    )(p_halts.T, pg2d)

    n = halt_steps.shape[0]
    nper = (-(-n // _NW) + _L - 1) // _L * _L
    ntail = n - (_NW - 1) * nper
    assert 0 < ntail <= nper and ntail % _L == 0 and nper % 8 == 0
    hp_parts, he_parts = _sc_histograms(nper, ntail)(halt_steps, response_times)

    out = pl.pallas_call(
        functools.partial(_tc_combine, steps=steps),
        in_specs=[
            pl.BlockSpec(memory_space=pltpu.MemorySpace.SMEM),
            pl.BlockSpec((_NW, _HB), lambda: (0, 0)),
            pl.BlockSpec((_NW, _HB), lambda: (0, 0)),
        ],
        out_specs=pl.BlockSpec(memory_space=pltpu.MemorySpace.SMEM),
        out_shape=jax.ShapeDtypeStruct((1, 1), jnp.float32),
    )(pgl, hp_parts, he_parts)
    return out[0, 0]

# --- scband reference (transcript-rebuilt; emitter-appended) ---
"""Pipeline reference for scband-regularization-loss-6502580486570 (READ-ONLY COPY).

The authoritative reference and input builder live on the scoring server;
editing this copy changes nothing except your own understanding.
"""

import jax, jax.numpy as jnp
import numpy as np

LAMBDA_P = 0.1
MAX_STEPS = 100
BATCH = 500000


def _kl_div_batchmean(inp, target):
    # torch.nn.KLDivLoss(reduction='batchmean'): sum(target*(log(target)-input)) / input.shape[0]
    # xlogy handles target==0 -> 0, matching torch semantics.
    elem = jax.scipy.special.xlogy(target, target) - target * inp
    return jnp.sum(elem) / inp.shape[0]


def setup_inputs(seed: int = 0) -> dict:
    key = jax.random.key(seed)
    k1, k2, k3, k4 = jax.random.split(key, 4)
    p_halts = jax.random.normal(k1, (BATCH, MAX_STEPS), dtype=jnp.float32)
    halt_steps = jax.random.randint(k2, (BATCH,), 0, 101, dtype=jnp.int32)
    responses = jax.random.normal(k3, (BATCH,), dtype=jnp.float32)
    response_times = jax.random.randint(k4, (BATCH,), 0, 101, dtype=jnp.int32)
    return {
        "p_halts": p_halts,
        "halt_steps": halt_steps,
        "responses": responses,
        "response_times": response_times,
    }


def reference(p_halts, halt_steps, responses, response_times):
    steps = p_halts.shape[1]
    # geometric prior buffer p_g[step] = lambda_p * (1 - lambda_p)**step
    p_g = LAMBDA_P * jnp.power(1.0 - LAMBDA_P, jnp.arange(MAX_STEPS, dtype=jnp.float32))
    p_g_batch = jnp.broadcast_to(p_g[:steps], p_halts.shape)
    p_g_loss = _kl_div_batchmean(p_halts, p_g_batch)

    # torch.unique(return_counts) + scatter-add into a zeros(max_steps+1) buffer == bincount
    p_rt_empirical = jnp.bincount(response_times, length=MAX_STEPS + 1).astype(jnp.float32)
    p_rt_pred = jnp.bincount(halt_steps, length=MAX_STEPS + 1).astype(jnp.float32)

    p_rt_empirical = p_rt_empirical[1:steps + 1]
    p_rt_pred = p_rt_pred[1:steps + 1]

    # F.normalize(p=1, dim=0): x / max(||x||_1, 1e-12)
    p_rt_empirical = p_rt_empirical / jnp.maximum(jnp.sum(jnp.abs(p_rt_empirical)), 1e-12)
    p_rt_pred = p_rt_pred / jnp.maximum(jnp.sum(jnp.abs(p_rt_pred)), 1e-12)

    empirical_loss = _kl_div_batchmean(p_rt_pred, p_rt_empirical)
    return p_g_loss + empirical_loss

if __name__ == "__main__":
    import jax
    _d = setup_inputs()
    print(jax.jit(kernel)(*tuple(_d.values())))

</pallas_src>

<mosaic_0001>
#map = affine_map<(d0, d1) -> (0)>
#map1 = affine_map<(d0, d1) -> (0, 0)>
module attributes {stable_mosaic.version = 14 : i64} {
  func.func @hist_kernel(%arg0: i32, %arg1: i32, %arg2: memref<500000xi32, #tpu.memory_space<hbm>>, %arg3: memref<500000xi32, #tpu.memory_space<hbm>>, %arg4: memref<32x128xf32, #tpu.memory_space<hbm>>, %arg5: memref<32x128xf32, #tpu.memory_space<hbm>>, %arg6: memref<15632xi32, #tpu.memory_space<vmem>>, %arg7: memref<2048xf32, #tpu.memory_space<vmem>>, %arg8: memref<128xf32, #tpu.memory_space<vmem>>) attributes {dimension_semantics = [#tpu.dimension_semantics<core_parallel>, #tpu.dimension_semantics<subcore_parallel>], iteration_bounds = array<i64: 2, 16>, scalar_prefetch = 0 : i64, scratch_operands = 3 : i64, tpu.core_type = #tpu.core_type<sc_vector_subcore>, window_params = [{transform_indices = #map}, {transform_indices = #map}, {transform_indices = #map1}, {transform_indices = #map1}]} {
    %mul3A = arith.constant 2 : i32
    %mul3A_0 = arith.muli %arg1, %mul3A : i32
    %add3A = arith.addi %mul3A_0, %arg0 : i32
    %mul3A_1 = arith.constant 15632 : i32
    %mul3A_2 = arith.muli %add3A, %mul3A_1 : i32
    %iota3A = tpu.iota {dimensions = array<i32: 0>} : vector<16xi32>
    %broadcast_in_dim3A = arith.constant 1.000000e+00 : f32
    %broadcast_in_dim3A_3 = vector.broadcast %broadcast_in_dim3A : f32 to vector<16xf32>
    %broadcast_in_dim3A_4 = arith.constant 0.000000e+00 : f32
    %broadcast_in_dim3A_5 = vector.broadcast %broadcast_in_dim3A_4 : f32 to vector<16xf32>
    %mul3A_6 = arith.constant 128 : i32
    %mul3A_7 = vector.broadcast %mul3A_6 : i32 to vector<16xi32>
    %mul3A_8 = arith.muli %iota3A, %mul3A_7 : vector<16xi32>
    %eq3A = arith.constant 31 : i32
    %eq3A_9 = arith.cmpi eq, %add3A, %eq3A : i32
    %jit3A = arith.constant 963 : i32
    %jit3A_10 = arith.constant 977 : i32
    %select_n3A = arith.select %eq3A_9, %jit3A, %jit3A_10 : i32
    %swap3A = arith.constant 0 : index
    %swap3A_11 = tpu.vector_load %arg7[%swap3A] {strides = array<i32>} : memref<2048xf32, #tpu.memory_space<vmem>>, vector<16xf32>,
    tpu.vector_store %arg7[%swap3A], %broadcast_in_dim3A_5 {strides = array<i32>} : memref<2048xf32, #tpu.memory_space<vmem>>, vector<16xf32>,
    %swap3A_12 = arith.constant 16 : index
    %swap3A_13 = tpu.vector_load %arg7[%swap3A_12] {strides = array<i32>} : memref<2048xf32, #tpu.memory_space<vmem>>, vector<16xf32>,
    tpu.vector_store %arg7[%swap3A_12], %broadcast_in_dim3A_5 {strides = array<i32>} : memref<2048xf32, #tpu.memory_space<vmem>>, vector<16xf32>,
    %swap3A_14 = arith.constant 32 : index
    %swap3A_15 = tpu.vector_load %arg7[%swap3A_14] {strides = array<i32>} : memref<2048xf32, #tpu.memory_space<vmem>>, vector<16xf32>,
    tpu.vector_store %arg7[%swap3A_14], %broadcast_in_dim3A_5 {strides = array<i32>} : memref<2048xf32, #tpu.memory_space<vmem>>, vector<16xf32>,
    %swap3A_16 = arith.constant 48 : index
    %swap3A_17 = tpu.vector_load %arg7[%swap3A_16] {strides = array<i32>} : memref<2048xf32, #tpu.memory_space<vmem>>, vector<16xf32>,
    tpu.vector_store %arg7[%swap3A_16], %broadcast_in_dim3A_5 {strides = array<i32>} : memref<2048xf32, #tpu.memory_space<vmem>>, vector<16xf32>,
    %swap3A_18 = arith.constant 64 : index
    %swap3A_19 = tpu.vector_load %arg7[%swap3A_18] {strides = array<i32>} : memref<2048xf32, #tpu.memory_space<vmem>>, vector<16xf32>,
    tpu.vector_store %arg7[%swap3A_18], %broadcast_in_dim3A_5 {strides = array<i32>} : memref<2048xf32, #tpu.memory_space<vmem>>, vector<16xf32>,
    %swap3A_20 = arith.constant 80 : index
    %swap3A_21 = tpu.vector_load %arg7[%swap3A_20] {strides = array<i32>} : memref<2048xf32, #tpu.memory_space<vmem>>, vector<16xf32>,
    tpu.vector_store %arg7[%swap3A_20], %broadcast_in_dim3A_5 {strides = array<i32>} : memref<2048xf32, #tpu.memory_space<vmem>>, vector<16xf32>,
    %swap3A_22 = arith.constant 96 : index
    %swap3A_23 = tpu.vector_load %arg7[%swap3A_22] {strides = array<i32>} : memref<2048xf32, #tpu.memory_space<vmem>>, vector<16xf32>,
    tpu.vector_store %arg7[%swap3A_22], %broadcast_in_dim3A_5 {strides = array<i32>} : memref<2048xf32, #tpu.memory_space<vmem>>, vector<16xf32>,
    %swap3A_24 = arith.constant 112 : index
    %swap3A_25 = tpu.vector_load %arg7[%swap3A_24] {strides = array<i32>} : memref<2048xf32, #tpu.memory_space<vmem>>, vector<16xf32>,
    tpu.vector_store %arg7[%swap3A_24], %broadcast_in_dim3A_5 {strides = array<i32>} : memref<2048xf32, #tpu.memory_space<vmem>>, vector<16xf32>,
    %swap3A_26 = arith.constant 128 : index
    %swap3A_27 = tpu.vector_load %arg7[%swap3A_26] {strides = array<i32>} : memref<2048xf32, #tpu.memory_space<vmem>>, vector<16xf32>,
    tpu.vector_store %arg7[%swap3A_26], %broadcast_in_dim3A_5 {strides = array<i32>} : memref<2048xf32, #tpu.memory_space<vmem>>, vector<16xf32>,
    %swap3A_28 = arith.constant 144 : index
    %swap3A_29 = tpu.vector_load %arg7[%swap3A_28] {strides = array<i32>} : memref<2048xf32, #tpu.memory_space<vmem>>, vector<16xf32>,
    tpu.vector_store %arg7[%swap3A_28], %broadcast_in_dim3A_5 {strides = array<i32>} : memref<2048xf32, #tpu.memory_space<vmem>>, vector<16xf32>,
    %swap3A_30 = arith.constant 160 : index
    %swap3A_31 = tpu.vector_load %arg7[%swap3A_30] {strides = array<i32>} : memref<2048xf32, #tpu.memory_space<vmem>>, vector<16xf32>,
    tpu.vector_store %arg7[%swap3A_30], %broadcast_in_dim3A_5 {strides = array<i32>} : memref<2048xf32, #tpu.memory_space<vmem>>, vector<16xf32>,
    %swap3A_32 = arith.constant 176 : index
    %swap3A_33 = tpu.vector_load %arg7[%swap3A_32] {strides = array<i32>} : memref<2048xf32, #tpu.memory_space<vmem>>, vector<16xf32>,
    tpu.vector_store %arg7[%swap3A_32], %broadcast_in_dim3A_5 {strides = array<i32>} : memref<2048xf32, #tpu.memory_space<vmem>>, vector<16xf32>,
    %swap3A_34 = arith.constant 192 : index
    %swap3A_35 = tpu.vector_load %arg7[%swap3A_34] {strides = array<i32>} : memref<2048xf32, #tpu.memory_space<vmem>>, vector<16xf32>,
    tpu.vector_store %arg7[%swap3A_34], %broadcast_in_dim3A_5 {strides = array<i32>} : memref<2048xf32, #tpu.memory_space<vmem>>, vector<16xf32>,
    %swap3A_36 = arith.constant 208 : index
    %swap3A_37 = tpu.vector_load %arg7[%swap3A_36] {strides = array<i32>} : memref<2048xf32, #tpu.memory_space<vmem>>, vector<16xf32>,
    tpu.vector_store %arg7[%swap3A_36], %broadcast_in_dim3A_5 {strides = array<i32>} : memref<2048xf32, #tpu.memory_space<vmem>>, vector<16xf32>,
    %swap3A_38 = arith.constant 224 : index
    %swap3A_39 = tpu.vector_load %arg7[%swap3A_38] {strides = array<i32>} : memref<2048xf32, #tpu.memory_space<vmem>>, vector<16xf32>,
    tpu.vector_store %arg7[%swap3A_38], %broadcast_in_dim3A_5 {strides = array<i32>} : memref<2048xf32, #tpu.memory_space<vmem>>, vector<16xf32>,
    %swap3A_40 = arith.constant 240 : index
    %swap3A_41 = tpu.vector_load %arg7[%swap3A_40] {strides = array<i32>} : memref<2048xf32, #tpu.memory_space<vmem>>, vector<16xf32>,
    tpu.vector_store %arg7[%swap3A_40], %broadcast_in_dim3A_5 {strides = array<i32>} : memref<2048xf32, #tpu.memory_space<vmem>>, vector<16xf32>,
    %swap3A_42 = arith.constant 256 : index
    %swap3A_43 = tpu.vector_load %arg7[%swap3A_42] {strides = array<i32>} : memref<2048xf32, #tpu.memory_space<vmem>>, vector<16xf32>,
    tpu.vector_store %arg7[%swap3A_42], %broadcast_in_dim3A_5 {strides = array<i32>} : memref<2048xf32, #tpu.memory_space<vmem>>, vector<16xf32>,
    %swap3A_44 = arith.constant 272 : index
    %swap3A_45 = tpu.vector_load %arg7[%swap3A_44] {strides = array<i32>} : memref<2048xf32, #tpu.memory_space<vmem>>, vector<16xf32>,
    tpu.vector_store %arg7[%swap3A_44], %broadcast_in_dim3A_5 {strides = array<i32>} : memref<2048xf32, #tpu.memory_space<vmem>>, vector<16xf32>,
    %swap3A_46 = arith.constant 288 : index
    %swap3A_47 = tpu.vector_load %arg7[%swap3A_46] {strides = array<i32>} : memref<2048xf32, #tpu.memory_space<vmem>>, vector<16xf32>,
    tpu.vector_store %arg7[%swap3A_46], %broadcast_in_dim3A_5 {strides = array<i32>} : memref<2048xf32, #tpu.memory_space<vmem>>, vector<16xf32>,
    %swap3A_48 = arith.constant 304 : index
    %swap3A_49 = tpu.vector_load %arg7[%swap3A_48] {strides = array<i32>} : memref<2048xf32, #tpu.memory_space<vmem>>, vector<16xf32>,
    tpu.vector_store %arg7[%swap3A_48], %broadcast_in_dim3A_5 {strides = array<i32>} : memref<2048xf32, #tpu.memory_space<vmem>>, vector<16xf32>,
    %swap3A_50 = arith.constant 320 : index
    %swap3A_51 = tpu.vector_load %arg7[%swap3A_50] {strides = array<i32>} : memref<2048xf32, #tpu.memory_space<vmem>>, vector<16xf32>,
    tpu.vector_store %arg7[%swap3A_50], %broadcast_in_dim3A_5 {strides = array<i32>} : memref<2048xf32, #tpu.memory_space<vmem>>, vector<16xf32>,
    %swap3A_52 = arith.constant 336 : index
    %swap3A_53 = tpu.vector_load %arg7[%swap3A_52] {strides = array<i32>} : memref<2048xf32, #tpu.memory_space<vmem>>, vector<16xf32>,
    tpu.vector_store %arg7[%swap3A_52], %broadcast_in_dim3A_5 {strides = array<i32>} : memref<2048xf32, #tpu.memory_space<vmem>>, vector<16xf32>,
    %swap3A_54 = arith.constant 352 : index
    %swap3A_55 = tpu.vector_load %arg7[%swap3A_54] {strides = array<i32>} : memref<2048xf32, #tpu.memory_space<vmem>>, vector<16xf32>,
    tpu.vector_store %arg7[%swap3A_54], %broadcast_in_dim3A_5 {strides = array<i32>} : memref<2048xf32, #tpu.memory_space<vmem>>, vector<16xf32>,
    %swap3A_56 = arith.constant 368 : index
    %swap3A_57 = tpu.vector_load %arg7[%swap3A_56] {strides = array<i32>} : memref<2048xf32, #tpu.memory_space<vmem>>, vector<16xf32>,
    tpu.vector_store %arg7[%swap3A_56], %broadcast_in_dim3A_5 {strides = array<i32>} : memref<2048xf32, #tpu.memory_space<vmem>>, vector<16xf32>,
    %swap3A_58 = arith.constant 384 : index
    %swap3A_59 = tpu.vector_load %arg7[%swap3A_58] {strides = array<i32>} : memref<2048xf32, #tpu.memory_space<vmem>>, vector<16xf32>,
    tpu.vector_store %arg7[%swap3A_58], %broadcast_in_dim3A_5 {strides = array<i32>} : memref<2048xf32, #tpu.memory_space<vmem>>, vector<16xf32>,
    %swap3A_60 = arith.constant 400 : index
    %swap3A_61 = tpu.vector_load %arg7[%swap3A_60] {strides = array<i32>} : memref<2048xf32, #tpu.memory_space<vmem>>, vector<16xf32>,
    tpu.vector_store %arg7[%swap3A_60], %broadcast_in_dim3A_5 {strides = array<i32>} : memref<2048xf32, #tpu.memory_space<vmem>>, vector<16xf32>,
    %swap3A_62 = arith.constant 416 : index
    %swap3A_63 = tpu.vector_load %arg7[%swap3A_62] {strides = array<i32>} : memref<2048xf32, #tpu.memory_space<vmem>>, vector<16xf32>,
    tpu.vector_store %arg7[%swap3A_62], %broadcast_in_dim3A_5 {strides = array<i32>} : memref<2048xf32, #tpu.memory_space<vmem>>, vector<16xf32>,
    %swap3A_64 = arith.constant 432 : index
    %swap3A_65 = tpu.vector_load %arg7[%swap3A_64] {strides = array<i32>} : memref<2048xf32, #tpu.memory_space<vmem>>, vector<16xf32>,
    tpu.vector_store %arg7[%swap3A_64], %broadcast_in_dim3A_5 {strides = array<i32>} : memref<2048xf32, #tpu.memory_space<vmem>>, vector<16xf32>,
    %swap3A_66 = arith.constant 448 : index
    %swap3A_67 = tpu.vector_load %arg7[%swap3A_66] {strides = array<i32>} : memref<2048xf32, #tpu.memory_space<vmem>>, vector<16xf32>,
    tpu.vector_store %arg7[%swap3A_66], %broadcast_in_dim3A_5 {strides = array<i32>} : memref<2048xf32, #tpu.memory_space<vmem>>, vector<16xf32>,
    %swap3A_68 = arith.constant 464 : index
    %swap3A_69 = tpu.vector_load %arg7[%swap3A_68] {strides = array<i32>} : memref<2048xf32, #tpu.memory_space<vmem>>, vector<16xf32>,
    tpu.vector_store %arg7[%swap3A_68], %broadcast_in_dim3A_5 {strides = array<i32>} : memref<2048xf32, #tpu.memory_space<vmem>>, vector<16xf32>,
    %swap3A_70 = arith.constant 480 : index
    %swap3A_71 = tpu.vector_load %arg7[%swap3A_70] {strides = array<i32>} : memref<2048xf32, #tpu.memory_space<vmem>>, vector<16xf32>,
    tpu.vector_store %arg7[%swap3A_70], %broadcast_in_dim3A_5 {strides = array<i32>} : memref<2048xf32, #tpu.memory_space<vmem>>, vector<16xf32>,
    %swap3A_72 = arith.constant 496 : index
    %swap3A_73 = tpu.vector_load %arg7[%swap3A_72] {strides = array<i32>} : memref<2048xf32, #tpu.memory_space<vmem>>, vector<16xf32>,
    tpu.vector_store %arg7[%swap3A_72], %broadcast_in_dim3A_5 {strides = array<i32>} : memref<2048xf32, #tpu.memory_space<vmem>>, vector<16xf32>,
    %swap3A_74 = arith.constant 512 : index
    %swap3A_75 = tpu.vector_load %arg7[%swap3A_74] {strides = array<i32>} : memref<2048xf32, #tpu.memory_space<vmem>>, vector<16xf32>,
    tpu.vector_store %arg7[%swap3A_74], %broadcast_in_dim3A_5 {strides = array<i32>} : memref<2048xf32, #tpu.memory_space<vmem>>, vector<16xf32>,
    %swap3A_76 = arith.constant 528 : index
    %swap3A_77 = tpu.vector_load %arg7[%swap3A_76] {strides = array<i32>} : memref<2048xf32, #tpu.memory_space<vmem>>, vector<16xf32>,
    tpu.vector_store %arg7[%swap3A_76], %broadcast_in_dim3A_5 {strides = array<i32>} : memref<2048xf32, #tpu.memory_space<vmem>>, vector<16xf32>,
    %swap3A_78 = arith.constant 544 : index
    %swap3A_79 = tpu.vector_load %arg7[%swap3A_78] {strides = array<i32>} : memref<2048xf32, #tpu.memory_space<vmem>>, vector<16xf32>,
    tpu.vector_store %arg7[%swap3A_78], %broadcast_in_dim3A_5 {strides = array<i32>} : memref<2048xf32, #tpu.memory_space<vmem>>, vector<16xf32>,
    %swap3A_80 = arith.constant 560 : index
    %swap3A_81 = tpu.vector_load %arg7[%swap3A_80] {strides = array<i32>} : memref<2048xf32, #tpu.memory_space<vmem>>, vector<16xf32>,
    tpu.vector_store %arg7[%swap3A_80], %broadcast_in_dim3A_5 {strides = array<i32>} : memref<2048xf32, #tpu.memory_space<vmem>>, vector<16xf32>,
    %swap3A_82 = arith.constant 576 : index
    %swap3A_83 = tpu.vector_load %arg7[%swap3A_82] {strides = array<i32>} : memref<2048xf32, #tpu.memory_space<vmem>>, vector<16xf32>,
    tpu.vector_store %arg7[%swap3A_82], %broadcast_in_dim3A_5 {strides = array<i32>} : memref<2048xf32, #tpu.memory_space<vmem>>, vector<16xf32>,
    %swap3A_84 = arith.constant 592 : index
    %swap3A_85 = tpu.vector_load %arg7[%swap3A_84] {strides = array<i32>} : memref<2048xf32, #tpu.memory_space<vmem>>, vector<16xf32>,
    tpu.vector_store %arg7[%swap3A_84], %broadcast_in_dim3A_5 {strides = array<i32>} : memref<2048xf32, #tpu.memory_space<vmem>>, vector<16xf32>,
    %swap3A_86 = arith.constant 608 : index
    %swap3A_87 = tpu.vector_load %arg7[%swap3A_86] {strides = array<i32>} : memref<2048xf32, #tpu.memory_space<vmem>>, vector<16xf32>,
    tpu.vector_store %arg7[%swap3A_86], %broadcast_in_dim3A_5 {strides = array<i32>} : memref<2048xf32, #tpu.memory_space<vmem>>, vector<16xf32>,
    %swap3A_88 = arith.constant 624 : index
    %swap3A_89 = tpu.vector_load %arg7[%swap3A_88] {strides = array<i32>} : memref<2048xf32, #tpu.memory_space<vmem>>, vector<16xf32>,
    tpu.vector_store %arg7[%swap3A_88], %broadcast_in_dim3A_5 {strides = array<i32>} : memref<2048xf32, #tpu.memory_space<vmem>>, vector<16xf32>,
    %swap3A_90 = arith.constant 640 : index
    %swap3A_91 = tpu.vector_load %arg7[%swap3A_90] {strides = array<i32>} : memref<2048xf32, #tpu.memory_space<vmem>>, vector<16xf32>,
    tpu.vector_store %arg7[%swap3A_90], %broadcast_in_dim3A_5 {strides = array<i32>} : memref<2048xf32, #tpu.memory_space<vmem>>, vector<16xf32>,
    %swap3A_92 = arith.constant 656 : index
    %swap3A_93 = tpu.vector_load %arg7[%swap3A_92] {strides = array<i32>} : memref<2048xf32, #tpu.memory_space<vmem>>, vector<16xf32>,
    tpu.vector_store %arg7[%swap3A_92], %broadcast_in_dim3A_5 {strides = array<i32>} : memref<2048xf32, #tpu.memory_space<vmem>>, vector<16xf32>,
    %swap3A_94 = arith.constant 672 : index
    %swap3A_95 = tpu.vector_load %arg7[%swap3A_94] {strides = array<i32>} : memref<2048xf32, #tpu.memory_space<vmem>>, vector<16xf32>,
    tpu.vector_store %arg7[%swap3A_94], %broadcast_in_dim3A_5 {strides = array<i32>} : memref<2048xf32, #tpu.memory_space<vmem>>, vector<16xf32>,
    %swap3A_96 = arith.constant 688 : index
    %swap3A_97 = tpu.vector_load %arg7[%swap3A_96] {strides = array<i32>} : memref<2048xf32, #tpu.memory_space<vmem>>, vector<16xf32>,
    tpu.vector_store %arg7[%swap3A_96], %broadcast_in_dim3A_5 {strides = array<i32>} : memref<2048xf32, #tpu.memory_space<vmem>>, vector<16xf32>,
    %swap3A_98 = arith.constant 704 : index
    %swap3A_99 = tpu.vector_load %arg7[%swap3A_98] {strides = array<i32>} : memref<2048xf32, #tpu.memory_space<vmem>>, vector<16xf32>,
    tpu.vector_store %arg7[%swap3A_98], %broadcast_in_dim3A_5 {strides = array<i32>} : memref<2048xf32, #tpu.memory_space<vmem>>, vector<16xf32>,
    %swap3A_100 = arith.constant 720 : index
    %swap3A_101 = tpu.vector_load %arg7[%swap3A_100] {strides = array<i32>} : memref<2048xf32, #tpu.memory_space<vmem>>, vector<16xf32>,
    tpu.vector_store %arg7[%swap3A_100], %broadcast_in_dim3A_5 {strides = array<i32>} : memref<2048xf32, #tpu.memory_space<vmem>>, vector<16xf32>,
    %swap3A_102 = arith.constant 736 : index
    %swap3A_103 = tpu.vector_load %arg7[%swap3A_102] {strides = array<i32>} : memref<2048xf32, #tpu.memory_space<vmem>>, vector<16xf32>,
    tpu.vector_store %arg7[%swap3A_102], %broadcast_in_dim3A_5 {strides = array<i32>} : memref<2048xf32, #tpu.memory_space<vmem>>, vector<16xf32>,
    %swap3A_104 = arith.constant 752 : index
    %swap3A_105 = tpu.vector_load %arg7[%swap3A_104] {strides = array<i32>} : memref<2048xf32, #tpu.memory_space<vmem>>, vector<16xf32>,
    tpu.vector_store %arg7[%swap3A_104], %broadcast_in_dim3A_5 {strides = array<i32>} : memref<2048xf32, #tpu.memory_space<vmem>>, vector<16xf32>,
    %swap3A_106 = arith.constant 768 : index
    %swap3A_107 = tpu.vector_load %arg7[%swap3A_106] {strides = array<i32>} : memref<2048xf32, #tpu.memory_space<vmem>>, vector<16xf32>,
    tpu.vector_store %arg7[%swap3A_106], %broadcast_in_dim3A_5 {strides = array<i32>} : memref<2048xf32, #tpu.memory_space<vmem>>, vector<16xf32>,
    %swap3A_108 = arith.constant 784 : index
    %swap3A_109 = tpu.vector_load %arg7[%swap3A_108] {strides = array<i32>} : memref<2048xf32, #tpu.memory_space<vmem>>, vector<16xf32>,
    tpu.vector_store %arg7[%swap3A_108], %broadcast_in_dim3A_5 {strides = array<i32>} : memref<2048xf32, #tpu.memory_space<vmem>>, vector<16xf32>,
    %swap3A_110 = arith.constant 800 : index
    %swap3A_111 = tpu.vector_load %arg7[%swap3A_110] {strides = array<i32>} : memref<2048xf32, #tpu.memory_space<vmem>>, vector<16xf32>,
    tpu.vector_store %arg7[%swap3A_110], %broadcast_in_dim3A_5 {strides = array<i32>} : memref<2048xf32, #tpu.memory_space<vmem>>, vector<16xf32>,
    %swap3A_112 = arith.constant 816 : index
    %swap3A_113 = tpu.vector_load %arg7[%swap3A_112] {strides = array<i32>} : memref<2048xf32, #tpu.memory_space<vmem>>, vector<16xf32>,
    tpu.vector_store %arg7[%swap3A_112], %broadcast_in_dim3A_5 {strides = array<i32>} : memref<2048xf32, #tpu.memory_space<vmem>>, vector<16xf32>,
    %swap3A_114 = arith.constant 832 : index
    %swap3A_115 = tpu.vector_load %arg7[%swap3A_114] {strides = array<i32>} : memref<2048xf32, #tpu.memory_space<vmem>>, vector<16xf32>,
    tpu.vector_store %arg7[%swap3A_114], %broadcast_in_dim3A_5 {strides = array<i32>} : memref<2048xf32, #tpu.memory_space<vmem>>, vector<16xf32>,
    %swap3A_116 = arith.constant 848 : index
    %swap3A_117 = tpu.vector_load %arg7[%swap3A_116] {strides = array<i32>} : memref<2048xf32, #tpu.memory_space<vmem>>, vector<16xf32>,
    tpu.vector_store %arg7[%swap3A_116], %broadcast_in_dim3A_5 {strides = array<i32>} : memref<2048xf32, #tpu.memory_space<vmem>>, vector<16xf32>,
    %swap3A_118 = arith.constant 864 : index
    %swap3A_119 = tpu.vector_load %arg7[%swap3A_118] {strides = array<i32>} : memref<2048xf32, #tpu.memory_space<vmem>>, vector<16xf32>,
    tpu.vector_store %arg7[%swap3A_118], %broadcast_in_dim3A_5 {strides = array<i32>} : memref<2048xf32, #tpu.memory_space<vmem>>, vector<16xf32>,
    %swap3A_120 = arith.constant 880 : index
    %swap3A_121 = tpu.vector_load %arg7[%swap3A_120] {strides = array<i32>} : memref<2048xf32, #tpu.memory_space<vmem>>, vector<16xf32>,
    tpu.vector_store %arg7[%swap3A_120], %broadcast_in_dim3A_5 {strides = array<i32>} : memref<2048xf32, #tpu.memory_space<vmem>>, vector<16xf32>,
    %swap3A_122 = arith.constant 896 : index
    %swap3A_123 = tpu.vector_load %arg7[%swap3A_122] {strides = array<i32>} : memref<2048xf32, #tpu.memory_space<vmem>>, vector<16xf32>,
    tpu.vector_store %arg7[%swap3A_122], %broadcast_in_dim3A_5 {strides = array<i32>} : memref<2048xf32, #tpu.memory_space<vmem>>, vector<16xf32>,
    %swap3A_124 = arith.constant 912 : index
    %swap3A_125 = tpu.vector_load %arg7[%swap3A_124] {strides = array<i32>} : memref<2048xf32, #tpu.memory_space<vmem>>, vector<16xf32>,
    tpu.vector_store %arg7[%swap3A_124], %broadcast_in_dim3A_5 {strides = array<i32>} : memref<2048xf32, #tpu.memory_space<vmem>>, vector<16xf32>,
    %swap3A_126 = arith.constant 928 : index
    %swap3A_127 = tpu.vector_load %arg7[%swap3A_126] {strides = array<i32>} : memref<2048xf32, #tpu.memory_space<vmem>>, vector<16xf32>,
    tpu.vector_store %arg7[%swap3A_126], %broadcast_in_dim3A_5 {strides = array<i32>} : memref<2048xf32, #tpu.memory_space<vmem>>, vector<16xf32>,
    %swap3A_128 = arith.constant 944 : index
    %swap3A_129 = tpu.vector_load %arg7[%swap3A_128] {strides = array<i32>} : memref<2048xf32, #tpu.memory_space<vmem>>, vector<16xf32>,
    tpu.vector_store %arg7[%swap3A_128], %broadcast_in_dim3A_5 {strides = array<i32>} : memref<2048xf32, #tpu.memory_space<vmem>>, vector<16xf32>,
    %swap3A_130 = arith.constant 960 : index
    %swap3A_131 = tpu.vector_load %arg7[%swap3A_130] {strides = array<i32>} : memref<2048xf32, #tpu.memory_space<vmem>>, vector<16xf32>,
    tpu.vector_store %arg7[%swap3A_130], %broadcast_in_dim3A_5 {strides = array<i32>} : memref<2048xf32, #tpu.memory_space<vmem>>, vector<16xf32>,
    %swap3A_132 = arith.constant 976 : index
    %swap3A_133 = tpu.vector_load %arg7[%swap3A_132] {strides = array<i32>} : memref<2048xf32, #tpu.memory_space<vmem>>, vector<16xf32>,
    tpu.vector_store %arg7[%swap3A_132], %broadcast_in_dim3A_5 {strides = array<i32>} : memref<2048xf32, #tpu.memory_space<vmem>>, vector<16xf32>,
    %swap3A_134 = arith.constant 992 : index
    %swap3A_135 = tpu.vector_load %arg7[%swap3A_134] {strides = array<i32>} : memref<2048xf32, #tpu.memory_space<vmem>>, vector<16xf32>,
    tpu.vector_store %arg7[%swap3A_134], %broadcast_in_dim3A_5 {strides = array<i32>} : memref<2048xf32, #tpu.memory_space<vmem>>, vector<16xf32>,
    %swap3A_136 = arith.constant 1008 : index
    %swap3A_137 = tpu.vector_load %arg7[%swap3A_136] {strides = array<i32>} : memref<2048xf32, #tpu.memory_space<vmem>>, vector<16xf32>,
    tpu.vector_store %arg7[%swap3A_136], %broadcast_in_dim3A_5 {strides = array<i32>} : memref<2048xf32, #tpu.memory_space<vmem>>, vector<16xf32>,
    %swap3A_138 = arith.constant 1024 : index
    %swap3A_139 = tpu.vector_load %arg7[%swap3A_138] {strides = array<i32>} : memref<2048xf32, #tpu.memory_space<vmem>>, vector<16xf32>,
    tpu.vector_store %arg7[%swap3A_138], %broadcast_in_dim3A_5 {strides = array<i32>} : memref<2048xf32, #tpu.memory_space<vmem>>, vector<16xf32>,
    %swap3A_140 = arith.constant 1040 : index
    %swap3A_141 = tpu.vector_load %arg7[%swap3A_140] {strides = array<i32>} : memref<2048xf32, #tpu.memory_space<vmem>>, vector<16xf32>,
    tpu.vector_store %arg7[%swap3A_140], %broadcast_in_dim3A_5 {strides = array<i32>} : memref<2048xf32, #tpu.memory_space<vmem>>, vector<16xf32>,
    %swap3A_142 = arith.constant 1056 : index
    %swap3A_143 = tpu.vector_load %arg7[%swap3A_142] {strides = array<i32>} : memref<2048xf32, #tpu.memory_space<vmem>>, vector<16xf32>,
    tpu.vector_store %arg7[%swap3A_142], %broadcast_in_dim3A_5 {strides = array<i32>} : memref<2048xf32, #tpu.memory_space<vmem>>, vector<16xf32>,
    %swap3A_144 = arith.constant 1072 : index
    %swap3A_145 = tpu.vector_load %arg7[%swap3A_144] {strides = array<i32>} : memref<2048xf32, #tpu.memory_space<vmem>>, vector<16xf32>,
    tpu.vector_store %arg7[%swap3A_144], %broadcast_in_dim3A_5 {strides = array<i32>} : memref<2048xf32, #tpu.memory_space<vmem>>, vector<16xf32>,
    %swap3A_146 = arith.constant 1088 : index
    %swap3A_147 = tpu.vector_load %arg7[%swap3A_146] {strides = array<i32>} : memref<2048xf32, #tpu.memory_space<vmem>>, vector<16xf32>,
    tpu.vector_store %arg7[%swap3A_146], %broadcast_in_dim3A_5 {strides = array<i32>} : memref<2048xf32, #tpu.memory_space<vmem>>, vector<16xf32>,
    %swap3A_148 = arith.constant 1104 : index
    %swap3A_149 = tpu.vector_load %arg7[%swap3A_148] {strides = array<i32>} : memref<2048xf32, #tpu.memory_space<vmem>>, vector<16xf32>,
    tpu.vector_store %arg7[%swap3A_148], %broadcast_in_dim3A_5 {strides = array<i32>} : memref<2048xf32, #tpu.memory_space<vmem>>, vector<16xf32>,
    %swap3A_150 = arith.constant 1120 : index
    %swap3A_151 = tpu.vector_load %arg7[%swap3A_150] {strides = array<i32>} : memref<2048xf32, #tpu.memory_space<vmem>>, vector<16xf32>,
    tpu.vector_store %arg7[%swap3A_150], %broadcast_in_dim3A_5 {strides = array<i32>} : memref<2048xf32, #tpu.memory_space<vmem>>, vector<16xf32>,
    %swap3A_152 = arith.constant 1136 : index
    %swap3A_153 = tpu.vector_load %arg7[%swap3A_152] {strides = array<i32>} : memref<2048xf32, #tpu.memory_space<vmem>>, vector<16xf32>,
    tpu.vector_store %arg7[%swap3A_152], %broadcast_in_dim3A_5 {strides = array<i32>} : memref<2048xf32, #tpu.memory_space<vmem>>, vector<16xf32>,
    %swap3A_154 = arith.constant 1152 : index
    %swap3A_155 = tpu.vector_load %arg7[%swap3A_154] {strides = array<i32>} : memref<2048xf32, #tpu.memory_space<vmem>>, vector<16xf32>,
    tpu.vector_store %arg7[%swap3A_154], %broadcast_in_dim3A_5 {strides = array<i32>} : memref<2048xf32, #tpu.memory_space<vmem>>, vector<16xf32>,
    %swap3A_156 = arith.constant 1168 : index
    %swap3A_157 = tpu.vector_load %arg7[%swap3A_156] {strides = array<i32>} : memref<2048xf32, #tpu.memory_space<vmem>>, vector<16xf32>,
    tpu.vector_store %arg7[%swap3A_156], %broadcast_in_dim3A_5 {strides = array<i32>} : memref<2048xf32, #tpu.memory_space<vmem>>, vector<16xf32>,
    %swap3A_158 = arith.constant 1184 : index
    %swap3A_159 = tpu.vector_load %arg7[%swap3A_158] {strides = array<i32>} : memref<2048xf32, #tpu.memory_space<vmem>>, vector<16xf32>,
    tpu.vector_store %arg7[%swap3A_158], %broadcast_in_dim3A_5 {strides = array<i32>} : memref<2048xf32, #tpu.memory_space<vmem>>, vector<16xf32>,
    %swap3A_160 = arith.constant 1200 : index
    %swap3A_161 = tpu.vector_load %arg7[%swap3A_160] {strides = array<i32>} : memref<2048xf32, #tpu.memory_space<vmem>>, vector<16xf32>,
    tpu.vector_store %arg7[%swap3A_160], %broadcast_in_dim3A_5 {strides = array<i32>} : memref<2048xf32, #tpu.memory_space<vmem>>, vector<16xf32>,
    %swap3A_162 = arith.constant 1216 : index
    %swap3A_163 = tpu.vector_load %arg7[%swap3A_162] {strides = array<i32>} : memref<2048xf32, #tpu.memory_space<vmem>>, vector<16xf32>,
    tpu.vector_store %arg7[%swap3A_162], %broadcast_in_dim3A_5 {strides = array<i32>} : memref<2048xf32, #tpu.memory_space<vmem>>, vector<16xf32>,
    %swap3A_164 = arith.constant 1232 : index
    %swap3A_165 = tpu.vector_load %arg7[%swap3A_164] {strides = array<i32>} : memref<2048xf32, #tpu.memory_space<vmem>>, vector<16xf32>,
    tpu.vector_store %arg7[%swap3A_164], %broadcast_in_dim3A_5 {strides = array<i32>} : memref<2048xf32, #tpu.memory_space<vmem>>, vector<16xf32>,
    %swap3A_166 = arith.constant 1248 : index
    %swap3A_167 = tpu.vector_load %arg7[%swap3A_166] {strides = array<i32>} : memref<2048xf32, #tpu.memory_space<vmem>>, vector<16xf32>,
    tpu.vector_store %arg7[%swap3A_166], %broadcast_in_dim3A_5 {strides = array<i32>} : memref<2048xf32, #tpu.memory_space<vmem>>, vector<16xf32>,
    %swap3A_168 = arith.constant 1264 : index
    %swap3A_169 = tpu.vector_load %arg7[%swap3A_168] {strides = array<i32>} : memref<2048xf32, #tpu.memory_space<vmem>>, vector<16xf32>,
    tpu.vector_store %arg7[%swap3A_168], %broadcast_in_dim3A_5 {strides = array<i32>} : memref<2048xf32, #tpu.memory_space<vmem>>, vector<16xf32>,
    %swap3A_170 = arith.constant 1280 : index
    %swap3A_171 = tpu.vector_load %arg7[%swap3A_170] {strides = array<i32>} : memref<2048xf32, #tpu.memory_space<vmem>>, vector<16xf32>,
    tpu.vector_store %arg7[%swap3A_170], %broadcast_in_dim3A_5 {strides = array<i32>} : memref<2048xf32, #tpu.memory_space<vmem>>, vector<16xf32>,
    %swap3A_172 = arith.constant 1296 : index
    %swap3A_173 = tpu.vector_load %arg7[%swap3A_172] {strides = array<i32>} : memref<2048xf32, #tpu.memory_space<vmem>>, vector<16xf32>,
    tpu.vector_store %arg7[%swap3A_172], %broadcast_in_dim3A_5 {strides = array<i32>} : memref<2048xf32, #tpu.memory_space<vmem>>, vector<16xf32>,
    %swap3A_174 = arith.constant 1312 : index
    %swap3A_175 = tpu.vector_load %arg7[%swap3A_174] {strides = array<i32>} : memref<2048xf32, #tpu.memory_space<vmem>>, vector<16xf32>,
    tpu.vector_store %arg7[%swap3A_174], %broadcast_in_dim3A_5 {strides = array<i32>} : memref<2048xf32, #tpu.memory_space<vmem>>, vector<16xf32>,
    %swap3A_176 = arith.constant 1328 : index
    %swap3A_177 = tpu.vector_load %arg7[%swap3A_176] {strides = array<i32>} : memref<2048xf32, #tpu.memory_space<vmem>>, vector<16xf32>,
    tpu.vector_store %arg7[%swap3A_176], %broadcast_in_dim3A_5 {strides = array<i32>} : memref<2048xf32, #tpu.memory_space<vmem>>, vector<16xf32>,
    %swap3A_178 = arith.constant 1344 : index
    %swap3A_179 = tpu.vector_load %arg7[%swap3A_178] {strides = array<i32>} : memref<2048xf32, #tpu.memory_space<vmem>>, vector<16xf32>,
    tpu.vector_store %arg7[%swap3A_178], %broadcast_in_dim3A_5 {strides = array<i32>} : memref<2048xf32, #tpu.memory_space<vmem>>, vector<16xf32>,
    %swap3A_180 = arith.constant 1360 : index
    %swap3A_181 = tpu.vector_load %arg7[%swap3A_180] {strides = array<i32>} : memref<2048xf32, #tpu.memory_space<vmem>>, vector<16xf32>,
    tpu.vector_store %arg7[%swap3A_180], %broadcast_in_dim3A_5 {strides = array<i32>} : memref<2048xf32, #tpu.memory_space<vmem>>, vector<16xf32>,
    %swap3A_182 = arith.constant 1376 : index
    %swap3A_183 = tpu.vector_load %arg7[%swap3A_182] {strides = array<i32>} : memref<2048xf32, #tpu.memory_space<vmem>>, vector<16xf32>,
    tpu.vector_store %arg7[%swap3A_182], %broadcast_in_dim3A_5 {strides = array<i32>} : memref<2048xf32, #tpu.memory_space<vmem>>, vector<16xf32>,
    %swap3A_184 = arith.constant 1392 : index
    %swap3A_185 = tpu.vector_load %arg7[%swap3A_184] {strides = array<i32>} : memref<2048xf32, #tpu.memory_space<vmem>>, vector<16xf32>,
    tpu.vector_store %arg7[%swap3A_184], %broadcast_in_dim3A_5 {strides = array<i32>} : memref<2048xf32, #tpu.memory_space<vmem>>, vector<16xf32>,
    %swap3A_186 = arith.constant 1408 : index
    %swap3A_187 = tpu.vector_load %arg7[%swap3A_186] {strides = array<i32>} : memref<2048xf32, #tpu.memory_space<vmem>>, vector<16xf32>,
    tpu.vector_store %arg7[%swap3A_186], %broadcast_in_dim3A_5 {strides = array<i32>} : memref<2048xf32, #tpu.memory_space<vmem>>, vector<16xf32>,
    %swap3A_188 = arith.constant 1424 : index
    %swap3A_189 = tpu.vector_load %arg7[%swap3A_188] {strides = array<i32>} : memref<2048xf32, #tpu.memory_space<vmem>>, vector<16xf32>,
    tpu.vector_store %arg7[%swap3A_188], %broadcast_in_dim3A_5 {strides = array<i32>} : memref<2048xf32, #tpu.memory_space<vmem>>, vector<16xf32>,
    %swap3A_190 = arith.constant 1440 : index
    %swap3A_191 = tpu.vector_load %arg7[%swap3A_190] {strides = array<i32>} : memref<2048xf32, #tpu.memory_space<vmem>>, vector<16xf32>,
    tpu.vector_store %arg7[%swap3A_190], %broadcast_in_dim3A_5 {strides = array<i32>} : memref<2048xf32, #tpu.memory_space<vmem>>, vector<16xf32>,
    %swap3A_192 = arith.constant 1456 : index
    %swap3A_193 = tpu.vector_load %arg7[%swap3A_192] {strides = array<i32>} : memref<2048xf32, #tpu.memory_space<vmem>>, vector<16xf32>,
    tpu.vector_store %arg7[%swap3A_192], %broadcast_in_dim3A_5 {strides = array<i32>} : memref<2048xf32, #tpu.memory_space<vmem>>, vector<16xf32>,
    %swap3A_194 = arith.constant 1472 : index
    %swap3A_195 = tpu.vector_load %arg7[%swap3A_194] {strides = array<i32>} : memref<2048xf32, #tpu.memory_space<vmem>>, vector<16xf32>,
    tpu.vector_store %arg7[%swap3A_194], %broadcast_in_dim3A_5 {strides = array<i32>} : memref<2048xf32, #tpu.memory_space<vmem>>, vector<16xf32>,
    %swap3A_196 = arith.constant 1488 : index
    %swap3A_197 = tpu.vector_load %arg7[%swap3A_196] {strides = array<i32>} : memref<2048xf32, #tpu.memory_space<vmem>>, vector<16xf32>,
    tpu.vector_store %arg7[%swap3A_196], %broadcast_in_dim3A_5 {strides = array<i32>} : memref<2048xf32, #tpu.memory_space<vmem>>, vector<16xf32>,
    %swap3A_198 = arith.constant 1504 : index
    %swap3A_199 = tpu.vector_load %arg7[%swap3A_198] {strides = array<i32>} : memref<2048xf32, #tpu.memory_space<vmem>>, vector<16xf32>,
    tpu.vector_store %arg7[%swap3A_198], %broadcast_in_dim3A_5 {strides = array<i32>} : memref<2048xf32, #tpu.memory_space<vmem>>, vector<16xf32>,
    %swap3A_200 = arith.constant 1520 : index
    %swap3A_201 = tpu.vector_load %arg7[%swap3A_200] {strides = array<i32>} : memref<2048xf32, #tpu.memory_space<vmem>>, vector<16xf32>,
    tpu.vector_store %arg7[%swap3A_200], %broadcast_in_dim3A_5 {strides = array<i32>} : memref<2048xf32, #tpu.memory_space<vmem>>, vector<16xf32>,
    %swap3A_202 = arith.constant 1536 : index
    %swap3A_203 = tpu.vector_load %arg7[%swap3A_202] {strides = array<i32>} : memref<2048xf32, #tpu.memory_space<vmem>>, vector<16xf32>,
    tpu.vector_store %arg7[%swap3A_202], %broadcast_in_dim3A_5 {strides = array<i32>} : memref<2048xf32, #tpu.memory_space<vmem>>, vector<16xf32>,
    %swap3A_204 = arith.constant 1552 : index
    %swap3A_205 = tpu.vector_load %arg7[%swap3A_204] {strides = array<i32>} : memref<2048xf32, #tpu.memory_space<vmem>>, vector<16xf32>,
    tpu.vector_store %arg7[%swap3A_204], %broadcast_in_dim3A_5 {strides = array<i32>} : memref<2048xf32, #tpu.memory_space<vmem>>, vector<16xf32>,
    %swap3A_206 = arith.constant 1568 : index
    %swap3A_207 = tpu.vector_load %arg7[%swap3A_206] {strides = array<i32>} : memref<2048xf32, #tpu.memory_space<vmem>>, vector<16xf32>,
    tpu.vector_store %arg7[%swap3A_206], %broadcast_in_dim3A_5 {strides = array<i32>} : memref<2048xf32, #tpu.memory_space<vmem>>, vector<16xf32>,
    %swap3A_208 = arith.constant 1584 : index
    %swap3A_209 = tpu.vector_load %arg7[%swap3A_208] {strides = array<i32>} : memref<2048xf32, #tpu.memory_space<vmem>>, vector<16xf32>,
    tpu.vector_store %arg7[%swap3A_208], %broadcast_in_dim3A_5 {strides = array<i32>} : memref<2048xf32, #tpu.memory_space<vmem>>, vector<16xf32>,
    %swap3A_210 = arith.constant 1600 : index
    %swap3A_211 = tpu.vector_load %arg7[%swap3A_210] {strides = array<i32>} : memref<2048xf32, #tpu.memory_space<vmem>>, vector<16xf32>,
    tpu.vector_store %arg7[%swap3A_210], %broadcast_in_dim3A_5 {strides = array<i32>} : memref<2048xf32, #tpu.memory_space<vmem>>, vector<16xf32>,
    %swap3A_212 = arith.constant 1616 : index
    %swap3A_213 = tpu.vector_load %arg7[%swap3A_212] {strides = array<i32>} : memref<2048xf32, #tpu.memory_space<vmem>>, vector<16xf32>,
    tpu.vector_store %arg7[%swap3A_212], %broadcast_in_dim3A_5 {strides = array<i32>} : memref<2048xf32, #tpu.memory_space<vmem>>, vector<16xf32>,
    %swap3A_214 = arith.constant 1632 : index
    %swap3A_215 = tpu.vector_load %arg7[%swap3A_214] {strides = array<i32>} : memref<2048xf32, #tpu.memory_space<vmem>>, vector<16xf32>,
    tpu.vector_store %arg7[%swap3A_214], %broadcast_in_dim3A_5 {strides = array<i32>} : memref<2048xf32, #tpu.memory_space<vmem>>, vector<16xf32>,
    %swap3A_216 = arith.constant 1648 : index
    %swap3A_217 = tpu.vector_load %arg7[%swap3A_216] {strides = array<i32>} : memref<2048xf32, #tpu.memory_space<vmem>>, vector<16xf32>,
    tpu.vector_store %arg7[%swap3A_216], %broadcast_in_dim3A_5 {strides = array<i32>} : memref<2048xf32, #tpu.memory_space<vmem>>, vector<16xf32>,
    %swap3A_218 = arith.constant 1664 : index
    %swap3A_219 = tpu.vector_load %arg7[%swap3A_218] {strides = array<i32>} : memref<2048xf32, #tpu.memory_space<vmem>>, vector<16xf32>,
    tpu.vector_store %arg7[%swap3A_218], %broadcast_in_dim3A_5 {strides = array<i32>} : memref<2048xf32, #tpu.memory_space<vmem>>, vector<16xf32>,
    %swap3A_220 = arith.constant 1680 : index
    %swap3A_221 = tpu.vector_load %arg7[%swap3A_220] {strides = array<i32>} : memref<2048xf32, #tpu.memory_space<vmem>>, vector<16xf32>,
    tpu.vector_store %arg7[%swap3A_220], %broadcast_in_dim3A_5 {strides = array<i32>} : memref<2048xf32, #tpu.memory_space<vmem>>, vector<16xf32>,
    %swap3A_222 = arith.constant 1696 : index
    %swap3A_223 = tpu.vector_load %arg7[%swap3A_222] {strides = array<i32>} : memref<2048xf32, #tpu.memory_space<vmem>>, vector<16xf32>,
    tpu.vector_store %arg7[%swap3A_222], %broadcast_in_dim3A_5 {strides = array<i32>} : memref<2048xf32, #tpu.memory_space<vmem>>, vector<16xf32>,
    %swap3A_224 = arith.constant 1712 : index
    %swap3A_225 = tpu.vector_load %arg7[%swap3A_224] {strides = array<i32>} : memref<2048xf32, #tpu.memory_space<vmem>>, vector<16xf32>,
    tpu.vector_store %arg7[%swap3A_224], %broadcast_in_dim3A_5 {strides = array<i32>} : memref<2048xf32, #tpu.memory_space<vmem>>, vector<16xf32>,
    %swap3A_226 = arith.constant 1728 : index
    %swap3A_227 = tpu.vector_load %arg7[%swap3A_226] {strides = array<i32>} : memref<2048xf32, #tpu.memory_space<vmem>>, vector<16xf32>,
    tpu.vector_store %arg7[%swap3A_226], %broadcast_in_dim3A_5 {strides = array<i32>} : memref<2048xf32, #tpu.memory_space<vmem>>, vector<16xf32>,
    %swap3A_228 = arith.constant 1744 : index
    %swap3A_229 = tpu.vector_load %arg7[%swap3A_228] {strides = array<i32>} : memref<2048xf32, #tpu.memory_space<vmem>>, vector<16xf32>,
    tpu.vector_store %arg7[%swap3A_228], %broadcast_in_dim3A_5 {strides = array<i32>} : memref<2048xf32, #tpu.memory_space<vmem>>, vector<16xf32>,
    %swap3A_230 = arith.constant 1760 : index
    %swap3A_231 = tpu.vector_load %arg7[%swap3A_230] {strides = array<i32>} : memref<2048xf32, #tpu.memory_space<vmem>>, vector<16xf32>,
    tpu.vector_store %arg7[%swap3A_230], %broadcast_in_dim3A_5 {strides = array<i32>} : memref<2048xf32, #tpu.memory_space<vmem>>, vector<16xf32>,
    %swap3A_232 = arith.constant 1776 : index
    %swap3A_233 = tpu.vector_load %arg7[%swap3A_232] {strides = array<i32>} : memref<2048xf32, #tpu.memory_space<vmem>>, vector<16xf32>,
    tpu.vector_store %arg7[%swap3A_232], %broadcast_in_dim3A_5 {strides = array<i32>} : memref<2048xf32, #tpu.memory_space<vmem>>, vector<16xf32>,
    %swap3A_234 = arith.constant 1792 : index
    %swap3A_235 = tpu.vector_load %arg7[%swap3A_234] {strides = array<i32>} : memref<2048xf32, #tpu.memory_space<vmem>>, vector<16xf32>,
    tpu.vector_store %arg7[%swap3A_234], %broadcast_in_dim3A_5 {strides = array<i32>} : memref<2048xf32, #tpu.memory_space<vmem>>, vector<16xf32>,
    %swap3A_236 = arith.constant 1808 : index
    %swap3A_237 = tpu.vector_load %arg7[%swap3A_236] {strides = array<i32>} : memref<2048xf32, #tpu.memory_space<vmem>>, vector<16xf32>,
    tpu.vector_store %arg7[%swap3A_236], %broadcast_in_dim3A_5 {strides = array<i32>} : memref<2048xf32, #tpu.memory_space<vmem>>, vector<16xf32>,
    %swap3A_238 = arith.constant 1824 : index
    %swap3A_239 = tpu.vector_load %arg7[%swap3A_238] {strides = array<i32>} : memref<2048xf32, #tpu.memory_space<vmem>>, vector<16xf32>,
    tpu.vector_store %arg7[%swap3A_238], %broadcast_in_dim3A_5 {strides = array<i32>} : memref<2048xf32, #tpu.memory_space<vmem>>, vector<16xf32>,
    %swap3A_240 = arith.constant 1840 : index
    %swap3A_241 = tpu.vector_load %arg7[%swap3A_240] {strides = array<i32>} : memref<2048xf32, #tpu.memory_space<vmem>>, vector<16xf32>,
    tpu.vector_store %arg7[%swap3A_240], %broadcast_in_dim3A_5 {strides = array<i32>} : memref<2048xf32, #tpu.memory_space<vmem>>, vector<16xf32>,
    %swap3A_242 = arith.constant 1856 : index
    %swap3A_243 = tpu.vector_load %arg7[%swap3A_242] {strides = array<i32>} : memref<2048xf32, #tpu.memory_space<vmem>>, vector<16xf32>,
    tpu.vector_store %arg7[%swap3A_242], %broadcast_in_dim3A_5 {strides = array<i32>} : memref<2048xf32, #tpu.memory_space<vmem>>, vector<16xf32>,
    %swap3A_244 = arith.constant 1872 : index
    %swap3A_245 = tpu.vector_load %arg7[%swap3A_244] {strides = array<i32>} : memref<2048xf32, #tpu.memory_space<vmem>>, vector<16xf32>,
    tpu.vector_store %arg7[%swap3A_244], %broadcast_in_dim3A_5 {strides = array<i32>} : memref<2048xf32, #tpu.memory_space<vmem>>, vector<16xf32>,
    %swap3A_246 = arith.constant 1888 : index
    %swap3A_247 = tpu.vector_load %arg7[%swap3A_246] {strides = array<i32>} : memref<2048xf32, #tpu.memory_space<vmem>>, vector<16xf32>,
    tpu.vector_store %arg7[%swap3A_246], %broadcast_in_dim3A_5 {strides = array<i32>} : memref<2048xf32, #tpu.memory_space<vmem>>, vector<16xf32>,
    %swap3A_248 = arith.constant 1904 : index
    %swap3A_249 = tpu.vector_load %arg7[%swap3A_248] {strides = array<i32>} : memref<2048xf32, #tpu.memory_space<vmem>>, vector<16xf32>,
    tpu.vector_store %arg7[%swap3A_248], %broadcast_in_dim3A_5 {strides = array<i32>} : memref<2048xf32, #tpu.memory_space<vmem>>, vector<16xf32>,
    %swap3A_250 = arith.constant 1920 : index
    %swap3A_251 = tpu.vector_load %arg7[%swap3A_250] {strides = array<i32>} : memref<2048xf32, #tpu.memory_space<vmem>>, vector<16xf32>,
    tpu.vector_store %arg7[%swap3A_250], %broadcast_in_dim3A_5 {strides = array<i32>} : memref<2048xf32, #tpu.memory_space<vmem>>, vector<16xf32>,
    %swap3A_252 = arith.constant 1936 : index
    %swap3A_253 = tpu.vector_load %arg7[%swap3A_252] {strides = array<i32>} : memref<2048xf32, #tpu.memory_space<vmem>>, vector<16xf32>,
    tpu.vector_store %arg7[%swap3A_252], %broadcast_in_dim3A_5 {strides = array<i32>} : memref<2048xf32, #tpu.memory_space<vmem>>, vector<16xf32>,
    %swap3A_254 = arith.constant 1952 : index
    %swap3A_255 = tpu.vector_load %arg7[%swap3A_254] {strides = array<i32>} : memref<2048xf32, #tpu.memory_space<vmem>>, vector<16xf32>,
    tpu.vector_store %arg7[%swap3A_254], %broadcast_in_dim3A_5 {strides = array<i32>} : memref<2048xf32, #tpu.memory_space<vmem>>, vector<16xf32>,
    %swap3A_256 = arith.constant 1968 : index
    %swap3A_257 = tpu.vector_load %arg7[%swap3A_256] {strides = array<i32>} : memref<2048xf32, #tpu.memory_space<vmem>>, vector<16xf32>,
    tpu.vector_store %arg7[%swap3A_256], %broadcast_in_dim3A_5 {strides = array<i32>} : memref<2048xf32, #tpu.memory_space<vmem>>, vector<16xf32>,
    %swap3A_258 = arith.constant 1984 : index
    %swap3A_259 = tpu.vector_load %arg7[%swap3A_258] {strides = array<i32>} : memref<2048xf32, #tpu.memory_space<vmem>>, vector<16xf32>,
    tpu.vector_store %arg7[%swap3A_258], %broadcast_in_dim3A_5 {strides = array<i32>} : memref<2048xf32, #tpu.memory_space<vmem>>, vector<16xf32>,
    %swap3A_260 = arith.constant 2000 : index
    %swap3A_261 = tpu.vector_load %arg7[%swap3A_260] {strides = array<i32>} : memref<2048xf32, #tpu.memory_space<vmem>>, vector<16xf32>,
    tpu.vector_store %arg7[%swap3A_260], %broadcast_in_dim3A_5 {strides = array<i32>} : memref<2048xf32, #tpu.memory_space<vmem>>, vector<16xf32>,
    %swap3A_262 = arith.constant 2016 : index
    %swap3A_263 = tpu.vector_load %arg7[%swap3A_262] {strides = array<i32>} : memref<2048xf32, #tpu.memory_space<vmem>>, vector<16xf32>,
    tpu.vector_store %arg7[%swap3A_262], %broadcast_in_dim3A_5 {strides = array<i32>} : memref<2048xf32, #tpu.memory_space<vmem>>, vector<16xf32>,
    %swap3A_264 = arith.constant 2032 : index
    %swap3A_265 = tpu.vector_load %arg7[%swap3A_264] {strides = array<i32>} : memref<2048xf32, #tpu.memory_space<vmem>>, vector<16xf32>,
    tpu.vector_store %arg7[%swap3A_264], %broadcast_in_dim3A_5 {strides = array<i32>} : memref<2048xf32, #tpu.memory_space<vmem>>, vector<16xf32>,
    %not3A = arith.constant true
    %not3A_266 = arith.xori %eq3A_9, %not3A : i1
    %convert_element_type3A = arith.extui %not3A_266 : i1 to i32
    %cond3A = arith.constant 0 : i32
    %cond3A_267 = arith.cmpi ne, %convert_element_type3A, %cond3A : i32
    scf.if %cond3A_267 {
      "tpu.region"() ({
        %run_scoped3A = tpu.sem_alloc : memref<!tpu.dma_semaphore, #tpu.memory_space<semaphore_mem>>
        %dma_start3A = tpu.memref_slice %arg2[%mul3A_2] : memref<500000xi32, #tpu.memory_space<hbm>> -> memref<15632xi32, #tpu.memory_space<hbm>>
        %dma_start3A_1337 = tpu.memref_slice %arg2[%mul3A_2] : memref<500000xi32, #tpu.memory_space<hbm>> -> memref<15632xi32, #tpu.memory_space<hbm>>
        tpu.enqueue_dma source(%dma_start3A_1337 : memref<15632xi32, #tpu.memory_space<hbm>>) target(%arg6 : memref<15632xi32, #tpu.memory_space<vmem>>) target_semaphore(%run_scoped3A : memref<!tpu.dma_semaphore, #tpu.memory_space<semaphore_mem>>)
        %dma_wait3A = tpu.memref_slice %arg2[%mul3A_2] : memref<500000xi32, #tpu.memory_space<hbm>> -> memref<15632xi32, #tpu.memory_space<hbm>>
        %dma_wait3A_1338 = tpu.memref_slice %arg2[%mul3A_2] : memref<500000xi32, #tpu.memory_space<hbm>> -> memref<15632xi32, #tpu.memory_space<hbm>>
        tpu.wait_dma2 semaphore(%run_scoped3A : memref<!tpu.dma_semaphore, #tpu.memory_space<semaphore_mem>>) src(%dma_wait3A_1338 : memref<15632xi32, #tpu.memory_space<hbm>>) dst(%arg6 : memref<15632xi32, #tpu.memory_space<vmem>>)
        tpu.yield
      }) : () -> ()
    } else {
    }
    %convert_element_type3A_268 = arith.extui %eq3A_9 : i1 to i32
    %cond3A_269 = arith.constant 0 : i32
    %cond3A_270 = arith.cmpi ne, %convert_element_type3A_268, %cond3A_269 : i32
    scf.if %cond3A_270 {
      "tpu.region"() ({
        %run_scoped3A = tpu.sem_alloc : memref<!tpu.dma_semaphore, #tpu.memory_space<semaphore_mem>>
        %dma_start3A = arith.constant 0 : i32
        %dma_start3A_1337 = tpu.memref_slice %arg6[%dma_start3A] : memref<15632xi32, #tpu.memory_space<vmem>> -> memref<15408xi32, #tpu.memory_space<vmem>>
        %dma_start3A_1338 = tpu.memref_slice %arg2[%mul3A_2] : memref<500000xi32, #tpu.memory_space<hbm>> -> memref<15408xi32, #tpu.memory_space<hbm>>
        %dma_start3A_1339 = arith.constant 0 : i32
        %dma_start3A_1340 = tpu.memref_slice %arg6[%dma_start3A_1339] : memref<15632xi32, #tpu.memory_space<vmem>> -> memref<15408xi32, #tpu.memory_space<vmem>>
        %dma_start3A_1341 = tpu.memref_slice %arg2[%mul3A_2] : memref<500000xi32, #tpu.memory_space<hbm>> -> memref<15408xi32, #tpu.memory_space<hbm>>
        tpu.enqueue_dma source(%dma_start3A_1341 : memref<15408xi32, #tpu.memory_space<hbm>>) target(%dma_start3A_1340 : memref<15408xi32, #tpu.memory_space<vmem>>) target_semaphore(%run_scoped3A : memref<!tpu.dma_semaphore, #tpu.memory_space<semaphore_mem>>)
        %dma_wait3A = arith.constant 0 : i32
        %dma_wait3A_1342 = tpu.memref_slice %arg6[%dma_wait3A] : memref<15632xi32, #tpu.memory_space<vmem>> -> memref<15408xi32, #tpu.memory_space<vmem>>
        %dma_wait3A_1343 = tpu.memref_slice %arg2[%mul3A_2] : memref<500000xi32, #tpu.memory_space<hbm>> -> memref<15408xi32, #tpu.memory_space<hbm>>
        %dma_wait3A_1344 = arith.constant 0 : i32
        %dma_wait3A_1345 = tpu.memref_slice %arg6[%dma_wait3A_1344] : memref<15632xi32, #tpu.memory_space<vmem>> -> memref<15408xi32, #tpu.memory_space<vmem>>
        %dma_wait3A_1346 = tpu.memref_slice %arg2[%mul3A_2] : memref<500000xi32, #tpu.memory_space<hbm>> -> memref<15408xi32, #tpu.memory_space<hbm>>
        tpu.wait_dma2 semaphore(%run_scoped3A : memref<!tpu.dma_semaphore, #tpu.memory_space<semaphore_mem>>) src(%dma_wait3A_1346 : memref<15408xi32, #tpu.memory_space<hbm>>) dst(%dma_wait3A_1345 : memref<15408xi32, #tpu.memory_space<vmem>>)
        tpu.yield
      }) : () -> ()
    } else {
    }
    %while3A = arith.constant 0 : i32
    %while3A_271 = arith.constant 0 : i32
    %while3A_272 = arith.subi %select_n3A, %while3A_271 : i32
    %while3A_273 = arith.addi %while3A_271, %while3A_272 : i32
    %while3A_274 = arith.constant 1 : i32
    %while3A_275 = arith.divsi %while3A_272, %while3A_274 : i32
    %while3A_276 = arith.muli %while3A_275, %while3A_274 : i32
    %while3A_277 = arith.addi %while3A_271, %while3A_276 : i32
    %while3A_278 = arith.constant 1 : i32
    scf.for %while3A_1337 = %while3A_271 to %while3A_277 step %while3A_278  : i32 {
      %mul3A_1338 = arith.constant 16 : i32
      %mul3A_1339 = arith.muli %while3A_1337, %mul3A_1338 : i32
      %get3A_1340 = arith.index_cast %mul3A_1339 : i32 to index
      %get3A_1341 = tpu.vector_load %arg6[%get3A_1340] {strides = array<i32>} : memref<15632xi32, #tpu.memory_space<vmem>>, vector<16xi32>,
      %add3A_1342 = arith.addi %mul3A_8, %get3A_1341 : vector<16xi32>
      tpu.vector_store_idx %arg7[%add3A_1342], %broadcast_in_dim3A_3 {add = true} : memref<2048xf32, #tpu.memory_space<vmem>>[vector<16xi32>], vector<16xf32>,
    }
    %while3A_279 = arith.constant 1 : i32
    scf.for %while3A_1337 = %while3A_277 to %while3A_273 step %while3A_279  : i32 {
      %mul3A_1338 = arith.constant 16 : i32
      %mul3A_1339 = arith.muli %while3A_1337, %mul3A_1338 : i32
      %get3A_1340 = arith.index_cast %mul3A_1339 : i32 to index
      %get3A_1341 = tpu.vector_load %arg6[%get3A_1340] {strides = array<i32>} : memref<15632xi32, #tpu.memory_space<vmem>>, vector<16xi32>,
      %add3A_1342 = arith.addi %mul3A_8, %get3A_1341 : vector<16xi32>
      tpu.vector_store_idx %arg7[%add3A_1342], %broadcast_in_dim3A_3 {add = true} : memref<2048xf32, #tpu.memory_space<vmem>>[vector<16xi32>], vector<16xf32>,
    }
    %get3A = arith.constant 0 : index
    %get3A_280 = tpu.vector_load %arg7[%get3A] {strides = array<i32>} : memref<2048xf32, #tpu.memory_space<vmem>>, vector<16xf32>,
    %get3A_281 = arith.constant 128 : index
    %get3A_282 = tpu.vector_load %arg7[%get3A_281] {strides = array<i32>} : memref<2048xf32, #tpu.memory_space<vmem>>, vector<16xf32>,
    %add3A_283 = arith.addf %get3A_280, %get3A_282 : vector<16xf32>
    %get3A_284 = arith.constant 256 : index
    %get3A_285 = tpu.vector_load %arg7[%get3A_284] {strides = array<i32>} : memref<2048xf32, #tpu.memory_space<vmem>>, vector<16xf32>,
    %add3A_286 = arith.addf %add3A_283, %get3A_285 : vector<16xf32>
    %get3A_287 = arith.constant 384 : index
    %get3A_288 = tpu.vector_load %arg7[%get3A_287] {strides = array<i32>} : memref<2048xf32, #tpu.memory_space<vmem>>, vector<16xf32>,
    %add3A_289 = arith.addf %add3A_286, %get3A_288 : vector<16xf32>
    %get3A_290 = arith.constant 512 : index
    %get3A_291 = tpu.vector_load %arg7[%get3A_290] {strides = array<i32>} : memref<2048xf32, #tpu.memory_space<vmem>>, vector<16xf32>,
    %add3A_292 = arith.addf %add3A_289, %get3A_291 : vector<16xf32>
    %get3A_293 = arith.constant 640 : index
    %get3A_294 = tpu.vector_load %arg7[%get3A_293] {strides = array<i32>} : memref<2048xf32, #tpu.memory_space<vmem>>, vector<16xf32>,
    %add3A_295 = arith.addf %add3A_292, %get3A_294 : vector<16xf32>
    %get3A_296 = arith.constant 768 : index
    %get3A_297 = tpu.vector_load %arg7[%get3A_296] {strides = array<i32>} : memref<2048xf32, #tpu.memory_space<vmem>>, vector<16xf32>,
    %add3A_298 = arith.addf %add3A_295, %get3A_297 : vector<16xf32>
    %get3A_299 = arith.constant 896 : index
    %get3A_300 = tpu.vector_load %arg7[%get3A_299] {strides = array<i32>} : memref<2048xf32, #tpu.memory_space<vmem>>, vector<16xf32>,
    %add3A_301 = arith.addf %add3A_298, %get3A_300 : vector<16xf32>
    %get3A_302 = arith.constant 1024 : index
    %get3A_303 = tpu.vector_load %arg7[%get3A_302] {strides = array<i32>} : memref<2048xf32, #tpu.memory_space<vmem>>, vector<16xf32>,
    %add3A_304 = arith.addf %add3A_301, %get3A_303 : vector<16xf32>
    %get3A_305 = arith.constant 1152 : index
    %get3A_306 = tpu.vector_load %arg7[%get3A_305] {strides = array<i32>} : memref<2048xf32, #tpu.memory_space<vmem>>, vector<16xf32>,
    %add3A_307 = arith.addf %add3A_304, %get3A_306 : vector<16xf32>
    %get3A_308 = arith.constant 1280 : index
    %get3A_309 = tpu.vector_load %arg7[%get3A_308] {strides = array<i32>} : memref<2048xf32, #tpu.memory_space<vmem>>, vector<16xf32>,
    %add3A_310 = arith.addf %add3A_307, %get3A_309 : vector<16xf32>
    %get3A_311 = arith.constant 1408 : index
    %get3A_312 = tpu.vector_load %arg7[%get3A_311] {strides = array<i32>} : memref<2048xf32, #tpu.memory_space<vmem>>, vector<16xf32>,
    %add3A_313 = arith.addf %add3A_310, %get3A_312 : vector<16xf32>
    %get3A_314 = arith.constant 1536 : index
    %get3A_315 = tpu.vector_load %arg7[%get3A_314] {strides = array<i32>} : memref<2048xf32, #tpu.memory_space<vmem>>, vector<16xf32>,
    %add3A_316 = arith.addf %add3A_313, %get3A_315 : vector<16xf32>
    %get3A_317 = arith.constant 1664 : index
    %get3A_318 = tpu.vector_load %arg7[%get3A_317] {strides = array<i32>} : memref<2048xf32, #tpu.memory_space<vmem>>, vector<16xf32>,
    %add3A_319 = arith.addf %add3A_316, %get3A_318 : vector<16xf32>
    %get3A_320 = arith.constant 1792 : index
    %get3A_321 = tpu.vector_load %arg7[%get3A_320] {strides = array<i32>} : memref<2048xf32, #tpu.memory_space<vmem>>, vector<16xf32>,
    %add3A_322 = arith.addf %add3A_319, %get3A_321 : vector<16xf32>
    %get3A_323 = arith.constant 1920 : index
    %get3A_324 = tpu.vector_load %arg7[%get3A_323] {strides = array<i32>} : memref<2048xf32, #tpu.memory_space<vmem>>, vector<16xf32>,
    %add3A_325 = arith.addf %add3A_322, %get3A_324 : vector<16xf32>
    %swap3A_326 = arith.constant 0 : index
    %swap3A_327 = tpu.vector_load %arg8[%swap3A_326] {strides = array<i32>} : memref<128xf32, #tpu.memory_space<vmem>>, vector<16xf32>,
    tpu.vector_store %arg8[%swap3A_326], %add3A_325 {strides = array<i32>} : memref<128xf32, #tpu.memory_space<vmem>>, vector<16xf32>,
    %get3A_328 = arith.constant 16 : index
    %get3A_329 = tpu.vector_load %arg7[%get3A_328] {strides = array<i32>} : memref<2048xf32, #tpu.memory_space<vmem>>, vector<16xf32>,
    %get3A_330 = arith.constant 144 : index
    %get3A_331 = tpu.vector_load %arg7[%get3A_330] {strides = array<i32>} : memref<2048xf32, #tpu.memory_space<vmem>>, vector<16xf32>,
    %add3A_332 = arith.addf %get3A_329, %get3A_331 : vector<16xf32>
    %get3A_333 = arith.constant 272 : index
    %get3A_334 = tpu.vector_load %arg7[%get3A_333] {strides = array<i32>} : memref<2048xf32, #tpu.memory_space<vmem>>, vector<16xf32>,
    %add3A_335 = arith.addf %add3A_332, %get3A_334 : vector<16xf32>
    %get3A_336 = arith.constant 400 : index
    %get3A_337 = tpu.vector_load %arg7[%get3A_336] {strides = array<i32>} : memref<2048xf32, #tpu.memory_space<vmem>>, vector<16xf32>,
    %add3A_338 = arith.addf %add3A_335, %get3A_337 : vector<16xf32>
    %get3A_339 = arith.constant 528 : index
    %get3A_340 = tpu.vector_load %arg7[%get3A_339] {strides = array<i32>} : memref<2048xf32, #tpu.memory_space<vmem>>, vector<16xf32>,
    %add3A_341 = arith.addf %add3A_338, %get3A_340 : vector<16xf32>
    %get3A_342 = arith.constant 656 : index
    %get3A_343 = tpu.vector_load %arg7[%get3A_342] {strides = array<i32>} : memref<2048xf32, #tpu.memory_space<vmem>>, vector<16xf32>,
    %add3A_344 = arith.addf %add3A_341, %get3A_343 : vector<16xf32>
    %get3A_345 = arith.constant 784 : index
    %get3A_346 = tpu.vector_load %arg7[%get3A_345] {strides = array<i32>} : memref<2048xf32, #tpu.memory_space<vmem>>, vector<16xf32>,
    %add3A_347 = arith.addf %add3A_344, %get3A_346 : vector<16xf32>
    %get3A_348 = arith.constant 912 : index
    %get3A_349 = tpu.vector_load %arg7[%get3A_348] {strides = array<i32>} : memref<2048xf32, #tpu.memory_space<vmem>>, vector<16xf32>,
    %add3A_350 = arith.addf %add3A_347, %get3A_349 : vector<16xf32>
    %get3A_351 = arith.constant 1040 : index
    %get3A_352 = tpu.vector_load %arg7[%get3A_351] {strides = array<i32>} : memref<2048xf32, #tpu.memory_space<vmem>>, vector<16xf32>,
    %add3A_353 = arith.addf %add3A_350, %get3A_352 : vector<16xf32>
    %get3A_354 = arith.constant 1168 : index
    %get3A_355 = tpu.vector_load %arg7[%get3A_354] {strides = array<i32>} : memref<2048xf32, #tpu.memory_space<vmem>>, vector<16xf32>,
    %add3A_356 = arith.addf %add3A_353, %get3A_355 : vector<16xf32>
    %get3A_357 = arith.constant 1296 : index
    %get3A_358 = tpu.vector_load %arg7[%get3A_357] {strides = array<i32>} : memref<2048xf32, #tpu.memory_space<vmem>>, vector<16xf32>,
    %add3A_359 = arith.addf %add3A_356, %get3A_358 : vector<16xf32>
    %get3A_360 = arith.constant 1424 : index
    %get3A_361 = tpu.vector_load %arg7[%get3A_360] {strides = array<i32>} : memref<2048xf32, #tpu.memory_space<vmem>>, vector<16xf32>,
    %add3A_362 = arith.addf %add3A_359, %get3A_361 : vector<16xf32>
    %get3A_363 = arith.constant 1552 : index
    %get3A_364 = tpu.vector_load %arg7[%get3A_363] {strides = array<i32>} : memref<2048xf32, #tpu.memory_space<vmem>>, vector<16xf32>,
    %add3A_365 = arith.addf %add3A_362, %get3A_364 : vector<16xf32>
    %get3A_366 = arith.constant 1680 : index
    %get3A_367 = tpu.vector_load %arg7[%get3A_366] {strides = array<i32>} : memref<2048xf32, #tpu.memory_space<vmem>>, vector<16xf32>,
    %add3A_368 = arith.addf %add3A_365, %get3A_367 : vector<16xf32>
    %get3A_369 = arith.constant 1808 : index
    %get3A_370 = tpu.vector_load %arg7[%get3A_369] {strides = array<i32>} : memref<2048xf32, #tpu.memory_space<vmem>>, vector<16xf32>,
    %add3A_371 = arith.addf %add3A_368, %get3A_370 : vector<16xf32>
    %get3A_372 = arith.constant 1936 : index
    %get3A_373 = tpu.vector_load %arg7[%get3A_372] {strides = array<i32>} : memref<2048xf32, #tpu.memory_space<vmem>>, vector<16xf32>,
    %add3A_374 = arith.addf %add3A_371, %get3A_373 : vector<16xf32>
    %swap3A_375 = arith.constant 16 : index
    %swap3A_376 = tpu.vector_load %arg8[%swap3A_375] {strides = array<i32>} : memref<128xf32, #tpu.memory_space<vmem>>, vector<16xf32>,
    tpu.vector_store %arg8[%swap3A_375], %add3A_374 {strides = array<i32>} : memref<128xf32, #tpu.memory_space<vmem>>, vector<16xf32>,
    %get3A_377 = arith.constant 32 : index
    %get3A_378 = tpu.vector_load %arg7[%get3A_377] {strides = array<i32>} : memref<2048xf32, #tpu.memory_space<vmem>>, vector<16xf32>,
    %get3A_379 = arith.constant 160 : index
    %get3A_380 = tpu.vector_load %arg7[%get3A_379] {strides = array<i32>} : memref<2048xf32, #tpu.memory_space<vmem>>, vector<16xf32>,
    %add3A_381 = arith.addf %get3A_378, %get3A_380 : vector<16xf32>
    %get3A_382 = arith.constant 288 : index
    %get3A_383 = tpu.vector_load %arg7[%get3A_382] {strides = array<i32>} : memref<2048xf32, #tpu.memory_space<vmem>>, vector<16xf32>,
    %add3A_384 = arith.addf %add3A_381, %get3A_383 : vector<16xf32>
    %get3A_385 = arith.constant 416 : index
    %get3A_386 = tpu.vector_load %arg7[%get3A_385] {strides = array<i32>} : memref<2048xf32, #tpu.memory_space<vmem>>, vector<16xf32>,
    %add3A_387 = arith.addf %add3A_384, %get3A_386 : vector<16xf32>
    %get3A_388 = arith.constant 544 : index
    %get3A_389 = tpu.vector_load %arg7[%get3A_388] {strides = array<i32>} : memref<2048xf32, #tpu.memory_space<vmem>>, vector<16xf32>,
    %add3A_390 = arith.addf %add3A_387, %get3A_389 : vector<16xf32>
    %get3A_391 = arith.constant 672 : index
    %get3A_392 = tpu.vector_load %arg7[%get3A_391] {strides = array<i32>} : memref<2048xf32, #tpu.memory_space<vmem>>, vector<16xf32>,
    %add3A_393 = arith.addf %add3A_390, %get3A_392 : vector<16xf32>
    %get3A_394 = arith.constant 800 : index
    %get3A_395 = tpu.vector_load %arg7[%get3A_394] {strides = array<i32>} : memref<2048xf32, #tpu.memory_space<vmem>>, vector<16xf32>,
    %add3A_396 = arith.addf %add3A_393, %get3A_395 : vector<16xf32>
    %get3A_397 = arith.constant 928 : index
    %get3A_398 = tpu.vector_load %arg7[%get3A_397] {strides = array<i32>} : memref<2048xf32, #tpu.memory_space<vmem>>, vector<16xf32>,
    %add3A_399 = arith.addf %add3A_396, %get3A_398 : vector<16xf32>
    %get3A_400 = arith.constant 1056 : index
    %get3A_401 = tpu.vector_load %arg7[%get3A_400] {strides = array<i32>} : memref<2048xf32, #tpu.memory_space<vmem>>, vector<16xf32>,
    %add3A_402 = arith.addf %add3A_399, %get3A_401 : vector<16xf32>
    %get3A_403 = arith.constant 1184 : index
    %get3A_404 = tpu.vector_load %arg7[%get3A_403] {strides = array<i32>} : memref<2048xf32, #tpu.memory_space<vmem>>, vector<16xf32>,
    %add3A_405 = arith.addf %add3A_402, %get3A_404 : vector<16xf32>
    %get3A_406 = arith.constant 1312 : index
    %get3A_407 = tpu.vector_load %arg7[%get3A_406] {strides = array<i32>} : memref<2048xf32, #tpu.memory_space<vmem>>, vector<16xf32>,
    %add3A_408 = arith.addf %add3A_405, %get3A_407 : vector<16xf32>
    %get3A_409 = arith.constant 1440 : index
    %get3A_410 = tpu.vector_load %arg7[%get3A_409] {strides = array<i32>} : memref<2048xf32, #tpu.memory_space<vmem>>, vector<16xf32>,
    %add3A_411 = arith.addf %add3A_408, %get3A_410 : vector<16xf32>
    %get3A_412 = arith.constant 1568 : index
    %get3A_413 = tpu.vector_load %arg7[%get3A_412] {strides = array<i32>} : memref<2048xf32, #tpu.memory_space<vmem>>, vector<16xf32>,
    %add3A_414 = arith.addf %add3A_411, %get3A_413 : vector<16xf32>
    %get3A_415 = arith.constant 1696 : index
    %get3A_416 = tpu.vector_load %arg7[%get3A_415] {strides = array<i32>} : memref<2048xf32, #tpu.memory_space<vmem>>, vector<16xf32>,
    %add3A_417 = arith.addf %add3A_414, %get3A_416 : vector<16xf32>
    %get3A_418 = arith.constant 1824 : index
    %get3A_419 = tpu.vector_load %arg7[%get3A_418] {strides = array<i32>} : memref<2048xf32, #tpu.memory_space<vmem>>, vector<16xf32>,
    %add3A_420 = arith.addf %add3A_417, %get3A_419 : vector<16xf32>
    %get3A_421 = arith.constant 1952 : index
    %get3A_422 = tpu.vector_load %arg7[%get3A_421] {strides = array<i32>} : memref<2048xf32, #tpu.memory_space<vmem>>, vector<16xf32>,
    %add3A_423 = arith.addf %add3A_420, %get3A_422 : vector<16xf32>
    %swap3A_424 = arith.constant 32 : index
    %swap3A_425 = tpu.vector_load %arg8[%swap3A_424] {strides = array<i32>} : memref<128xf32, #tpu.memory_space<vmem>>, vector<16xf32>,
    tpu.vector_store %arg8[%swap3A_424], %add3A_423 {strides = array<i32>} : memref<128xf32, #tpu.memory_space<vmem>>, vector<16xf32>,
    %get3A_426 = arith.constant 48 : index
    %get3A_427 = tpu.vector_load %arg7[%get3A_426] {strides = array<i32>} : memref<2048xf32, #tpu.memory_space<vmem>>, vector<16xf32>,
    %get3A_428 = arith.constant 176 : index
    %get3A_429 = tpu.vector_load %arg7[%get3A_428] {strides = array<i32>} : memref<2048xf32, #tpu.memory_space<vmem>>, vector<16xf32>,
    %add3A_430 = arith.addf %get3A_427, %get3A_429 : vector<16xf32>
    %get3A_431 = arith.constant 304 : index
    %get3A_432 = tpu.vector_load %arg7[%get3A_431] {strides = array<i32>} : memref<2048xf32, #tpu.memory_space<vmem>>, vector<16xf32>,
    %add3A_433 = arith.addf %add3A_430, %get3A_432 : vector<16xf32>
    %get3A_434 = arith.constant 432 : index
    %get3A_435 = tpu.vector_load %arg7[%get3A_434] {strides = array<i32>} : memref<2048xf32, #tpu.memory_space<vmem>>, vector<16xf32>,
    %add3A_436 = arith.addf %add3A_433, %get3A_435 : vector<16xf32>
    %get3A_437 = arith.constant 560 : index
    %get3A_438 = tpu.vector_load %arg7[%get3A_437] {strides = array<i32>} : memref<2048xf32, #tpu.memory_space<vmem>>, vector<16xf32>,
    %add3A_439 = arith.addf %add3A_436, %get3A_438 : vector<16xf32>
    %get3A_440 = arith.constant 688 : index
    %get3A_441 = tpu.vector_load %arg7[%get3A_440] {strides = array<i32>} : memref<2048xf32, #tpu.memory_space<vmem>>, vector<16xf32>,
    %add3A_442 = arith.addf %add3A_439, %get3A_441 : vector<16xf32>
    %get3A_443 = arith.constant 816 : index
    %get3A_444 = tpu.vector_load %arg7[%get3A_443] {strides = array<i32>} : memref<2048xf32, #tpu.memory_space<vmem>>, vector<16xf32>,
    %add3A_445 = arith.addf %add3A_442, %get3A_444 : vector<16xf32>
    %get3A_446 = arith.constant 944 : index
    %get3A_447 = tpu.vector_load %arg7[%get3A_446] {strides = array<i32>} : memref<2048xf32, #tpu.memory_space<vmem>>, vector<16xf32>,
    %add3A_448 = arith.addf %add3A_445, %get3A_447 : vector<16xf32>
    %get3A_449 = arith.constant 1072 : index
    %get3A_450 = tpu.vector_load %arg7[%get3A_449] {strides = array<i32>} : memref<2048xf32, #tpu.memory_space<vmem>>, vector<16xf32>,
    %add3A_451 = arith.addf %add3A_448, %get3A_450 : vector<16xf32>
    %get3A_452 = arith.constant 1200 : index
    %get3A_453 = tpu.vector_load %arg7[%get3A_452] {strides = array<i32>} : memref<2048xf32, #tpu.memory_space<vmem>>, vector<16xf32>,
    %add3A_454 = arith.addf %add3A_451, %get3A_453 : vector<16xf32>
    %get3A_455 = arith.constant 1328 : index
    %get3A_456 = tpu.vector_load %arg7[%get3A_455] {strides = array<i32>} : memref<2048xf32, #tpu.memory_space<vmem>>, vector<16xf32>,
    %add3A_457 = arith.addf %add3A_454, %get3A_456 : vector<16xf32>
    %get3A_458 = arith.constant 1456 : index
    %get3A_459 = tpu.vector_load %arg7[%get3A_458] {strides = array<i32>} : memref<2048xf32, #tpu.memory_space<vmem>>, vector<16xf32>,
    %add3A_460 = arith.addf %add3A_457, %get3A_459 : vector<16xf32>
    %get3A_461 = arith.constant 1584 : index
    %get3A_462 = tpu.vector_load %arg7[%get3A_461] {strides = array<i32>} : memref<2048xf32, #tpu.memory_space<vmem>>, vector<16xf32>,
    %add3A_463 = arith.addf %add3A_460, %get3A_462 : vector<16xf32>
    %get3A_464 = arith.constant 1712 : index
    %get3A_465 = tpu.vector_load %arg7[%get3A_464] {strides = array<i32>} : memref<2048xf32, #tpu.memory_space<vmem>>, vector<16xf32>,
    %add3A_466 = arith.addf %add3A_463, %get3A_465 : vector<16xf32>
    %get3A_467 = arith.constant 1840 : index
    %get3A_468 = tpu.vector_load %arg7[%get3A_467] {strides = array<i32>} : memref<2048xf32, #tpu.memory_space<vmem>>, vector<16xf32>,
    %add3A_469 = arith.addf %add3A_466, %get3A_468 : vector<16xf32>
    %get3A_470 = arith.constant 1968 : index
    %get3A_471 = tpu.vector_load %arg7[%get3A_470] {strides = array<i32>} : memref<2048xf32, #tpu.memory_space<vmem>>, vector<16xf32>,
    %add3A_472 = arith.addf %add3A_469, %get3A_471 : vector<16xf32>
    %swap3A_473 = arith.constant 48 : index
    %swap3A_474 = tpu.vector_load %arg8[%swap3A_473] {strides = array<i32>} : memref<128xf32, #tpu.memory_space<vmem>>, vector<16xf32>,
    tpu.vector_store %arg8[%swap3A_473], %add3A_472 {strides = array<i32>} : memref<128xf32, #tpu.memory_space<vmem>>, vector<16xf32>,
    %get3A_475 = arith.constant 64 : index
    %get3A_476 = tpu.vector_load %arg7[%get3A_475] {strides = array<i32>} : memref<2048xf32, #tpu.memory_space<vmem>>, vector<16xf32>,
    %get3A_477 = arith.constant 192 : index
    %get3A_478 = tpu.vector_load %arg7[%get3A_477] {strides = array<i32>} : memref<2048xf32, #tpu.memory_space<vmem>>, vector<16xf32>,
    %add3A_479 = arith.addf %get3A_476, %get3A_478 : vector<16xf32>
    %get3A_480 = arith.constant 320 : index
    %get3A_481 = tpu.vector_load %arg7[%get3A_480] {strides = array<i32>} : memref<2048xf32, #tpu.memory_space<vmem>>, vector<16xf32>,
    %add3A_482 = arith.addf %add3A_479, %get3A_481 : vector<16xf32>
    %get3A_483 = arith.constant 448 : index
    %get3A_484 = tpu.vector_load %arg7[%get3A_483] {strides = array<i32>} : memref<2048xf32, #tpu.memory_space<vmem>>, vector<16xf32>,
    %add3A_485 = arith.addf %add3A_482, %get3A_484 : vector<16xf32>
    %get3A_486 = arith.constant 576 : index
    %get3A_487 = tpu.vector_load %arg7[%get3A_486] {strides = array<i32>} : memref<2048xf32, #tpu.memory_space<vmem>>, vector<16xf32>,
    %add3A_488 = arith.addf %add3A_485, %get3A_487 : vector<16xf32>
    %get3A_489 = arith.constant 704 : index
    %get3A_490 = tpu.vector_load %arg7[%get3A_489] {strides = array<i32>} : memref<2048xf32, #tpu.memory_space<vmem>>, vector<16xf32>,
    %add3A_491 = arith.addf %add3A_488, %get3A_490 : vector<16xf32>
    %get3A_492 = arith.constant 832 : index
    %get3A_493 = tpu.vector_load %arg7[%get3A_492] {strides = array<i32>} : memref<2048xf32, #tpu.memory_space<vmem>>, vector<16xf32>,
    %add3A_494 = arith.addf %add3A_491, %get3A_493 : vector<16xf32>
    %get3A_495 = arith.constant 960 : index
    %get3A_496 = tpu.vector_load %arg7[%get3A_495] {strides = array<i32>} : memref<2048xf32, #tpu.memory_space<vmem>>, vector<16xf32>,
    %add3A_497 = arith.addf %add3A_494, %get3A_496 : vector<16xf32>
    %get3A_498 = arith.constant 1088 : index
    %get3A_499 = tpu.vector_load %arg7[%get3A_498] {strides = array<i32>} : memref<2048xf32, #tpu.memory_space<vmem>>, vector<16xf32>,
    %add3A_500 = arith.addf %add3A_497, %get3A_499 : vector<16xf32>
    %get3A_501 = arith.constant 1216 : index
    %get3A_502 = tpu.vector_load %arg7[%get3A_501] {strides = array<i32>} : memref<2048xf32, #tpu.memory_space<vmem>>, vector<16xf32>,
    %add3A_503 = arith.addf %add3A_500, %get3A_502 : vector<16xf32>
    %get3A_504 = arith.constant 1344 : index
    %get3A_505 = tpu.vector_load %arg7[%get3A_504] {strides = array<i32>} : memref<2048xf32, #tpu.memory_space<vmem>>, vector<16xf32>,
    %add3A_506 = arith.addf %add3A_503, %get3A_505 : vector<16xf32>
    %get3A_507 = arith.constant 1472 : index
    %get3A_508 = tpu.vector_load %arg7[%get3A_507] {strides = array<i32>} : memref<2048xf32, #tpu.memory_space<vmem>>, vector<16xf32>,
    %add3A_509 = arith.addf %add3A_506, %get3A_508 : vector<16xf32>
    %get3A_510 = arith.constant 1600 : index
    %get3A_511 = tpu.vector_load %arg7[%get3A_510] {strides = array<i32>} : memref<2048xf32, #tpu.memory_space<vmem>>, vector<16xf32>,
    %add3A_512 = arith.addf %add3A_509, %get3A_511 : vector<16xf32>
    %get3A_513 = arith.constant 1728 : index
    %get3A_514 = tpu.vector_load %arg7[%get3A_513] {strides = array<i32>} : memref<2048xf32, #tpu.memory_space<vmem>>, vector<16xf32>,
    %add3A_515 = arith.addf %add3A_512, %get3A_514 : vector<16xf32>
    %get3A_516 = arith.constant 1856 : index
    %get3A_517 = tpu.vector_load %arg7[%get3A_516] {strides = array<i32>} : memref<2048xf32, #tpu.memory_space<vmem>>, vector<16xf32>,
    %add3A_518 = arith.addf %add3A_515, %get3A_517 : vector<16xf32>
    %get3A_519 = arith.constant 1984 : index
    %get3A_520 = tpu.vector_load %arg7[%get3A_519] {strides = array<i32>} : memref<2048xf32, #tpu.memory_space<vmem>>, vector<16xf32>,
    %add3A_521 = arith.addf %add3A_518, %get3A_520 : vector<16xf32>
    %swap3A_522 = arith.constant 64 : index
    %swap3A_523 = tpu.vector_load %arg8[%swap3A_522] {strides = array<i32>} : memref<128xf32, #tpu.memory_space<vmem>>, vector<16xf32>,
    tpu.vector_store %arg8[%swap3A_522], %add3A_521 {strides = array<i32>} : memref<128xf32, #tpu.memory_space<vmem>>, vector<16xf32>,
    %get3A_524 = arith.constant 80 : index
    %get3A_525 = tpu.vector_load %arg7[%get3A_524] {strides = array<i32>} : memref<2048xf32, #tpu.memory_space<vmem>>, vector<16xf32>,
    %get3A_526 = arith.constant 208 : index
    %get3A_527 = tpu.vector_load %arg7[%get3A_526] {strides = array<i32>} : memref<2048xf32, #tpu.memory_space<vmem>>, vector<16xf32>,
    %add3A_528 = arith.addf %get3A_525, %get3A_527 : vector<16xf32>
    %get3A_529 = arith.constant 336 : index
    %get3A_530 = tpu.vector_load %arg7[%get3A_529] {strides = array<i32>} : memref<2048xf32, #tpu.memory_space<vmem>>, vector<16xf32>,
    %add3A_531 = arith.addf %add3A_528, %get3A_530 : vector<16xf32>
    %get3A_532 = arith.constant 464 : index
    %get3A_533 = tpu.vector_load %arg7[%get3A_532] {strides = array<i32>} : memref<2048xf32, #tpu.memory_space<vmem>>, vector<16xf32>,
    %add3A_534 = arith.addf %add3A_531, %get3A_533 : vector<16xf32>
    %get3A_535 = arith.constant 592 : index
    %get3A_536 = tpu.vector_load %arg7[%get3A_535] {strides = array<i32>} : memref<2048xf32, #tpu.memory_space<vmem>>, vector<16xf32>,
    %add3A_537 = arith.addf %add3A_534, %get3A_536 : vector<16xf32>
    %get3A_538 = arith.constant 720 : index
    %get3A_539 = tpu.vector_load %arg7[%get3A_538] {strides = array<i32>} : memref<2048xf32, #tpu.memory_space<vmem>>, vector<16xf32>,
    %add3A_540 = arith.addf %add3A_537, %get3A_539 : vector<16xf32>
    %get3A_541 = arith.constant 848 : index
    %get3A_542 = tpu.vector_load %arg7[%get3A_541] {strides = array<i32>} : memref<2048xf32, #tpu.memory_space<vmem>>, vector<16xf32>,
    %add3A_543 = arith.addf %add3A_540, %get3A_542 : vector<16xf32>
    %get3A_544 = arith.constant 976 : index
    %get3A_545 = tpu.vector_load %arg7[%get3A_544] {strides = array<i32>} : memref<2048xf32, #tpu.memory_space<vmem>>, vector<16xf32>,
    %add3A_546 = arith.addf %add3A_543, %get3A_545 : vector<16xf32>
    %get3A_547 = arith.constant 1104 : index
    %get3A_548 = tpu.vector_load %arg7[%get3A_547] {strides = array<i32>} : memref<2048xf32, #tpu.memory_space<vmem>>, vector<16xf32>,
    %add3A_549 = arith.addf %add3A_546, %get3A_548 : vector<16xf32>
    %get3A_550 = arith.constant 1232 : index
    %get3A_551 = tpu.vector_load %arg7[%get3A_550] {strides = array<i32>} : memref<2048xf32, #tpu.memory_space<vmem>>, vector<16xf32>,
    %add3A_552 = arith.addf %add3A_549, %get3A_551 : vector<16xf32>
    %get3A_553 = arith.constant 1360 : index
    %get3A_554 = tpu.vector_load %arg7[%get3A_553] {strides = array<i32>} : memref<2048xf32, #tpu.memory_space<vmem>>, vector<16xf32>,
    %add3A_555 = arith.addf %add3A_552, %get3A_554 : vector<16xf32>
    %get3A_556 = arith.constant 1488 : index
    %get3A_557 = tpu.vector_load %arg7[%get3A_556] {strides = array<i32>} : memref<2048xf32, #tpu.memory_space<vmem>>, vector<16xf32>,
    %add3A_558 = arith.addf %add3A_555, %get3A_557 : vector<16xf32>
    %get3A_559 = arith.constant 1616 : index
    %get3A_560 = tpu.vector_load %arg7[%get3A_559] {strides = array<i32>} : memref<2048xf32, #tpu.memory_space<vmem>>, vector<16xf32>,
    %add3A_561 = arith.addf %add3A_558, %get3A_560 : vector<16xf32>
    %get3A_562 = arith.constant 1744 : index
    %get3A_563 = tpu.vector_load %arg7[%get3A_562] {strides = array<i32>} : memref<2048xf32, #tpu.memory_space<vmem>>, vector<16xf32>,
    %add3A_564 = arith.addf %add3A_561, %get3A_563 : vector<16xf32>
    %get3A_565 = arith.constant 1872 : index
    %get3A_566 = tpu.vector_load %arg7[%get3A_565] {strides = array<i32>} : memref<2048xf32, #tpu.memory_space<vmem>>, vector<16xf32>,
    %add3A_567 = arith.addf %add3A_564, %get3A_566 : vector<16xf32>
    %get3A_568 = arith.constant 2000 : index
    %get3A_569 = tpu.vector_load %arg7[%get3A_568] {strides = array<i32>} : memref<2048xf32, #tpu.memory_space<vmem>>, vector<16xf32>,
    %add3A_570 = arith.addf %add3A_567, %get3A_569 : vector<16xf32>
    %swap3A_571 = arith.constant 80 : index
    %swap3A_572 = tpu.vector_load %arg8[%swap3A_571] {strides = array<i32>} : memref<128xf32, #tpu.memory_space<vmem>>, vector<16xf32>,
    tpu.vector_store %arg8[%swap3A_571], %add3A_570 {strides = array<i32>} : memref<128xf32, #tpu.memory_space<vmem>>, vector<16xf32>,
    %get3A_573 = arith.constant 96 : index
    %get3A_574 = tpu.vector_load %arg7[%get3A_573] {strides = array<i32>} : memref<2048xf32, #tpu.memory_space<vmem>>, vector<16xf32>,
    %get3A_575 = arith.constant 224 : index
    %get3A_576 = tpu.vector_load %arg7[%get3A_575] {strides = array<i32>} : memref<2048xf32, #tpu.memory_space<vmem>>, vector<16xf32>,
    %add3A_577 = arith.addf %get3A_574, %get3A_576 : vector<16xf32>
    %get3A_578 = arith.constant 352 : index
    %get3A_579 = tpu.vector_load %arg7[%get3A_578] {strides = array<i32>} : memref<2048xf32, #tpu.memory_space<vmem>>, vector<16xf32>,
    %add3A_580 = arith.addf %add3A_577, %get3A_579 : vector<16xf32>
    %get3A_581 = arith.constant 480 : index
    %get3A_582 = tpu.vector_load %arg7[%get3A_581] {strides = array<i32>} : memref<2048xf32, #tpu.memory_space<vmem>>, vector<16xf32>,
    %add3A_583 = arith.addf %add3A_580, %get3A_582 : vector<16xf32>
    %get3A_584 = arith.constant 608 : index
    %get3A_585 = tpu.vector_load %arg7[%get3A_584] {strides = array<i32>} : memref<2048xf32, #tpu.memory_space<vmem>>, vector<16xf32>,
    %add3A_586 = arith.addf %add3A_583, %get3A_585 : vector<16xf32>
    %get3A_587 = arith.constant 736 : index
    %get3A_588 = tpu.vector_load %arg7[%get3A_587] {strides = array<i32>} : memref<2048xf32, #tpu.memory_space<vmem>>, vector<16xf32>,
    %add3A_589 = arith.addf %add3A_586, %get3A_588 : vector<16xf32>
    %get3A_590 = arith.constant 864 : index
    %get3A_591 = tpu.vector_load %arg7[%get3A_590] {strides = array<i32>} : memref<2048xf32, #tpu.memory_space<vmem>>, vector<16xf32>,
    %add3A_592 = arith.addf %add3A_589, %get3A_591 : vector<16xf32>
    %get3A_593 = arith.constant 992 : index
    %get3A_594 = tpu.vector_load %arg7[%get3A_593] {strides = array<i32>} : memref<2048xf32, #tpu.memory_space<vmem>>, vector<16xf32>,
    %add3A_595 = arith.addf %add3A_592, %get3A_594 : vector<16xf32>
    %get3A_596 = arith.constant 1120 : index
    %get3A_597 = tpu.vector_load %arg7[%get3A_596] {strides = array<i32>} : memref<2048xf32, #tpu.memory_space<vmem>>, vector<16xf32>,
    %add3A_598 = arith.addf %add3A_595, %get3A_597 : vector<16xf32>
    %get3A_599 = arith.constant 1248 : index
    %get3A_600 = tpu.vector_load %arg7[%get3A_599] {strides = array<i32>} : memref<2048xf32, #tpu.memory_space<vmem>>, vector<16xf32>,
    %add3A_601 = arith.addf %add3A_598, %get3A_600 : vector<16xf32>
    %get3A_602 = arith.constant 1376 : index
    %get3A_603 = tpu.vector_load %arg7[%get3A_602] {strides = array<i32>} : memref<2048xf32, #tpu.memory_space<vmem>>, vector<16xf32>,
    %add3A_604 = arith.addf %add3A_601, %get3A_603 : vector<16xf32>
    %get3A_605 = arith.constant 1504 : index
    %get3A_606 = tpu.vector_load %arg7[%get3A_605] {strides = array<i32>} : memref<2048xf32, #tpu.memory_space<vmem>>, vector<16xf32>,
    %add3A_607 = arith.addf %add3A_604, %get3A_606 : vector<16xf32>
    %get3A_608 = arith.constant 1632 : index
    %get3A_609 = tpu.vector_load %arg7[%get3A_608] {strides = array<i32>} : memref<2048xf32, #tpu.memory_space<vmem>>, vector<16xf32>,
    %add3A_610 = arith.addf %add3A_607, %get3A_609 : vector<16xf32>
    %get3A_611 = arith.constant 1760 : index
    %get3A_612 = tpu.vector_load %arg7[%get3A_611] {strides = array<i32>} : memref<2048xf32, #tpu.memory_space<vmem>>, vector<16xf32>,
    %add3A_613 = arith.addf %add3A_610, %get3A_612 : vector<16xf32>
    %get3A_614 = arith.constant 1888 : index
    %get3A_615 = tpu.vector_load %arg7[%get3A_614] {strides = array<i32>} : memref<2048xf32, #tpu.memory_space<vmem>>, vector<16xf32>,
    %add3A_616 = arith.addf %add3A_613, %get3A_615 : vector<16xf32>
    %get3A_617 = arith.constant 2016 : index
    %get3A_618 = tpu.vector_load %arg7[%get3A_617] {strides = array<i32>} : memref<2048xf32, #tpu.memory_space<vmem>>, vector<16xf32>,
    %add3A_619 = arith.addf %add3A_616, %get3A_618 : vector<16xf32>
    %swap3A_620 = arith.constant 96 : index
    %swap3A_621 = tpu.vector_load %arg8[%swap3A_620] {strides = array<i32>} : memref<128xf32, #tpu.memory_space<vmem>>, vector<16xf32>,
    tpu.vector_store %arg8[%swap3A_620], %add3A_619 {strides = array<i32>} : memref<128xf32, #tpu.memory_space<vmem>>, vector<16xf32>,
    %get3A_622 = arith.constant 112 : index
    %get3A_623 = tpu.vector_load %arg7[%get3A_622] {strides = array<i32>} : memref<2048xf32, #tpu.memory_space<vmem>>, vector<16xf32>,
    %get3A_624 = arith.constant 240 : index
    %get3A_625 = tpu.vector_load %arg7[%get3A_624] {strides = array<i32>} : memref<2048xf32, #tpu.memory_space<vmem>>, vector<16xf32>,
    %add3A_626 = arith.addf %get3A_623, %get3A_625 : vector<16xf32>
    %get3A_627 = arith.constant 368 : index
    %get3A_628 = tpu.vector_load %arg7[%get3A_627] {strides = array<i32>} : memref<2048xf32, #tpu.memory_space<vmem>>, vector<16xf32>,
    %add3A_629 = arith.addf %add3A_626, %get3A_628 : vector<16xf32>
    %get3A_630 = arith.constant 496 : index
    %get3A_631 = tpu.vector_load %arg7[%get3A_630] {strides = array<i32>} : memref<2048xf32, #tpu.memory_space<vmem>>, vector<16xf32>,
    %add3A_632 = arith.addf %add3A_629, %get3A_631 : vector<16xf32>
    %get3A_633 = arith.constant 624 : index
    %get3A_634 = tpu.vector_load %arg7[%get3A_633] {strides = array<i32>} : memref<2048xf32, #tpu.memory_space<vmem>>, vector<16xf32>,
    %add3A_635 = arith.addf %add3A_632, %get3A_634 : vector<16xf32>
    %get3A_636 = arith.constant 752 : index
    %get3A_637 = tpu.vector_load %arg7[%get3A_636] {strides = array<i32>} : memref<2048xf32, #tpu.memory_space<vmem>>, vector<16xf32>,
    %add3A_638 = arith.addf %add3A_635, %get3A_637 : vector<16xf32>
    %get3A_639 = arith.constant 880 : index
    %get3A_640 = tpu.vector_load %arg7[%get3A_639] {strides = array<i32>} : memref<2048xf32, #tpu.memory_space<vmem>>, vector<16xf32>,
    %add3A_641 = arith.addf %add3A_638, %get3A_640 : vector<16xf32>
    %get3A_642 = arith.constant 1008 : index
    %get3A_643 = tpu.vector_load %arg7[%get3A_642] {strides = array<i32>} : memref<2048xf32, #tpu.memory_space<vmem>>, vector<16xf32>,
    %add3A_644 = arith.addf %add3A_641, %get3A_643 : vector<16xf32>
    %get3A_645 = arith.constant 1136 : index
    %get3A_646 = tpu.vector_load %arg7[%get3A_645] {strides = array<i32>} : memref<2048xf32, #tpu.memory_space<vmem>>, vector<16xf32>,
    %add3A_647 = arith.addf %add3A_644, %get3A_646 : vector<16xf32>
    %get3A_648 = arith.constant 1264 : index
    %get3A_649 = tpu.vector_load %arg7[%get3A_648] {strides = array<i32>} : memref<2048xf32, #tpu.memory_space<vmem>>, vector<16xf32>,
    %add3A_650 = arith.addf %add3A_647, %get3A_649 : vector<16xf32>
    %get3A_651 = arith.constant 1392 : index
    %get3A_652 = tpu.vector_load %arg7[%get3A_651] {strides = array<i32>} : memref<2048xf32, #tpu.memory_space<vmem>>, vector<16xf32>,
    %add3A_653 = arith.addf %add3A_650, %get3A_652 : vector<16xf32>
    %get3A_654 = arith.constant 1520 : index
    %get3A_655 = tpu.vector_load %arg7[%get3A_654] {strides = array<i32>} : memref<2048xf32, #tpu.memory_space<vmem>>, vector<16xf32>,
    %add3A_656 = arith.addf %add3A_653, %get3A_655 : vector<16xf32>
    %get3A_657 = arith.constant 1648 : index
    %get3A_658 = tpu.vector_load %arg7[%get3A_657] {strides = array<i32>} : memref<2048xf32, #tpu.memory_space<vmem>>, vector<16xf32>,
    %add3A_659 = arith.addf %add3A_656, %get3A_658 : vector<16xf32>
    %get3A_660 = arith.constant 1776 : index
    %get3A_661 = tpu.vector_load %arg7[%get3A_660] {strides = array<i32>} : memref<2048xf32, #tpu.memory_space<vmem>>, vector<16xf32>,
    %add3A_662 = arith.addf %add3A_659, %get3A_661 : vector<16xf32>
    %get3A_663 = arith.constant 1904 : index
    %get3A_664 = tpu.vector_load %arg7[%get3A_663] {strides = array<i32>} : memref<2048xf32, #tpu.memory_space<vmem>>, vector<16xf32>,
    %add3A_665 = arith.addf %add3A_662, %get3A_664 : vector<16xf32>
    %get3A_666 = arith.constant 2032 : index
    %get3A_667 = tpu.vector_load %arg7[%get3A_666] {strides = array<i32>} : memref<2048xf32, #tpu.memory_space<vmem>>, vector<16xf32>,
    %add3A_668 = arith.addf %add3A_665, %get3A_667 : vector<16xf32>
    %swap3A_669 = arith.constant 112 : index
    %swap3A_670 = tpu.vector_load %arg8[%swap3A_669] {strides = array<i32>} : memref<128xf32, #tpu.memory_space<vmem>>, vector<16xf32>,
    tpu.vector_store %arg8[%swap3A_669], %add3A_668 {strides = array<i32>} : memref<128xf32, #tpu.memory_space<vmem>>, vector<16xf32>,
    "tpu.region"() ({
      %run_scoped3A = tpu.sem_alloc : memref<!tpu.dma_semaphore, #tpu.memory_space<semaphore_mem>>
      %dma_start3A = arith.constant 0 : i32
      %dma_start3A_1337 = tpu.memref_slice %arg4[%add3A, %dma_start3A] : memref<32x128xf32, #tpu.memory_space<hbm>> -> memref<1x128xf32, #tpu.memory_space<hbm>>
      %dma_start3A_1338 = tpu.memref_squeeze %dma_start3A_1337 : memref<1x128xf32, #tpu.memory_space<hbm>> -> memref<128xf32, #tpu.memory_space<hbm>>
      %dma_start3A_1339 = arith.constant 0 : i32
      %dma_start3A_1340 = tpu.memref_slice %arg4[%add3A, %dma_start3A_1339] : memref<32x128xf32, #tpu.memory_space<hbm>> -> memref<1x128xf32, #tpu.memory_space<hbm>>
      %dma_start3A_1341 = tpu.memref_squeeze %dma_start3A_1340 : memref<1x128xf32, #tpu.memory_space<hbm>> -> memref<128xf32, #tpu.memory_space<hbm>>
      tpu.enqueue_dma source(%arg8 : memref<128xf32, #tpu.memory_space<vmem>>) target(%dma_start3A_1341 : memref<128xf32, #tpu.memory_space<hbm>>) target_semaphore(%run_scoped3A : memref<!tpu.dma_semaphore, #tpu.memory_space<semaphore_mem>>)
      %dma_wait3A = arith.constant 0 : i32
      %dma_wait3A_1342 = tpu.memref_slice %arg4[%add3A, %dma_wait3A] : memref<32x128xf32, #tpu.memory_space<hbm>> -> memref<1x128xf32, #tpu.memory_space<hbm>>
      %dma_wait3A_1343 = tpu.memref_squeeze %dma_wait3A_1342 : memref<1x128xf32, #tpu.memory_space<hbm>> -> memref<128xf32, #tpu.memory_space<hbm>>
      %dma_wait3A_1344 = arith.constant 0 : i32
      %dma_wait3A_1345 = tpu.memref_slice %arg4[%add3A, %dma_wait3A_1344] : memref<32x128xf32, #tpu.memory_space<hbm>> -> memref<1x128xf32, #tpu.memory_space<hbm>>
      %dma_wait3A_1346 = tpu.memref_squeeze %dma_wait3A_1345 : memref<1x128xf32, #tpu.memory_space<hbm>> -> memref<128xf32, #tpu.memory_space<hbm>>
      tpu.wait_dma2 semaphore(%run_scoped3A : memref<!tpu.dma_semaphore, #tpu.memory_space<semaphore_mem>>) src(%arg8 : memref<128xf32, #tpu.memory_space<vmem>>) dst(%dma_wait3A_1346 : memref<128xf32, #tpu.memory_space<hbm>>)
      tpu.yield
    }) : () -> ()
    %swap3A_671 = arith.constant 0 : index
    %swap3A_672 = tpu.vector_load %arg7[%swap3A_671] {strides = array<i32>} : memref<2048xf32, #tpu.memory_space<vmem>>, vector<16xf32>,
    tpu.vector_store %arg7[%swap3A_671], %broadcast_in_dim3A_5 {strides = array<i32>} : memref<2048xf32, #tpu.memory_space<vmem>>, vector<16xf32>,
    %swap3A_673 = arith.constant 16 : index
    %swap3A_674 = tpu.vector_load %arg7[%swap3A_673] {strides = array<i32>} : memref<2048xf32, #tpu.memory_space<vmem>>, vector<16xf32>,
    tpu.vector_store %arg7[%swap3A_673], %broadcast_in_dim3A_5 {strides = array<i32>} : memref<2048xf32, #tpu.memory_space<vmem>>, vector<16xf32>,
    %swap3A_675 = arith.constant 32 : index
    %swap3A_676 = tpu.vector_load %arg7[%swap3A_675] {strides = array<i32>} : memref<2048xf32, #tpu.memory_space<vmem>>, vector<16xf32>,
    tpu.vector_store %arg7[%swap3A_675], %broadcast_in_dim3A_5 {strides = array<i32>} : memref<2048xf32, #tpu.memory_space<vmem>>, vector<16xf32>,
    %swap3A_677 = arith.constant 48 : index
    %swap3A_678 = tpu.vector_load %arg7[%swap3A_677] {strides = array<i32>} : memref<2048xf32, #tpu.memory_space<vmem>>, vector<16xf32>,
    tpu.vector_store %arg7[%swap3A_677], %broadcast_in_dim3A_5 {strides = array<i32>} : memref<2048xf32, #tpu.memory_space<vmem>>, vector<16xf32>,
    %swap3A_679 = arith.constant 64 : index
    %swap3A_680 = tpu.vector_load %arg7[%swap3A_679] {strides = array<i32>} : memref<2048xf32, #tpu.memory_space<vmem>>, vector<16xf32>,
    tpu.vector_store %arg7[%swap3A_679], %broadcast_in_dim3A_5 {strides = array<i32>} : memref<2048xf32, #tpu.memory_space<vmem>>, vector<16xf32>,
    %swap3A_681 = arith.constant 80 : index
    %swap3A_682 = tpu.vector_load %arg7[%swap3A_681] {strides = array<i32>} : memref<2048xf32, #tpu.memory_space<vmem>>, vector<16xf32>,
    tpu.vector_store %arg7[%swap3A_681], %broadcast_in_dim3A_5 {strides = array<i32>} : memref<2048xf32, #tpu.memory_space<vmem>>, vector<16xf32>,
    %swap3A_683 = arith.constant 96 : index
    %swap3A_684 = tpu.vector_load %arg7[%swap3A_683] {strides = array<i32>} : memref<2048xf32, #tpu.memory_space<vmem>>, vector<16xf32>,
    tpu.vector_store %arg7[%swap3A_683], %broadcast_in_dim3A_5 {strides = array<i32>} : memref<2048xf32, #tpu.memory_space<vmem>>, vector<16xf32>,
    %swap3A_685 = arith.constant 112 : index
    %swap3A_686 = tpu.vector_load %arg7[%swap3A_685] {strides = array<i32>} : memref<2048xf32, #tpu.memory_space<vmem>>, vector<16xf32>,
    tpu.vector_store %arg7[%swap3A_685], %broadcast_in_dim3A_5 {strides = array<i32>} : memref<2048xf32, #tpu.memory_space<vmem>>, vector<16xf32>,
    %swap3A_687 = arith.constant 128 : index
    %swap3A_688 = tpu.vector_load %arg7[%swap3A_687] {strides = array<i32>} : memref<2048xf32, #tpu.memory_space<vmem>>, vector<16xf32>,
    tpu.vector_store %arg7[%swap3A_687], %broadcast_in_dim3A_5 {strides = array<i32>} : memref<2048xf32, #tpu.memory_space<vmem>>, vector<16xf32>,
    %swap3A_689 = arith.constant 144 : index
    %swap3A_690 = tpu.vector_load %arg7[%swap3A_689] {strides = array<i32>} : memref<2048xf32, #tpu.memory_space<vmem>>, vector<16xf32>,
    tpu.vector_store %arg7[%swap3A_689], %broadcast_in_dim3A_5 {strides = array<i32>} : memref<2048xf32, #tpu.memory_space<vmem>>, vector<16xf32>,
    %swap3A_691 = arith.constant 160 : index
    %swap3A_692 = tpu.vector_load %arg7[%swap3A_691] {strides = array<i32>} : memref<2048xf32, #tpu.memory_space<vmem>>, vector<16xf32>,
    tpu.vector_store %arg7[%swap3A_691], %broadcast_in_dim3A_5 {strides = array<i32>} : memref<2048xf32, #tpu.memory_space<vmem>>, vector<16xf32>,
    %swap3A_693 = arith.constant 176 : index
    %swap3A_694 = tpu.vector_load %arg7[%swap3A_693] {strides = array<i32>} : memref<2048xf32, #tpu.memory_space<vmem>>, vector<16xf32>,
    tpu.vector_store %arg7[%swap3A_693], %broadcast_in_dim3A_5 {strides = array<i32>} : memref<2048xf32, #tpu.memory_space<vmem>>, vector<16xf32>,
    %swap3A_695 = arith.constant 192 : index
    %swap3A_696 = tpu.vector_load %arg7[%swap3A_695] {strides = array<i32>} : memref<2048xf32, #tpu.memory_space<vmem>>, vector<16xf32>,
    tpu.vector_store %arg7[%swap3A_695], %broadcast_in_dim3A_5 {strides = array<i32>} : memref<2048xf32, #tpu.memory_space<vmem>>, vector<16xf32>,
    %swap3A_697 = arith.constant 208 : index
    %swap3A_698 = tpu.vector_load %arg7[%swap3A_697] {strides = array<i32>} : memref<2048xf32, #tpu.memory_space<vmem>>, vector<16xf32>,
    tpu.vector_store %arg7[%swap3A_697], %broadcast_in_dim3A_5 {strides = array<i32>} : memref<2048xf32, #tpu.memory_space<vmem>>, vector<16xf32>,
    %swap3A_699 = arith.constant 224 : index
    %swap3A_700 = tpu.vector_load %arg7[%swap3A_699] {strides = array<i32>} : memref<2048xf32, #tpu.memory_space<vmem>>, vector<16xf32>,
    tpu.vector_store %arg7[%swap3A_699], %broadcast_in_dim3A_5 {strides = array<i32>} : memref<2048xf32, #tpu.memory_space<vmem>>, vector<16xf32>,
    %swap3A_701 = arith.constant 240 : index
    %swap3A_702 = tpu.vector_load %arg7[%swap3A_701] {strides = array<i32>} : memref<2048xf32, #tpu.memory_space<vmem>>, vector<16xf32>,
    tpu.vector_store %arg7[%swap3A_701], %broadcast_in_dim3A_5 {strides = array<i32>} : memref<2048xf32, #tpu.memory_space<vmem>>, vector<16xf32>,
    %swap3A_703 = arith.constant 256 : index
    %swap3A_704 = tpu.vector_load %arg7[%swap3A_703] {strides = array<i32>} : memref<2048xf32, #tpu.memory_space<vmem>>, vector<16xf32>,
    tpu.vector_store %arg7[%swap3A_703], %broadcast_in_dim3A_5 {strides = array<i32>} : memref<2048xf32, #tpu.memory_space<vmem>>, vector<16xf32>,
    %swap3A_705 = arith.constant 272 : index
    %swap3A_706 = tpu.vector_load %arg7[%swap3A_705] {strides = array<i32>} : memref<2048xf32, #tpu.memory_space<vmem>>, vector<16xf32>,
    tpu.vector_store %arg7[%swap3A_705], %broadcast_in_dim3A_5 {strides = array<i32>} : memref<2048xf32, #tpu.memory_space<vmem>>, vector<16xf32>,
    %swap3A_707 = arith.constant 288 : index
    %swap3A_708 = tpu.vector_load %arg7[%swap3A_707] {strides = array<i32>} : memref<2048xf32, #tpu.memory_space<vmem>>, vector<16xf32>,
    tpu.vector_store %arg7[%swap3A_707], %broadcast_in_dim3A_5 {strides = array<i32>} : memref<2048xf32, #tpu.memory_space<vmem>>, vector<16xf32>,
    %swap3A_709 = arith.constant 304 : index
    %swap3A_710 = tpu.vector_load %arg7[%swap3A_709] {strides = array<i32>} : memref<2048xf32, #tpu.memory_space<vmem>>, vector<16xf32>,
    tpu.vector_store %arg7[%swap3A_709], %broadcast_in_dim3A_5 {strides = array<i32>} : memref<2048xf32, #tpu.memory_space<vmem>>, vector<16xf32>,
    %swap3A_711 = arith.constant 320 : index
    %swap3A_712 = tpu.vector_load %arg7[%swap3A_711] {strides = array<i32>} : memref<2048xf32, #tpu.memory_space<vmem>>, vector<16xf32>,
    tpu.vector_store %arg7[%swap3A_711], %broadcast_in_dim3A_5 {strides = array<i32>} : memref<2048xf32, #tpu.memory_space<vmem>>, vector<16xf32>,
    %swap3A_713 = arith.constant 336 : index
    %swap3A_714 = tpu.vector_load %arg7[%swap3A_713] {strides = array<i32>} : memref<2048xf32, #tpu.memory_space<vmem>>, vector<16xf32>,
    tpu.vector_store %arg7[%swap3A_713], %broadcast_in_dim3A_5 {strides = array<i32>} : memref<2048xf32, #tpu.memory_space<vmem>>, vector<16xf32>,
    %swap3A_715 = arith.constant 352 : index
    %swap3A_716 = tpu.vector_load %arg7[%swap3A_715] {strides = array<i32>} : memref<2048xf32, #tpu.memory_space<vmem>>, vector<16xf32>,
    tpu.vector_store %arg7[%swap3A_715], %broadcast_in_dim3A_5 {strides = array<i32>} : memref<2048xf32, #tpu.memory_space<vmem>>, vector<16xf32>,
    %swap3A_717 = arith.constant 368 : index
    %swap3A_718 = tpu.vector_load %arg7[%swap3A_717] {strides = array<i32>} : memref<2048xf32, #tpu.memory_space<vmem>>, vector<16xf32>,
    tpu.vector_store %arg7[%swap3A_717], %broadcast_in_dim3A_5 {strides = array<i32>} : memref<2048xf32, #tpu.memory_space<vmem>>, vector<16xf32>,
    %swap3A_719 = arith.constant 384 : index
    %swap3A_720 = tpu.vector_load %arg7[%swap3A_719] {strides = array<i32>} : memref<2048xf32, #tpu.memory_space<vmem>>, vector<16xf32>,
    tpu.vector_store %arg7[%swap3A_719], %broadcast_in_dim3A_5 {strides = array<i32>} : memref<2048xf32, #tpu.memory_space<vmem>>, vector<16xf32>,
    %swap3A_721 = arith.constant 400 : index
    %swap3A_722 = tpu.vector_load %arg7[%swap3A_721] {strides = array<i32>} : memref<2048xf32, #tpu.memory_space<vmem>>, vector<16xf32>,
    tpu.vector_store %arg7[%swap3A_721], %broadcast_in_dim3A_5 {strides = array<i32>} : memref<2048xf32, #tpu.memory_space<vmem>>, vector<16xf32>,
    %swap3A_723 = arith.constant 416 : index
    %swap3A_724 = tpu.vector_load %arg7[%swap3A_723] {strides = array<i32>} : memref<2048xf32, #tpu.memory_space<vmem>>, vector<16xf32>,
    tpu.vector_store %arg7[%swap3A_723], %broadcast_in_dim3A_5 {strides = array<i32>} : memref<2048xf32, #tpu.memory_space<vmem>>, vector<16xf32>,
    %swap3A_725 = arith.constant 432 : index
    %swap3A_726 = tpu.vector_load %arg7[%swap3A_725] {strides = array<i32>} : memref<2048xf32, #tpu.memory_space<vmem>>, vector<16xf32>,
    tpu.vector_store %arg7[%swap3A_725], %broadcast_in_dim3A_5 {strides = array<i32>} : memref<2048xf32, #tpu.memory_space<vmem>>, vector<16xf32>,
    %swap3A_727 = arith.constant 448 : index
    %swap3A_728 = tpu.vector_load %arg7[%swap3A_727] {strides = array<i32>} : memref<2048xf32, #tpu.memory_space<vmem>>, vector<16xf32>,
    tpu.vector_store %arg7[%swap3A_727], %broadcast_in_dim3A_5 {strides = array<i32>} : memref<2048xf32, #tpu.memory_space<vmem>>, vector<16xf32>,
    %swap3A_729 = arith.constant 464 : index
    %swap3A_730 = tpu.vector_load %arg7[%swap3A_729] {strides = array<i32>} : memref<2048xf32, #tpu.memory_space<vmem>>, vector<16xf32>,
    tpu.vector_store %arg7[%swap3A_729], %broadcast_in_dim3A_5 {strides = array<i32>} : memref<2048xf32, #tpu.memory_space<vmem>>, vector<16xf32>,
    %swap3A_731 = arith.constant 480 : index
    %swap3A_732 = tpu.vector_load %arg7[%swap3A_731] {strides = array<i32>} : memref<2048xf32, #tpu.memory_space<vmem>>, vector<16xf32>,
    tpu.vector_store %arg7[%swap3A_731], %broadcast_in_dim3A_5 {strides = array<i32>} : memref<2048xf32, #tpu.memory_space<vmem>>, vector<16xf32>,
    %swap3A_733 = arith.constant 496 : index
    %swap3A_734 = tpu.vector_load %arg7[%swap3A_733] {strides = array<i32>} : memref<2048xf32, #tpu.memory_space<vmem>>, vector<16xf32>,
    tpu.vector_store %arg7[%swap3A_733], %broadcast_in_dim3A_5 {strides = array<i32>} : memref<2048xf32, #tpu.memory_space<vmem>>, vector<16xf32>,
    %swap3A_735 = arith.constant 512 : index
    %swap3A_736 = tpu.vector_load %arg7[%swap3A_735] {strides = array<i32>} : memref<2048xf32, #tpu.memory_space<vmem>>, vector<16xf32>,
    tpu.vector_store %arg7[%swap3A_735], %broadcast_in_dim3A_5 {strides = array<i32>} : memref<2048xf32, #tpu.memory_space<vmem>>, vector<16xf32>,
    %swap3A_737 = arith.constant 528 : index
    %swap3A_738 = tpu.vector_load %arg7[%swap3A_737] {strides = array<i32>} : memref<2048xf32, #tpu.memory_space<vmem>>, vector<16xf32>,
    tpu.vector_store %arg7[%swap3A_737], %broadcast_in_dim3A_5 {strides = array<i32>} : memref<2048xf32, #tpu.memory_space<vmem>>, vector<16xf32>,
    %swap3A_739 = arith.constant 544 : index
    %swap3A_740 = tpu.vector_load %arg7[%swap3A_739] {strides = array<i32>} : memref<2048xf32, #tpu.memory_space<vmem>>, vector<16xf32>,
    tpu.vector_store %arg7[%swap3A_739], %broadcast_in_dim3A_5 {strides = array<i32>} : memref<2048xf32, #tpu.memory_space<vmem>>, vector<16xf32>,
    %swap3A_741 = arith.constant 560 : index
    %swap3A_742 = tpu.vector_load %arg7[%swap3A_741] {strides = array<i32>} : memref<2048xf32, #tpu.memory_space<vmem>>, vector<16xf32>,
    tpu.vector_store %arg7[%swap3A_741], %broadcast_in_dim3A_5 {strides = array<i32>} : memref<2048xf32, #tpu.memory_space<vmem>>, vector<16xf32>,
    %swap3A_743 = arith.constant 576 : index
    %swap3A_744 = tpu.vector_load %arg7[%swap3A_743] {strides = array<i32>} : memref<2048xf32, #tpu.memory_space<vmem>>, vector<16xf32>,
    tpu.vector_store %arg7[%swap3A_743], %broadcast_in_dim3A_5 {strides = array<i32>} : memref<2048xf32, #tpu.memory_space<vmem>>, vector<16xf32>,
    %swap3A_745 = arith.constant 592 : index
    %swap3A_746 = tpu.vector_load %arg7[%swap3A_745] {strides = array<i32>} : memref<2048xf32, #tpu.memory_space<vmem>>, vector<16xf32>,
    tpu.vector_store %arg7[%swap3A_745], %broadcast_in_dim3A_5 {strides = array<i32>} : memref<2048xf32, #tpu.memory_space<vmem>>, vector<16xf32>,
    %swap3A_747 = arith.constant 608 : index
    %swap3A_748 = tpu.vector_load %arg7[%swap3A_747] {strides = array<i32>} : memref<2048xf32, #tpu.memory_space<vmem>>, vector<16xf32>,
    tpu.vector_store %arg7[%swap3A_747], %broadcast_in_dim3A_5 {strides = array<i32>} : memref<2048xf32, #tpu.memory_space<vmem>>, vector<16xf32>,
    %swap3A_749 = arith.constant 624 : index
    %swap3A_750 = tpu.vector_load %arg7[%swap3A_749] {strides = array<i32>} : memref<2048xf32, #tpu.memory_space<vmem>>, vector<16xf32>,
    tpu.vector_store %arg7[%swap3A_749], %broadcast_in_dim3A_5 {strides = array<i32>} : memref<2048xf32, #tpu.memory_space<vmem>>, vector<16xf32>,
    %swap3A_751 = arith.constant 640 : index
    %swap3A_752 = tpu.vector_load %arg7[%swap3A_751] {strides = array<i32>} : memref<2048xf32, #tpu.memory_space<vmem>>, vector<16xf32>,
    tpu.vector_store %arg7[%swap3A_751], %broadcast_in_dim3A_5 {strides = array<i32>} : memref<2048xf32, #tpu.memory_space<vmem>>, vector<16xf32>,
    %swap3A_753 = arith.constant 656 : index
    %swap3A_754 = tpu.vector_load %arg7[%swap3A_753] {strides = array<i32>} : memref<2048xf32, #tpu.memory_space<vmem>>, vector<16xf32>,
    tpu.vector_store %arg7[%swap3A_753], %broadcast_in_dim3A_5 {strides = array<i32>} : memref<2048xf32, #tpu.memory_space<vmem>>, vector<16xf32>,
    %swap3A_755 = arith.constant 672 : index
    %swap3A_756 = tpu.vector_load %arg7[%swap3A_755] {strides = array<i32>} : memref<2048xf32, #tpu.memory_space<vmem>>, vector<16xf32>,
    tpu.vector_store %arg7[%swap3A_755], %broadcast_in_dim3A_5 {strides = array<i32>} : memref<2048xf32, #tpu.memory_space<vmem>>, vector<16xf32>,
    %swap3A_757 = arith.constant 688 : index
    %swap3A_758 = tpu.vector_load %arg7[%swap3A_757] {strides = array<i32>} : memref<2048xf32, #tpu.memory_space<vmem>>, vector<16xf32>,
    tpu.vector_store %arg7[%swap3A_757], %broadcast_in_dim3A_5 {strides = array<i32>} : memref<2048xf32, #tpu.memory_space<vmem>>, vector<16xf32>,
    %swap3A_759 = arith.constant 704 : index
    %swap3A_760 = tpu.vector_load %arg7[%swap3A_759] {strides = array<i32>} : memref<2048xf32, #tpu.memory_space<vmem>>, vector<16xf32>,
    tpu.vector_store %arg7[%swap3A_759], %broadcast_in_dim3A_5 {strides = array<i32>} : memref<2048xf32, #tpu.memory_space<vmem>>, vector<16xf32>,
    %swap3A_761 = arith.constant 720 : index
    %swap3A_762 = tpu.vector_load %arg7[%swap3A_761] {strides = array<i32>} : memref<2048xf32, #tpu.memory_space<vmem>>, vector<16xf32>,
    tpu.vector_store %arg7[%swap3A_761], %broadcast_in_dim3A_5 {strides = array<i32>} : memref<2048xf32, #tpu.memory_space<vmem>>, vector<16xf32>,
    %swap3A_763 = arith.constant 736 : index
    %swap3A_764 = tpu.vector_load %arg7[%swap3A_763] {strides = array<i32>} : memref<2048xf32, #tpu.memory_space<vmem>>, vector<16xf32>,
    tpu.vector_store %arg7[%swap3A_763], %broadcast_in_dim3A_5 {strides = array<i32>} : memref<2048xf32, #tpu.memory_space<vmem>>, vector<16xf32>,
    %swap3A_765 = arith.constant 752 : index
    %swap3A_766 = tpu.vector_load %arg7[%swap3A_765] {strides = array<i32>} : memref<2048xf32, #tpu.memory_space<vmem>>, vector<16xf32>,
    tpu.vector_store %arg7[%swap3A_765], %broadcast_in_dim3A_5 {strides = array<i32>} : memref<2048xf32, #tpu.memory_space<vmem>>, vector<16xf32>,
    %swap3A_767 = arith.constant 768 : index
    %swap3A_768 = tpu.vector_load %arg7[%swap3A_767] {strides = array<i32>} : memref<2048xf32, #tpu.memory_space<vmem>>, vector<16xf32>,
    tpu.vector_store %arg7[%swap3A_767], %broadcast_in_dim3A_5 {strides = array<i32>} : memref<2048xf32, #tpu.memory_space<vmem>>, vector<16xf32>,
    %swap3A_769 = arith.constant 784 : index
    %swap3A_770 = tpu.vector_load %arg7[%swap3A_769] {strides = array<i32>} : memref<2048xf32, #tpu.memory_space<vmem>>, vector<16xf32>,
    tpu.vector_store %arg7[%swap3A_769], %broadcast_in_dim3A_5 {strides = array<i32>} : memref<2048xf32, #tpu.memory_space<vmem>>, vector<16xf32>,
    %swap3A_771 = arith.constant 800 : index
    %swap3A_772 = tpu.vector_load %arg7[%swap3A_771] {strides = array<i32>} : memref<2048xf32, #tpu.memory_space<vmem>>, vector<16xf32>,
    tpu.vector_store %arg7[%swap3A_771], %broadcast_in_dim3A_5 {strides = array<i32>} : memref<2048xf32, #tpu.memory_space<vmem>>, vector<16xf32>,
    %swap3A_773 = arith.constant 816 : index
    %swap3A_774 = tpu.vector_load %arg7[%swap3A_773] {strides = array<i32>} : memref<2048xf32, #tpu.memory_space<vmem>>, vector<16xf32>,
    tpu.vector_store %arg7[%swap3A_773], %broadcast_in_dim3A_5 {strides = array<i32>} : memref<2048xf32, #tpu.memory_space<vmem>>, vector<16xf32>,
    %swap3A_775 = arith.constant 832 : index
    %swap3A_776 = tpu.vector_load %arg7[%swap3A_775] {strides = array<i32>} : memref<2048xf32, #tpu.memory_space<vmem>>, vector<16xf32>,
    tpu.vector_store %arg7[%swap3A_775], %broadcast_in_dim3A_5 {strides = array<i32>} : memref<2048xf32, #tpu.memory_space<vmem>>, vector<16xf32>,
    %swap3A_777 = arith.constant 848 : index
    %swap3A_778 = tpu.vector_load %arg7[%swap3A_777] {strides = array<i32>} : memref<2048xf32, #tpu.memory_space<vmem>>, vector<16xf32>,
    tpu.vector_store %arg7[%swap3A_777], %broadcast_in_dim3A_5 {strides = array<i32>} : memref<2048xf32, #tpu.memory_space<vmem>>, vector<16xf32>,
    %swap3A_779 = arith.constant 864 : index
    %swap3A_780 = tpu.vector_load %arg7[%swap3A_779] {strides = array<i32>} : memref<2048xf32, #tpu.memory_space<vmem>>, vector<16xf32>,
    tpu.vector_store %arg7[%swap3A_779], %broadcast_in_dim3A_5 {strides = array<i32>} : memref<2048xf32, #tpu.memory_space<vmem>>, vector<16xf32>,
    %swap3A_781 = arith.constant 880 : index
    %swap3A_782 = tpu.vector_load %arg7[%swap3A_781] {strides = array<i32>} : memref<2048xf32, #tpu.memory_space<vmem>>, vector<16xf32>,
    tpu.vector_store %arg7[%swap3A_781], %broadcast_in_dim3A_5 {strides = array<i32>} : memref<2048xf32, #tpu.memory_space<vmem>>, vector<16xf32>,
    %swap3A_783 = arith.constant 896 : index
    %swap3A_784 = tpu.vector_load %arg7[%swap3A_783] {strides = array<i32>} : memref<2048xf32, #tpu.memory_space<vmem>>, vector<16xf32>,
    tpu.vector_store %arg7[%swap3A_783], %broadcast_in_dim3A_5 {strides = array<i32>} : memref<2048xf32, #tpu.memory_space<vmem>>, vector<16xf32>,
    %swap3A_785 = arith.constant 912 : index
    %swap3A_786 = tpu.vector_load %arg7[%swap3A_785] {strides = array<i32>} : memref<2048xf32, #tpu.memory_space<vmem>>, vector<16xf32>,
    tpu.vector_store %arg7[%swap3A_785], %broadcast_in_dim3A_5 {strides = array<i32>} : memref<2048xf32, #tpu.memory_space<vmem>>, vector<16xf32>,
    %swap3A_787 = arith.constant 928 : index
    %swap3A_788 = tpu.vector_load %arg7[%swap3A_787] {strides = array<i32>} : memref<2048xf32, #tpu.memory_space<vmem>>, vector<16xf32>,
    tpu.vector_store %arg7[%swap3A_787], %broadcast_in_dim3A_5 {strides = array<i32>} : memref<2048xf32, #tpu.memory_space<vmem>>, vector<16xf32>,
    %swap3A_789 = arith.constant 944 : index
    %swap3A_790 = tpu.vector_load %arg7[%swap3A_789] {strides = array<i32>} : memref<2048xf32, #tpu.memory_space<vmem>>, vector<16xf32>,
    tpu.vector_store %arg7[%swap3A_789], %broadcast_in_dim3A_5 {strides = array<i32>} : memref<2048xf32, #tpu.memory_space<vmem>>, vector<16xf32>,
    %swap3A_791 = arith.constant 960 : index
    %swap3A_792 = tpu.vector_load %arg7[%swap3A_791] {strides = array<i32>} : memref<2048xf32, #tpu.memory_space<vmem>>, vector<16xf32>,
    tpu.vector_store %arg7[%swap3A_791], %broadcast_in_dim3A_5 {strides = array<i32>} : memref<2048xf32, #tpu.memory_space<vmem>>, vector<16xf32>,
    %swap3A_793 = arith.constant 976 : index
    %swap3A_794 = tpu.vector_load %arg7[%swap3A_793] {strides = array<i32>} : memref<2048xf32, #tpu.memory_space<vmem>>, vector<16xf32>,
    tpu.vector_store %arg7[%swap3A_793], %broadcast_in_dim3A_5 {strides = array<i32>} : memref<2048xf32, #tpu.memory_space<vmem>>, vector<16xf32>,
    %swap3A_795 = arith.constant 992 : index
    %swap3A_796 = tpu.vector_load %arg7[%swap3A_795] {strides = array<i32>} : memref<2048xf32, #tpu.memory_space<vmem>>, vector<16xf32>,
    tpu.vector_store %arg7[%swap3A_795], %broadcast_in_dim3A_5 {strides = array<i32>} : memref<2048xf32, #tpu.memory_space<vmem>>, vector<16xf32>,
    %swap3A_797 = arith.constant 1008 : index
    %swap3A_798 = tpu.vector_load %arg7[%swap3A_797] {strides = array<i32>} : memref<2048xf32, #tpu.memory_space<vmem>>, vector<16xf32>,
    tpu.vector_store %arg7[%swap3A_797], %broadcast_in_dim3A_5 {strides = array<i32>} : memref<2048xf32, #tpu.memory_space<vmem>>, vector<16xf32>,
    %swap3A_799 = arith.constant 1024 : index
    %swap3A_800 = tpu.vector_load %arg7[%swap3A_799] {strides = array<i32>} : memref<2048xf32, #tpu.memory_space<vmem>>, vector<16xf32>,
    tpu.vector_store %arg7[%swap3A_799], %broadcast_in_dim3A_5 {strides = array<i32>} : memref<2048xf32, #tpu.memory_space<vmem>>, vector<16xf32>,
    %swap3A_801 = arith.constant 1040 : index
    %swap3A_802 = tpu.vector_load %arg7[%swap3A_801] {strides = array<i32>} : memref<2048xf32, #tpu.memory_space<vmem>>, vector<16xf32>,
    tpu.vector_store %arg7[%swap3A_801], %broadcast_in_dim3A_5 {strides = array<i32>} : memref<2048xf32, #tpu.memory_space<vmem>>, vector<16xf32>,
    %swap3A_803 = arith.constant 1056 : index
    %swap3A_804 = tpu.vector_load %arg7[%swap3A_803] {strides = array<i32>} : memref<2048xf32, #tpu.memory_space<vmem>>, vector<16xf32>,
    tpu.vector_store %arg7[%swap3A_803], %broadcast_in_dim3A_5 {strides = array<i32>} : memref<2048xf32, #tpu.memory_space<vmem>>, vector<16xf32>,
    %swap3A_805 = arith.constant 1072 : index
    %swap3A_806 = tpu.vector_load %arg7[%swap3A_805] {strides = array<i32>} : memref<2048xf32, #tpu.memory_space<vmem>>, vector<16xf32>,
    tpu.vector_store %arg7[%swap3A_805], %broadcast_in_dim3A_5 {strides = array<i32>} : memref<2048xf32, #tpu.memory_space<vmem>>, vector<16xf32>,
    %swap3A_807 = arith.constant 1088 : index
    %swap3A_808 = tpu.vector_load %arg7[%swap3A_807] {strides = array<i32>} : memref<2048xf32, #tpu.memory_space<vmem>>, vector<16xf32>,
    tpu.vector_store %arg7[%swap3A_807], %broadcast_in_dim3A_5 {strides = array<i32>} : memref<2048xf32, #tpu.memory_space<vmem>>, vector<16xf32>,
    %swap3A_809 = arith.constant 1104 : index
    %swap3A_810 = tpu.vector_load %arg7[%swap3A_809] {strides = array<i32>} : memref<2048xf32, #tpu.memory_space<vmem>>, vector<16xf32>,
    tpu.vector_store %arg7[%swap3A_809], %broadcast_in_dim3A_5 {strides = array<i32>} : memref<2048xf32, #tpu.memory_space<vmem>>, vector<16xf32>,
    %swap3A_811 = arith.constant 1120 : index
    %swap3A_812 = tpu.vector_load %arg7[%swap3A_811] {strides = array<i32>} : memref<2048xf32, #tpu.memory_space<vmem>>, vector<16xf32>,
    tpu.vector_store %arg7[%swap3A_811], %broadcast_in_dim3A_5 {strides = array<i32>} : memref<2048xf32, #tpu.memory_space<vmem>>, vector<16xf32>,
    %swap3A_813 = arith.constant 1136 : index
    %swap3A_814 = tpu.vector_load %arg7[%swap3A_813] {strides = array<i32>} : memref<2048xf32, #tpu.memory_space<vmem>>, vector<16xf32>,
    tpu.vector_store %arg7[%swap3A_813], %broadcast_in_dim3A_5 {strides = array<i32>} : memref<2048xf32, #tpu.memory_space<vmem>>, vector<16xf32>,
    %swap3A_815 = arith.constant 1152 : index
    %swap3A_816 = tpu.vector_load %arg7[%swap3A_815] {strides = array<i32>} : memref<2048xf32, #tpu.memory_space<vmem>>, vector<16xf32>,
    tpu.vector_store %arg7[%swap3A_815], %broadcast_in_dim3A_5 {strides = array<i32>} : memref<2048xf32, #tpu.memory_space<vmem>>, vector<16xf32>,
    %swap3A_817 = arith.constant 1168 : index
    %swap3A_818 = tpu.vector_load %arg7[%swap3A_817] {strides = array<i32>} : memref<2048xf32, #tpu.memory_space<vmem>>, vector<16xf32>,
    tpu.vector_store %arg7[%swap3A_817], %broadcast_in_dim3A_5 {strides = array<i32>} : memref<2048xf32, #tpu.memory_space<vmem>>, vector<16xf32>,
    %swap3A_819 = arith.constant 1184 : index
    %swap3A_820 = tpu.vector_load %arg7[%swap3A_819] {strides = array<i32>} : memref<2048xf32, #tpu.memory_space<vmem>>, vector<16xf32>,
    tpu.vector_store %arg7[%swap3A_819], %broadcast_in_dim3A_5 {strides = array<i32>} : memref<2048xf32, #tpu.memory_space<vmem>>, vector<16xf32>,
    %swap3A_821 = arith.constant 1200 : index
    %swap3A_822 = tpu.vector_load %arg7[%swap3A_821] {strides = array<i32>} : memref<2048xf32, #tpu.memory_space<vmem>>, vector<16xf32>,
    tpu.vector_store %arg7[%swap3A_821], %broadcast_in_dim3A_5 {strides = array<i32>} : memref<2048xf32, #tpu.memory_space<vmem>>, vector<16xf32>,
    %swap3A_823 = arith.constant 1216 : index
    %swap3A_824 = tpu.vector_load %arg7[%swap3A_823] {strides = array<i32>} : memref<2048xf32, #tpu.memory_space<vmem>>, vector<16xf32>,
    tpu.vector_store %arg7[%swap3A_823], %broadcast_in_dim3A_5 {strides = array<i32>} : memref<2048xf32, #tpu.memory_space<vmem>>, vector<16xf32>,
    %swap3A_825 = arith.constant 1232 : index
    %swap3A_826 = tpu.vector_load %arg7[%swap3A_825] {strides = array<i32>} : memref<2048xf32, #tpu.memory_space<vmem>>, vector<16xf32>,
    tpu.vector_store %arg7[%swap3A_825], %broadcast_in_dim3A_5 {strides = array<i32>} : memref<2048xf32, #tpu.memory_space<vmem>>, vector<16xf32>,
    %swap3A_827 = arith.constant 1248 : index
    %swap3A_828 = tpu.vector_load %arg7[%swap3A_827] {strides = array<i32>} : memref<2048xf32, #tpu.memory_space<vmem>>, vector<16xf32>,
    tpu.vector_store %arg7[%swap3A_827], %broadcast_in_dim3A_5 {strides = array<i32>} : memref<2048xf32, #tpu.memory_space<vmem>>, vector<16xf32>,
    %swap3A_829 = arith.constant 1264 : index
    %swap3A_830 = tpu.vector_load %arg7[%swap3A_829] {strides = array<i32>} : memref<2048xf32, #tpu.memory_space<vmem>>, vector<16xf32>,
    tpu.vector_store %arg7[%swap3A_829], %broadcast_in_dim3A_5 {strides = array<i32>} : memref<2048xf32, #tpu.memory_space<vmem>>, vector<16xf32>,
    %swap3A_831 = arith.constant 1280 : index
    %swap3A_832 = tpu.vector_load %arg7[%swap3A_831] {strides = array<i32>} : memref<2048xf32, #tpu.memory_space<vmem>>, vector<16xf32>,
    tpu.vector_store %arg7[%swap3A_831], %broadcast_in_dim3A_5 {strides = array<i32>} : memref<2048xf32, #tpu.memory_space<vmem>>, vector<16xf32>,
    %swap3A_833 = arith.constant 1296 : index
    %swap3A_834 = tpu.vector_load %arg7[%swap3A_833] {strides = array<i32>} : memref<2048xf32, #tpu.memory_space<vmem>>, vector<16xf32>,
    tpu.vector_store %arg7[%swap3A_833], %broadcast_in_dim3A_5 {strides = array<i32>} : memref<2048xf32, #tpu.memory_space<vmem>>, vector<16xf32>,
    %swap3A_835 = arith.constant 1312 : index
    %swap3A_836 = tpu.vector_load %arg7[%swap3A_835] {strides = array<i32>} : memref<2048xf32, #tpu.memory_space<vmem>>, vector<16xf32>,
    tpu.vector_store %arg7[%swap3A_835], %broadcast_in_dim3A_5 {strides = array<i32>} : memref<2048xf32, #tpu.memory_space<vmem>>, vector<16xf32>,
    %swap3A_837 = arith.constant 1328 : index
    %swap3A_838 = tpu.vector_load %arg7[%swap3A_837] {strides = array<i32>} : memref<2048xf32, #tpu.memory_space<vmem>>, vector<16xf32>,
    tpu.vector_store %arg7[%swap3A_837], %broadcast_in_dim3A_5 {strides = array<i32>} : memref<2048xf32, #tpu.memory_space<vmem>>, vector<16xf32>,
    %swap3A_839 = arith.constant 1344 : index
    %swap3A_840 = tpu.vector_load %arg7[%swap3A_839] {strides = array<i32>} : memref<2048xf32, #tpu.memory_space<vmem>>, vector<16xf32>,
    tpu.vector_store %arg7[%swap3A_839], %broadcast_in_dim3A_5 {strides = array<i32>} : memref<2048xf32, #tpu.memory_space<vmem>>, vector<16xf32>,
    %swap3A_841 = arith.constant 1360 : index
    %swap3A_842 = tpu.vector_load %arg7[%swap3A_841] {strides = array<i32>} : memref<2048xf32, #tpu.memory_space<vmem>>, vector<16xf32>,
    tpu.vector_store %arg7[%swap3A_841], %broadcast_in_dim3A_5 {strides = array<i32>} : memref<2048xf32, #tpu.memory_space<vmem>>, vector<16xf32>,
    %swap3A_843 = arith.constant 1376 : index
    %swap3A_844 = tpu.vector_load %arg7[%swap3A_843] {strides = array<i32>} : memref<2048xf32, #tpu.memory_space<vmem>>, vector<16xf32>,
    tpu.vector_store %arg7[%swap3A_843], %broadcast_in_dim3A_5 {strides = array<i32>} : memref<2048xf32, #tpu.memory_space<vmem>>, vector<16xf32>,
    %swap3A_845 = arith.constant 1392 : index
    %swap3A_846 = tpu.vector_load %arg7[%swap3A_845] {strides = array<i32>} : memref<2048xf32, #tpu.memory_space<vmem>>, vector<16xf32>,
    tpu.vector_store %arg7[%swap3A_845], %broadcast_in_dim3A_5 {strides = array<i32>} : memref<2048xf32, #tpu.memory_space<vmem>>, vector<16xf32>,
    %swap3A_847 = arith.constant 1408 : index
    %swap3A_848 = tpu.vector_load %arg7[%swap3A_847] {strides = array<i32>} : memref<2048xf32, #tpu.memory_space<vmem>>, vector<16xf32>,
    tpu.vector_store %arg7[%swap3A_847], %broadcast_in_dim3A_5 {strides = array<i32>} : memref<2048xf32, #tpu.memory_space<vmem>>, vector<16xf32>,
    %swap3A_849 = arith.constant 1424 : index
    %swap3A_850 = tpu.vector_load %arg7[%swap3A_849] {strides = array<i32>} : memref<2048xf32, #tpu.memory_space<vmem>>, vector<16xf32>,
    tpu.vector_store %arg7[%swap3A_849], %broadcast_in_dim3A_5 {strides = array<i32>} : memref<2048xf32, #tpu.memory_space<vmem>>, vector<16xf32>,
    %swap3A_851 = arith.constant 1440 : index
    %swap3A_852 = tpu.vector_load %arg7[%swap3A_851] {strides = array<i32>} : memref<2048xf32, #tpu.memory_space<vmem>>, vector<16xf32>,
    tpu.vector_store %arg7[%swap3A_851], %broadcast_in_dim3A_5 {strides = array<i32>} : memref<2048xf32, #tpu.memory_space<vmem>>, vector<16xf32>,
    %swap3A_853 = arith.constant 1456 : index
    %swap3A_854 = tpu.vector_load %arg7[%swap3A_853] {strides = array<i32>} : memref<2048xf32, #tpu.memory_space<vmem>>, vector<16xf32>,
    tpu.vector_store %arg7[%swap3A_853], %broadcast_in_dim3A_5 {strides = array<i32>} : memref<2048xf32, #tpu.memory_space<vmem>>, vector<16xf32>,
    %swap3A_855 = arith.constant 1472 : index
    %swap3A_856 = tpu.vector_load %arg7[%swap3A_855] {strides = array<i32>} : memref<2048xf32, #tpu.memory_space<vmem>>, vector<16xf32>,
    tpu.vector_store %arg7[%swap3A_855], %broadcast_in_dim3A_5 {strides = array<i32>} : memref<2048xf32, #tpu.memory_space<vmem>>, vector<16xf32>,
    %swap3A_857 = arith.constant 1488 : index
    %swap3A_858 = tpu.vector_load %arg7[%swap3A_857] {strides = array<i32>} : memref<2048xf32, #tpu.memory_space<vmem>>, vector<16xf32>,
    tpu.vector_store %arg7[%swap3A_857], %broadcast_in_dim3A_5 {strides = array<i32>} : memref<2048xf32, #tpu.memory_space<vmem>>, vector<16xf32>,
    %swap3A_859 = arith.constant 1504 : index
    %swap3A_860 = tpu.vector_load %arg7[%swap3A_859] {strides = array<i32>} : memref<2048xf32, #tpu.memory_space<vmem>>, vector<16xf32>,
    tpu.vector_store %arg7[%swap3A_859], %broadcast_in_dim3A_5 {strides = array<i32>} : memref<2048xf32, #tpu.memory_space<vmem>>, vector<16xf32>,
    %swap3A_861 = arith.constant 1520 : index
    %swap3A_862 = tpu.vector_load %arg7[%swap3A_861] {strides = array<i32>} : memref<2048xf32, #tpu.memory_space<vmem>>, vector<16xf32>,
    tpu.vector_store %arg7[%swap3A_861], %broadcast_in_dim3A_5 {strides = array<i32>} : memref<2048xf32, #tpu.memory_space<vmem>>, vector<16xf32>,
    %swap3A_863 = arith.constant 1536 : index
    %swap3A_864 = tpu.vector_load %arg7[%swap3A_863] {strides = array<i32>} : memref<2048xf32, #tpu.memory_space<vmem>>, vector<16xf32>,
    tpu.vector_store %arg7[%swap3A_863], %broadcast_in_dim3A_5 {strides = array<i32>} : memref<2048xf32, #tpu.memory_space<vmem>>, vector<16xf32>,
    %swap3A_865 = arith.constant 1552 : index
    %swap3A_866 = tpu.vector_load %arg7[%swap3A_865] {strides = array<i32>} : memref<2048xf32, #tpu.memory_space<vmem>>, vector<16xf32>,
    tpu.vector_store %arg7[%swap3A_865], %broadcast_in_dim3A_5 {strides = array<i32>} : memref<2048xf32, #tpu.memory_space<vmem>>, vector<16xf32>,
    %swap3A_867 = arith.constant 1568 : index
    %swap3A_868 = tpu.vector_load %arg7[%swap3A_867] {strides = array<i32>} : memref<2048xf32, #tpu.memory_space<vmem>>, vector<16xf32>,
    tpu.vector_store %arg7[%swap3A_867], %broadcast_in_dim3A_5 {strides = array<i32>} : memref<2048xf32, #tpu.memory_space<vmem>>, vector<16xf32>,
    %swap3A_869 = arith.constant 1584 : index
    %swap3A_870 = tpu.vector_load %arg7[%swap3A_869] {strides = array<i32>} : memref<2048xf32, #tpu.memory_space<vmem>>, vector<16xf32>,
    tpu.vector_store %arg7[%swap3A_869], %broadcast_in_dim3A_5 {strides = array<i32>} : memref<2048xf32, #tpu.memory_space<vmem>>, vector<16xf32>,
    %swap3A_871 = arith.constant 1600 : index
    %swap3A_872 = tpu.vector_load %arg7[%swap3A_871] {strides = array<i32>} : memref<2048xf32, #tpu.memory_space<vmem>>, vector<16xf32>,
    tpu.vector_store %arg7[%swap3A_871], %broadcast_in_dim3A_5 {strides = array<i32>} : memref<2048xf32, #tpu.memory_space<vmem>>, vector<16xf32>,
    %swap3A_873 = arith.constant 1616 : index
    %swap3A_874 = tpu.vector_load %arg7[%swap3A_873] {strides = array<i32>} : memref<2048xf32, #tpu.memory_space<vmem>>, vector<16xf32>,
    tpu.vector_store %arg7[%swap3A_873], %broadcast_in_dim3A_5 {strides = array<i32>} : memref<2048xf32, #tpu.memory_space<vmem>>, vector<16xf32>,
    %swap3A_875 = arith.constant 1632 : index
    %swap3A_876 = tpu.vector_load %arg7[%swap3A_875] {strides = array<i32>} : memref<2048xf32, #tpu.memory_space<vmem>>, vector<16xf32>,
    tpu.vector_store %arg7[%swap3A_875], %broadcast_in_dim3A_5 {strides = array<i32>} : memref<2048xf32, #tpu.memory_space<vmem>>, vector<16xf32>,
    %swap3A_877 = arith.constant 1648 : index
    %swap3A_878 = tpu.vector_load %arg7[%swap3A_877] {strides = array<i32>} : memref<2048xf32, #tpu.memory_space<vmem>>, vector<16xf32>,
    tpu.vector_store %arg7[%swap3A_877], %broadcast_in_dim3A_5 {strides = array<i32>} : memref<2048xf32, #tpu.memory_space<vmem>>, vector<16xf32>,
    %swap3A_879 = arith.constant 1664 : index
    %swap3A_880 = tpu.vector_load %arg7[%swap3A_879] {strides = array<i32>} : memref<2048xf32, #tpu.memory_space<vmem>>, vector<16xf32>,
    tpu.vector_store %arg7[%swap3A_879], %broadcast_in_dim3A_5 {strides = array<i32>} : memref<2048xf32, #tpu.memory_space<vmem>>, vector<16xf32>,
    %swap3A_881 = arith.constant 1680 : index
    %swap3A_882 = tpu.vector_load %arg7[%swap3A_881] {strides = array<i32>} : memref<2048xf32, #tpu.memory_space<vmem>>, vector<16xf32>,
    tpu.vector_store %arg7[%swap3A_881], %broadcast_in_dim3A_5 {strides = array<i32>} : memref<2048xf32, #tpu.memory_space<vmem>>, vector<16xf32>,
    %swap3A_883 = arith.constant 1696 : index
    %swap3A_884 = tpu.vector_load %arg7[%swap3A_883] {strides = array<i32>} : memref<2048xf32, #tpu.memory_space<vmem>>, vector<16xf32>,
    tpu.vector_store %arg7[%swap3A_883], %broadcast_in_dim3A_5 {strides = array<i32>} : memref<2048xf32, #tpu.memory_space<vmem>>, vector<16xf32>,
    %swap3A_885 = arith.constant 1712 : index
    %swap3A_886 = tpu.vector_load %arg7[%swap3A_885] {strides = array<i32>} : memref<2048xf32, #tpu.memory_space<vmem>>, vector<16xf32>,
    tpu.vector_store %arg7[%swap3A_885], %broadcast_in_dim3A_5 {strides = array<i32>} : memref<2048xf32, #tpu.memory_space<vmem>>, vector<16xf32>,
    %swap3A_887 = arith.constant 1728 : index
    %swap3A_888 = tpu.vector_load %arg7[%swap3A_887] {strides = array<i32>} : memref<2048xf32, #tpu.memory_space<vmem>>, vector<16xf32>,
    tpu.vector_store %arg7[%swap3A_887], %broadcast_in_dim3A_5 {strides = array<i32>} : memref<2048xf32, #tpu.memory_space<vmem>>, vector<16xf32>,
    %swap3A_889 = arith.constant 1744 : index
    %swap3A_890 = tpu.vector_load %arg7[%swap3A_889] {strides = array<i32>} : memref<2048xf32, #tpu.memory_space<vmem>>, vector<16xf32>,
    tpu.vector_store %arg7[%swap3A_889], %broadcast_in_dim3A_5 {strides = array<i32>} : memref<2048xf32, #tpu.memory_space<vmem>>, vector<16xf32>,
    %swap3A_891 = arith.constant 1760 : index
    %swap3A_892 = tpu.vector_load %arg7[%swap3A_891] {strides = array<i32>} : memref<2048xf32, #tpu.memory_space<vmem>>, vector<16xf32>,
    tpu.vector_store %arg7[%swap3A_891], %broadcast_in_dim3A_5 {strides = array<i32>} : memref<2048xf32, #tpu.memory_space<vmem>>, vector<16xf32>,
    %swap3A_893 = arith.constant 1776 : index
    %swap3A_894 = tpu.vector_load %arg7[%swap3A_893] {strides = array<i32>} : memref<2048xf32, #tpu.memory_space<vmem>>, vector<16xf32>,
    tpu.vector_store %arg7[%swap3A_893], %broadcast_in_dim3A_5 {strides = array<i32>} : memref<2048xf32, #tpu.memory_space<vmem>>, vector<16xf32>,
    %swap3A_895 = arith.constant 1792 : index
    %swap3A_896 = tpu.vector_load %arg7[%swap3A_895] {strides = array<i32>} : memref<2048xf32, #tpu.memory_space<vmem>>, vector<16xf32>,
    tpu.vector_store %arg7[%swap3A_895], %broadcast_in_dim3A_5 {strides = array<i32>} : memref<2048xf32, #tpu.memory_space<vmem>>, vector<16xf32>,
    %swap3A_897 = arith.constant 1808 : index
    %swap3A_898 = tpu.vector_load %arg7[%swap3A_897] {strides = array<i32>} : memref<2048xf32, #tpu.memory_space<vmem>>, vector<16xf32>,
    tpu.vector_store %arg7[%swap3A_897], %broadcast_in_dim3A_5 {strides = array<i32>} : memref<2048xf32, #tpu.memory_space<vmem>>, vector<16xf32>,
    %swap3A_899 = arith.constant 1824 : index
    %swap3A_900 = tpu.vector_load %arg7[%swap3A_899] {strides = array<i32>} : memref<2048xf32, #tpu.memory_space<vmem>>, vector<16xf32>,
    tpu.vector_store %arg7[%swap3A_899], %broadcast_in_dim3A_5 {strides = array<i32>} : memref<2048xf32, #tpu.memory_space<vmem>>, vector<16xf32>,
    %swap3A_901 = arith.constant 1840 : index
    %swap3A_902 = tpu.vector_load %arg7[%swap3A_901] {strides = array<i32>} : memref<2048xf32, #tpu.memory_space<vmem>>, vector<16xf32>,
    tpu.vector_store %arg7[%swap3A_901], %broadcast_in_dim3A_5 {strides = array<i32>} : memref<2048xf32, #tpu.memory_space<vmem>>, vector<16xf32>,
    %swap3A_903 = arith.constant 1856 : index
    %swap3A_904 = tpu.vector_load %arg7[%swap3A_903] {strides = array<i32>} : memref<2048xf32, #tpu.memory_space<vmem>>, vector<16xf32>,
    tpu.vector_store %arg7[%swap3A_903], %broadcast_in_dim3A_5 {strides = array<i32>} : memref<2048xf32, #tpu.memory_space<vmem>>, vector<16xf32>,
    %swap3A_905 = arith.constant 1872 : index
    %swap3A_906 = tpu.vector_load %arg7[%swap3A_905] {strides = array<i32>} : memref<2048xf32, #tpu.memory_space<vmem>>, vector<16xf32>,
    tpu.vector_store %arg7[%swap3A_905], %broadcast_in_dim3A_5 {strides = array<i32>} : memref<2048xf32, #tpu.memory_space<vmem>>, vector<16xf32>,
    %swap3A_907 = arith.constant 1888 : index
    %swap3A_908 = tpu.vector_load %arg7[%swap3A_907] {strides = array<i32>} : memref<2048xf32, #tpu.memory_space<vmem>>, vector<16xf32>,
    tpu.vector_store %arg7[%swap3A_907], %broadcast_in_dim3A_5 {strides = array<i32>} : memref<2048xf32, #tpu.memory_space<vmem>>, vector<16xf32>,
    %swap3A_909 = arith.constant 1904 : index
    %swap3A_910 = tpu.vector_load %arg7[%swap3A_909] {strides = array<i32>} : memref<2048xf32, #tpu.memory_space<vmem>>, vector<16xf32>,
    tpu.vector_store %arg7[%swap3A_909], %broadcast_in_dim3A_5 {strides = array<i32>} : memref<2048xf32, #tpu.memory_space<vmem>>, vector<16xf32>,
    %swap3A_911 = arith.constant 1920 : index
    %swap3A_912 = tpu.vector_load %arg7[%swap3A_911] {strides = array<i32>} : memref<2048xf32, #tpu.memory_space<vmem>>, vector<16xf32>,
    tpu.vector_store %arg7[%swap3A_911], %broadcast_in_dim3A_5 {strides = array<i32>} : memref<2048xf32, #tpu.memory_space<vmem>>, vector<16xf32>,
    %swap3A_913 = arith.constant 1936 : index
    %swap3A_914 = tpu.vector_load %arg7[%swap3A_913] {strides = array<i32>} : memref<2048xf32, #tpu.memory_space<vmem>>, vector<16xf32>,
    tpu.vector_store %arg7[%swap3A_913], %broadcast_in_dim3A_5 {strides = array<i32>} : memref<2048xf32, #tpu.memory_space<vmem>>, vector<16xf32>,
    %swap3A_915 = arith.constant 1952 : index
    %swap3A_916 = tpu.vector_load %arg7[%swap3A_915] {strides = array<i32>} : memref<2048xf32, #tpu.memory_space<vmem>>, vector<16xf32>,
    tpu.vector_store %arg7[%swap3A_915], %broadcast_in_dim3A_5 {strides = array<i32>} : memref<2048xf32, #tpu.memory_space<vmem>>, vector<16xf32>,
    %swap3A_917 = arith.constant 1968 : index
    %swap3A_918 = tpu.vector_load %arg7[%swap3A_917] {strides = array<i32>} : memref<2048xf32, #tpu.memory_space<vmem>>, vector<16xf32>,
    tpu.vector_store %arg7[%swap3A_917], %broadcast_in_dim3A_5 {strides = array<i32>} : memref<2048xf32, #tpu.memory_space<vmem>>, vector<16xf32>,
    %swap3A_919 = arith.constant 1984 : index
    %swap3A_920 = tpu.vector_load %arg7[%swap3A_919] {strides = array<i32>} : memref<2048xf32, #tpu.memory_space<vmem>>, vector<16xf32>,
    tpu.vector_store %arg7[%swap3A_919], %broadcast_in_dim3A_5 {strides = array<i32>} : memref<2048xf32, #tpu.memory_space<vmem>>, vector<16xf32>,
    %swap3A_921 = arith.constant 2000 : index
    %swap3A_922 = tpu.vector_load %arg7[%swap3A_921] {strides = array<i32>} : memref<2048xf32, #tpu.memory_space<vmem>>, vector<16xf32>,
    tpu.vector_store %arg7[%swap3A_921], %broadcast_in_dim3A_5 {strides = array<i32>} : memref<2048xf32, #tpu.memory_space<vmem>>, vector<16xf32>,
    %swap3A_923 = arith.constant 2016 : index
    %swap3A_924 = tpu.vector_load %arg7[%swap3A_923] {strides = array<i32>} : memref<2048xf32, #tpu.memory_space<vmem>>, vector<16xf32>,
    tpu.vector_store %arg7[%swap3A_923], %broadcast_in_dim3A_5 {strides = array<i32>} : memref<2048xf32, #tpu.memory_space<vmem>>, vector<16xf32>,
    %swap3A_925 = arith.constant 2032 : index
    %swap3A_926 = tpu.vector_load %arg7[%swap3A_925] {strides = array<i32>} : memref<2048xf32, #tpu.memory_space<vmem>>, vector<16xf32>,
    tpu.vector_store %arg7[%swap3A_925], %broadcast_in_dim3A_5 {strides = array<i32>} : memref<2048xf32, #tpu.memory_space<vmem>>, vector<16xf32>,
    %not3A_927 = arith.constant true
    %not3A_928 = arith.xori %eq3A_9, %not3A_927 : i1
    %convert_element_type3A_929 = arith.extui %not3A_928 : i1 to i32
    %cond3A_930 = arith.constant 0 : i32
    %cond3A_931 = arith.cmpi ne, %convert_element_type3A_929, %cond3A_930 : i32
    scf.if %cond3A_931 {
      "tpu.region"() ({
        %run_scoped3A = tpu.sem_alloc : memref<!tpu.dma_semaphore, #tpu.memory_space<semaphore_mem>>
        %dma_start3A = tpu.memref_slice %arg3[%mul3A_2] : memref<500000xi32, #tpu.memory_space<hbm>> -> memref<15632xi32, #tpu.memory_space<hbm>>
        %dma_start3A_1337 = tpu.memref_slice %arg3[%mul3A_2] : memref<500000xi32, #tpu.memory_space<hbm>> -> memref<15632xi32, #tpu.memory_space<hbm>>
        tpu.enqueue_dma source(%dma_start3A_1337 : memref<15632xi32, #tpu.memory_space<hbm>>) target(%arg6 : memref<15632xi32, #tpu.memory_space<vmem>>) target_semaphore(%run_scoped3A : memref<!tpu.dma_semaphore, #tpu.memory_space<semaphore_mem>>)
        %dma_wait3A = tpu.memref_slice %arg3[%mul3A_2] : memref<500000xi32, #tpu.memory_space<hbm>> -> memref<15632xi32, #tpu.memory_space<hbm>>
        %dma_wait3A_1338 = tpu.memref_slice %arg3[%mul3A_2] : memref<500000xi32, #tpu.memory_space<hbm>> -> memref<15632xi32, #tpu.memory_space<hbm>>
        tpu.wait_dma2 semaphore(%run_scoped3A : memref<!tpu.dma_semaphore, #tpu.memory_space<semaphore_mem>>) src(%dma_wait3A_1338 : memref<15632xi32, #tpu.memory_space<hbm>>) dst(%arg6 : memref<15632xi32, #tpu.memory_space<vmem>>)
        tpu.yield
      }) : () -> ()
    } else {
    }
    %convert_element_type3A_932 = arith.extui %eq3A_9 : i1 to i32
    %cond3A_933 = arith.constant 0 : i32
    %cond3A_934 = arith.cmpi ne, %convert_element_type3A_932, %cond3A_933 : i32
    scf.if %cond3A_934 {
      "tpu.region"() ({
        %run_scoped3A = tpu.sem_alloc : memref<!tpu.dma_semaphore, #tpu.memory_space<semaphore_mem>>
        %dma_start3A = arith.constant 0 : i32
        %dma_start3A_1337 = tpu.memref_slice %arg6[%dma_start3A] : memref<15632xi32, #tpu.memory_space<vmem>> -> memref<15408xi32, #tpu.memory_space<vmem>>
        %dma_start3A_1338 = tpu.memref_slice %arg3[%mul3A_2] : memref<500000xi32, #tpu.memory_space<hbm>> -> memref<15408xi32, #tpu.memory_space<hbm>>
        %dma_start3A_1339 = arith.constant 0 : i32
        %dma_start3A_1340 = tpu.memref_slice %arg6[%dma_start3A_1339] : memref<15632xi32, #tpu.memory_space<vmem>> -> memref<15408xi32, #tpu.memory_space<vmem>>
        %dma_start3A_1341 = tpu.memref_slice %arg3[%mul3A_2] : memref<500000xi32, #tpu.memory_space<hbm>> -> memref<15408xi32, #tpu.memory_space<hbm>>
        tpu.enqueue_dma source(%dma_start3A_1341 : memref<15408xi32, #tpu.memory_space<hbm>>) target(%dma_start3A_1340 : memref<15408xi32, #tpu.memory_space<vmem>>) target_semaphore(%run_scoped3A : memref<!tpu.dma_semaphore, #tpu.memory_space<semaphore_mem>>)
        %dma_wait3A = arith.constant 0 : i32
        %dma_wait3A_1342 = tpu.memref_slice %arg6[%dma_wait3A] : memref<15632xi32, #tpu.memory_space<vmem>> -> memref<15408xi32, #tpu.memory_space<vmem>>
        %dma_wait3A_1343 = tpu.memref_slice %arg3[%mul3A_2] : memref<500000xi32, #tpu.memory_space<hbm>> -> memref<15408xi32, #tpu.memory_space<hbm>>
        %dma_wait3A_1344 = arith.constant 0 : i32
        %dma_wait3A_1345 = tpu.memref_slice %arg6[%dma_wait3A_1344] : memref<15632xi32, #tpu.memory_space<vmem>> -> memref<15408xi32, #tpu.memory_space<vmem>>
        %dma_wait3A_1346 = tpu.memref_slice %arg3[%mul3A_2] : memref<500000xi32, #tpu.memory_space<hbm>> -> memref<15408xi32, #tpu.memory_space<hbm>>
        tpu.wait_dma2 semaphore(%run_scoped3A : memref<!tpu.dma_semaphore, #tpu.memory_space<semaphore_mem>>) src(%dma_wait3A_1346 : memref<15408xi32, #tpu.memory_space<hbm>>) dst(%dma_wait3A_1345 : memref<15408xi32, #tpu.memory_space<vmem>>)
        tpu.yield
      }) : () -> ()
    } else {
    }
    %while3A_935 = arith.constant 0 : i32
    %while3A_936 = arith.constant 0 : i32
    %while3A_937 = arith.subi %select_n3A, %while3A_936 : i32
    %while3A_938 = arith.addi %while3A_936, %while3A_937 : i32
    %while3A_939 = arith.constant 1 : i32
    %while3A_940 = arith.divsi %while3A_937, %while3A_939 : i32
    %while3A_941 = arith.muli %while3A_940, %while3A_939 : i32
    %while3A_942 = arith.addi %while3A_936, %while3A_941 : i32
    %while3A_943 = arith.constant 1 : i32
    scf.for %while3A_1337 = %while3A_936 to %while3A_942 step %while3A_943  : i32 {
      %mul3A_1338 = arith.constant 16 : i32
      %mul3A_1339 = arith.muli %while3A_1337, %mul3A_1338 : i32
      %get3A_1340 = arith.index_cast %mul3A_1339 : i32 to index
      %get3A_1341 = tpu.vector_load %arg6[%get3A_1340] {strides = array<i32>} : memref<15632xi32, #tpu.memory_space<vmem>>, vector<16xi32>,
      %add3A_1342 = arith.addi %mul3A_8, %get3A_1341 : vector<16xi32>
      tpu.vector_store_idx %arg7[%add3A_1342], %broadcast_in_dim3A_3 {add = true} : memref<2048xf32, #tpu.memory_space<vmem>>[vector<16xi32>], vector<16xf32>,
    }
    %while3A_944 = arith.constant 1 : i32
    scf.for %while3A_1337 = %while3A_942 to %while3A_938 step %while3A_944  : i32 {
      %mul3A_1338 = arith.constant 16 : i32
      %mul3A_1339 = arith.muli %while3A_1337, %mul3A_1338 : i32
      %get3A_1340 = arith.index_cast %mul3A_1339 : i32 to index
      %get3A_1341 = tpu.vector_load %arg6[%get3A_1340] {strides = array<i32>} : memref<15632xi32, #tpu.memory_space<vmem>>, vector<16xi32>,
      %add3A_1342 = arith.addi %mul3A_8, %get3A_1341 : vector<16xi32>
      tpu.vector_store_idx %arg7[%add3A_1342], %broadcast_in_dim3A_3 {add = true} : memref<2048xf32, #tpu.memory_space<vmem>>[vector<16xi32>], vector<16xf32>,
    }
    %get3A_945 = arith.constant 0 : index
    %get3A_946 = tpu.vector_load %arg7[%get3A_945] {strides = array<i32>} : memref<2048xf32, #tpu.memory_space<vmem>>, vector<16xf32>,
    %get3A_947 = arith.constant 128 : index
    %get3A_948 = tpu.vector_load %arg7[%get3A_947] {strides = array<i32>} : memref<2048xf32, #tpu.memory_space<vmem>>, vector<16xf32>,
    %add3A_949 = arith.addf %get3A_946, %get3A_948 : vector<16xf32>
    %get3A_950 = arith.constant 256 : index
    %get3A_951 = tpu.vector_load %arg7[%get3A_950] {strides = array<i32>} : memref<2048xf32, #tpu.memory_space<vmem>>, vector<16xf32>,
    %add3A_952 = arith.addf %add3A_949, %get3A_951 : vector<16xf32>
    %get3A_953 = arith.constant 384 : index
    %get3A_954 = tpu.vector_load %arg7[%get3A_953] {strides = array<i32>} : memref<2048xf32, #tpu.memory_space<vmem>>, vector<16xf32>,
    %add3A_955 = arith.addf %add3A_952, %get3A_954 : vector<16xf32>
    %get3A_956 = arith.constant 512 : index
    %get3A_957 = tpu.vector_load %arg7[%get3A_956] {strides = array<i32>} : memref<2048xf32, #tpu.memory_space<vmem>>, vector<16xf32>,
    %add3A_958 = arith.addf %add3A_955, %get3A_957 : vector<16xf32>
    %get3A_959 = arith.constant 640 : index
    %get3A_960 = tpu.vector_load %arg7[%get3A_959] {strides = array<i32>} : memref<2048xf32, #tpu.memory_space<vmem>>, vector<16xf32>,
    %add3A_961 = arith.addf %add3A_958, %get3A_960 : vector<16xf32>
    %get3A_962 = arith.constant 768 : index
    %get3A_963 = tpu.vector_load %arg7[%get3A_962] {strides = array<i32>} : memref<2048xf32, #tpu.memory_space<vmem>>, vector<16xf32>,
    %add3A_964 = arith.addf %add3A_961, %get3A_963 : vector<16xf32>
    %get3A_965 = arith.constant 896 : index
    %get3A_966 = tpu.vector_load %arg7[%get3A_965] {strides = array<i32>} : memref<2048xf32, #tpu.memory_space<vmem>>, vector<16xf32>,
    %add3A_967 = arith.addf %add3A_964, %get3A_966 : vector<16xf32>
    %get3A_968 = arith.constant 1024 : index
    %get3A_969 = tpu.vector_load %arg7[%get3A_968] {strides = array<i32>} : memref<2048xf32, #tpu.memory_space<vmem>>, vector<16xf32>,
    %add3A_970 = arith.addf %add3A_967, %get3A_969 : vector<16xf32>
    %get3A_971 = arith.constant 1152 : index
    %get3A_972 = tpu.vector_load %arg7[%get3A_971] {strides = array<i32>} : memref<2048xf32, #tpu.memory_space<vmem>>, vector<16xf32>,
    %add3A_973 = arith.addf %add3A_970, %get3A_972 : vector<16xf32>
    %get3A_974 = arith.constant 1280 : index
    %get3A_975 = tpu.vector_load %arg7[%get3A_974] {strides = array<i32>} : memref<2048xf32, #tpu.memory_space<vmem>>, vector<16xf32>,
    %add3A_976 = arith.addf %add3A_973, %get3A_975 : vector<16xf32>
    %get3A_977 = arith.constant 1408 : index
    %get3A_978 = tpu.vector_load %arg7[%get3A_977] {strides = array<i32>} : memref<2048xf32, #tpu.memory_space<vmem>>, vector<16xf32>,
    %add3A_979 = arith.addf %add3A_976, %get3A_978 : vector<16xf32>
    %get3A_980 = arith.constant 1536 : index
    %get3A_981 = tpu.vector_load %arg7[%get3A_980] {strides = array<i32>} : memref<2048xf32, #tpu.memory_space<vmem>>, vector<16xf32>,
    %add3A_982 = arith.addf %add3A_979, %get3A_981 : vector<16xf32>
    %get3A_983 = arith.constant 1664 : index
    %get3A_984 = tpu.vector_load %arg7[%get3A_983] {strides = array<i32>} : memref<2048xf32, #tpu.memory_space<vmem>>, vector<16xf32>,
    %add3A_985 = arith.addf %add3A_982, %get3A_984 : vector<16xf32>
    %get3A_986 = arith.constant 1792 : index
    %get3A_987 = tpu.vector_load %arg7[%get3A_986] {strides = array<i32>} : memref<2048xf32, #tpu.memory_space<vmem>>, vector<16xf32>,
    %add3A_988 = arith.addf %add3A_985, %get3A_987 : vector<16xf32>
    %get3A_989 = arith.constant 1920 : index
    %get3A_990 = tpu.vector_load %arg7[%get3A_989] {strides = array<i32>} : memref<2048xf32, #tpu.memory_space<vmem>>, vector<16xf32>,
    %add3A_991 = arith.addf %add3A_988, %get3A_990 : vector<16xf32>
    %swap3A_992 = arith.constant 0 : index
    %swap3A_993 = tpu.vector_load %arg8[%swap3A_992] {strides = array<i32>} : memref<128xf32, #tpu.memory_space<vmem>>, vector<16xf32>,
    tpu.vector_store %arg8[%swap3A_992], %add3A_991 {strides = array<i32>} : memref<128xf32, #tpu.memory_space<vmem>>, vector<16xf32>,
    %get3A_994 = arith.constant 16 : index
    %get3A_995 = tpu.vector_load %arg7[%get3A_994] {strides = array<i32>} : memref<2048xf32, #tpu.memory_space<vmem>>, vector<16xf32>,
    %get3A_996 = arith.constant 144 : index
    %get3A_997 = tpu.vector_load %arg7[%get3A_996] {strides = array<i32>} : memref<2048xf32, #tpu.memory_space<vmem>>, vector<16xf32>,
    %add3A_998 = arith.addf %get3A_995, %get3A_997 : vector<16xf32>
    %get3A_999 = arith.constant 272 : index
    %get3A_1000 = tpu.vector_load %arg7[%get3A_999] {strides = array<i32>} : memref<2048xf32, #tpu.memory_space<vmem>>, vector<16xf32>,
    %add3A_1001 = arith.addf %add3A_998, %get3A_1000 : vector<16xf32>
    %get3A_1002 = arith.constant 400 : index
    %get3A_1003 = tpu.vector_load %arg7[%get3A_1002] {strides = array<i32>} : memref<2048xf32, #tpu.memory_space<vmem>>, vector<16xf32>,
    %add3A_1004 = arith.addf %add3A_1001, %get3A_1003 : vector<16xf32>
    %get3A_1005 = arith.constant 528 : index
    %get3A_1006 = tpu.vector_load %arg7[%get3A_1005] {strides = array<i32>} : memref<2048xf32, #tpu.memory_space<vmem>>, vector<16xf32>,
    %add3A_1007 = arith.addf %add3A_1004, %get3A_1006 : vector<16xf32>
    %get3A_1008 = arith.constant 656 : index
    %get3A_1009 = tpu.vector_load %arg7[%get3A_1008] {strides = array<i32>} : memref<2048xf32, #tpu.memory_space<vmem>>, vector<16xf32>,
    %add3A_1010 = arith.addf %add3A_1007, %get3A_1009 : vector<16xf32>
    %get3A_1011 = arith.constant 784 : index
    %get3A_1012 = tpu.vector_load %arg7[%get3A_1011] {strides = array<i32>} : memref<2048xf32, #tpu.memory_space<vmem>>, vector<16xf32>,
    %add3A_1013 = arith.addf %add3A_1010, %get3A_1012 : vector<16xf32>
    %get3A_1014 = arith.constant 912 : index
    %get3A_1015 = tpu.vector_load %arg7[%get3A_1014] {strides = array<i32>} : memref<2048xf32, #tpu.memory_space<vmem>>, vector<16xf32>,
    %add3A_1016 = arith.addf %add3A_1013, %get3A_1015 : vector<16xf32>
    %get3A_1017 = arith.constant 1040 : index
    %get3A_1018 = tpu.vector_load %arg7[%get3A_1017] {strides = array<i32>} : memref<2048xf32, #tpu.memory_space<vmem>>, vector<16xf32>,
    %add3A_1019 = arith.addf %add3A_1016, %get3A_1018 : vector<16xf32>
    %get3A_1020 = arith.constant 1168 : index
    %get3A_1021 = tpu.vector_load %arg7[%get3A_1020] {strides = array<i32>} : memref<2048xf32, #tpu.memory_space<vmem>>, vector<16xf32>,
    %add3A_1022 = arith.addf %add3A_1019, %get3A_1021 : vector<16xf32>
    %get3A_1023 = arith.constant 1296 : index
    %get3A_1024 = tpu.vector_load %arg7[%get3A_1023] {strides = array<i32>} : memref<2048xf32, #tpu.memory_space<vmem>>, vector<16xf32>,
    %add3A_1025 = arith.addf %add3A_1022, %get3A_1024 : vector<16xf32>
    %get3A_1026 = arith.constant 1424 : index
    %get3A_1027 = tpu.vector_load %arg7[%get3A_1026] {strides = array<i32>} : memref<2048xf32, #tpu.memory_space<vmem>>, vector<16xf32>,
    %add3A_1028 = arith.addf %add3A_1025, %get3A_1027 : vector<16xf32>
    %get3A_1029 = arith.constant 1552 : index
    %get3A_1030 = tpu.vector_load %arg7[%get3A_1029] {strides = array<i32>} : memref<2048xf32, #tpu.memory_space<vmem>>, vector<16xf32>,
    %add3A_1031 = arith.addf %add3A_1028, %get3A_1030 : vector<16xf32>
    %get3A_1032 = arith.constant 1680 : index
    %get3A_1033 = tpu.vector_load %arg7[%get3A_1032] {strides = array<i32>} : memref<2048xf32, #tpu.memory_space<vmem>>, vector<16xf32>,
    %add3A_1034 = arith.addf %add3A_1031, %get3A_1033 : vector<16xf32>
    %get3A_1035 = arith.constant 1808 : index
    %get3A_1036 = tpu.vector_load %arg7[%get3A_1035] {strides = array<i32>} : memref<2048xf32, #tpu.memory_space<vmem>>, vector<16xf32>,
    %add3A_1037 = arith.addf %add3A_1034, %get3A_1036 : vector<16xf32>
    %get3A_1038 = arith.constant 1936 : index
    %get3A_1039 = tpu.vector_load %arg7[%get3A_1038] {strides = array<i32>} : memref<2048xf32, #tpu.memory_space<vmem>>, vector<16xf32>,
    %add3A_1040 = arith.addf %add3A_1037, %get3A_1039 : vector<16xf32>
    %swap3A_1041 = arith.constant 16 : index
    %swap3A_1042 = tpu.vector_load %arg8[%swap3A_1041] {strides = array<i32>} : memref<128xf32, #tpu.memory_space<vmem>>, vector<16xf32>,
    tpu.vector_store %arg8[%swap3A_1041], %add3A_1040 {strides = array<i32>} : memref<128xf32, #tpu.memory_space<vmem>>, vector<16xf32>,
    %get3A_1043 = arith.constant 32 : index
    %get3A_1044 = tpu.vector_load %arg7[%get3A_1043] {strides = array<i32>} : memref<2048xf32, #tpu.memory_space<vmem>>, vector<16xf32>,
    %get3A_1045 = arith.constant 160 : index
    %get3A_1046 = tpu.vector_load %arg7[%get3A_1045] {strides = array<i32>} : memref<2048xf32, #tpu.memory_space<vmem>>, vector<16xf32>,
    %add3A_1047 = arith.addf %get3A_1044, %get3A_1046 : vector<16xf32>
    %get3A_1048 = arith.constant 288 : index
    %get3A_1049 = tpu.vector_load %arg7[%get3A_1048] {strides = array<i32>} : memref<2048xf32, #tpu.memory_space<vmem>>, vector<16xf32>,
    %add3A_1050 = arith.addf %add3A_1047, %get3A_1049 : vector<16xf32>
    %get3A_1051 = arith.constant 416 : index
    %get3A_1052 = tpu.vector_load %arg7[%get3A_1051] {strides = array<i32>} : memref<2048xf32, #tpu.memory_space<vmem>>, vector<16xf32>,
    %add3A_1053 = arith.addf %add3A_1050, %get3A_1052 : vector<16xf32>
    %get3A_1054 = arith.constant 544 : index
    %get3A_1055 = tpu.vector_load %arg7[%get3A_1054] {strides = array<i32>} : memref<2048xf32, #tpu.memory_space<vmem>>, vector<16xf32>,
    %add3A_1056 = arith.addf %add3A_1053, %get3A_1055 : vector<16xf32>
    %get3A_1057 = arith.constant 672 : index
    %get3A_1058 = tpu.vector_load %arg7[%get3A_1057] {strides = array<i32>} : memref<2048xf32, #tpu.memory_space<vmem>>, vector<16xf32>,
    %add3A_1059 = arith.addf %add3A_1056, %get3A_1058 : vector<16xf32>
    %get3A_1060 = arith.constant 800 : index
    %get3A_1061 = tpu.vector_load %arg7[%get3A_1060] {strides = array<i32>} : memref<2048xf32, #tpu.memory_space<vmem>>, vector<16xf32>,
    %add3A_1062 = arith.addf %add3A_1059, %get3A_1061 : vector<16xf32>
    %get3A_1063 = arith.constant 928 : index
    %get3A_1064 = tpu.vector_load %arg7[%get3A_1063] {strides = array<i32>} : memref<2048xf32, #tpu.memory_space<vmem>>, vector<16xf32>,
    %add3A_1065 = arith.addf %add3A_1062, %get3A_1064 : vector<16xf32>
    %get3A_1066 = arith.constant 1056 : index
    %get3A_1067 = tpu.vector_load %arg7[%get3A_1066] {strides = array<i32>} : memref<2048xf32, #tpu.memory_space<vmem>>, vector<16xf32>,
    %add3A_1068 = arith.addf %add3A_1065, %get3A_1067 : vector<16xf32>
    %get3A_1069 = arith.constant 1184 : index
    %get3A_1070 = tpu.vector_load %arg7[%get3A_1069] {strides = array<i32>} : memref<2048xf32, #tpu.memory_space<vmem>>, vector<16xf32>,
    %add3A_1071 = arith.addf %add3A_1068, %get3A_1070 : vector<16xf32>
    %get3A_1072 = arith.constant 1312 : index
    %get3A_1073 = tpu.vector_load %arg7[%get3A_1072] {strides = array<i32>} : memref<2048xf32, #tpu.memory_space<vmem>>, vector<16xf32>,
    %add3A_1074 = arith.addf %add3A_1071, %get3A_1073 : vector<16xf32>
    %get3A_1075 = arith.constant 1440 : index
    %get3A_1076 = tpu.vector_load %arg7[%get3A_1075] {strides = array<i32>} : memref<2048xf32, #tpu.memory_space<vmem>>, vector<16xf32>,
    %add3A_1077 = arith.addf %add3A_1074, %get3A_1076 : vector<16xf32>
    %get3A_1078 = arith.constant 1568 : index
    %get3A_1079 = tpu.vector_load %arg7[%get3A_1078] {strides = array<i32>} : memref<2048xf32, #tpu.memory_space<vmem>>, vector<16xf32>,
    %add3A_1080 = arith.addf %add3A_1077, %get3A_1079 : vector<16xf32>
    %get3A_1081 = arith.constant 1696 : index
    %get3A_1082 = tpu.vector_load %arg7[%get3A_1081] {strides = array<i32>} : memref<2048xf32, #tpu.memory_space<vmem>>, vector<16xf32>,
    %add3A_1083 = arith.addf %add3A_1080, %get3A_1082 : vector<16xf32>
    %get3A_1084 = arith.constant 1824 : index
    %get3A_1085 = tpu.vector_load %arg7[%get3A_1084] {strides = array<i32>} : memref<2048xf32, #tpu.memory_space<vmem>>, vector<16xf32>,
    %add3A_1086 = arith.addf %add3A_1083, %get3A_1085 : vector<16xf32>
    %get3A_1087 = arith.constant 1952 : index
    %get3A_1088 = tpu.vector_load %arg7[%get3A_1087] {strides = array<i32>} : memref<2048xf32, #tpu.memory_space<vmem>>, vector<16xf32>,
    %add3A_1089 = arith.addf %add3A_1086, %get3A_1088 : vector<16xf32>
    %swap3A_1090 = arith.constant 32 : index
    %swap3A_1091 = tpu.vector_load %arg8[%swap3A_1090] {strides = array<i32>} : memref<128xf32, #tpu.memory_space<vmem>>, vector<16xf32>,
    tpu.vector_store %arg8[%swap3A_1090], %add3A_1089 {strides = array<i32>} : memref<128xf32, #tpu.memory_space<vmem>>, vector<16xf32>,
    %get3A_1092 = arith.constant 48 : index
    %get3A_1093 = tpu.vector_load %arg7[%get3A_1092] {strides = array<i32>} : memref<2048xf32, #tpu.memory_space<vmem>>, vector<16xf32>,
    %get3A_1094 = arith.constant 176 : index
    %get3A_1095 = tpu.vector_load %arg7[%get3A_1094] {strides = array<i32>} : memref<2048xf32, #tpu.memory_space<vmem>>, vector<16xf32>,
    %add3A_1096 = arith.addf %get3A_1093, %get3A_1095 : vector<16xf32>
    %get3A_1097 = arith.constant 304 : index
    %get3A_1098 = tpu.vector_load %arg7[%get3A_1097] {strides = array<i32>} : memref<2048xf32, #tpu.memory_space<vmem>>, vector<16xf32>,
    %add3A_1099 = arith.addf %add3A_1096, %get3A_1098 : vector<16xf32>
    %get3A_1100 = arith.constant 432 : index
    %get3A_1101 = tpu.vector_load %arg7[%get3A_1100] {strides = array<i32>} : memref<2048xf32, #tpu.memory_space<vmem>>, vector<16xf32>,
    %add3A_1102 = arith.addf %add3A_1099, %get3A_1101 : vector<16xf32>
    %get3A_1103 = arith.constant 560 : index
    %get3A_1104 = tpu.vector_load %arg7[%get3A_1103] {strides = array<i32>} : memref<2048xf32, #tpu.memory_space<vmem>>, vector<16xf32>,
    %add3A_1105 = arith.addf %add3A_1102, %get3A_1104 : vector<16xf32>
    %get3A_1106 = arith.constant 688 : index
    %get3A_1107 = tpu.vector_load %arg7[%get3A_1106] {strides = array<i32>} : memref<2048xf32, #tpu.memory_space<vmem>>, vector<16xf32>,
    %add3A_1108 = arith.addf %add3A_1105, %get3A_1107 : vector<16xf32>
    %get3A_1109 = arith.constant 816 : index
    %get3A_1110 = tpu.vector_load %arg7[%get3A_1109] {strides = array<i32>} : memref<2048xf32, #tpu.memory_space<vmem>>, vector<16xf32>,
    %add3A_1111 = arith.addf %add3A_1108, %get3A_1110 : vector<16xf32>
    %get3A_1112 = arith.constant 944 : index
    %get3A_1113 = tpu.vector_load %arg7[%get3A_1112] {strides = array<i32>} : memref<2048xf32, #tpu.memory_space<vmem>>, vector<16xf32>,
    %add3A_1114 = arith.addf %add3A_1111, %get3A_1113 : vector<16xf32>
    %get3A_1115 = arith.constant 1072 : index
    %get3A_1116 = tpu.vector_load %arg7[%get3A_1115] {strides = array<i32>} : memref<2048xf32, #tpu.memory_space<vmem>>, vector<16xf32>,
    %add3A_1117 = arith.addf %add3A_1114, %get3A_1116 : vector<16xf32>
    %get3A_1118 = arith.constant 1200 : index
    %get3A_1119 = tpu.vector_load %arg7[%get3A_1118] {strides = array<i32>} : memref<2048xf32, #tpu.memory_space<vmem>>, vector<16xf32>,
    %add3A_1120 = arith.addf %add3A_1117, %get3A_1119 : vector<16xf32>
    %get3A_1121 = arith.constant 1328 : index
    %get3A_1122 = tpu.vector_load %arg7[%get3A_1121] {strides = array<i32>} : memref<2048xf32, #tpu.memory_space<vmem>>, vector<16xf32>,
    %add3A_1123 = arith.addf %add3A_1120, %get3A_1122 : vector<16xf32>
    %get3A_1124 = arith.constant 1456 : index
    %get3A_1125 = tpu.vector_load %arg7[%get3A_1124] {strides = array<i32>} : memref<2048xf32, #tpu.memory_space<vmem>>, vector<16xf32>,
    %add3A_1126 = arith.addf %add3A_1123, %get3A_1125 : vector<16xf32>
    %get3A_1127 = arith.constant 1584 : index
    %get3A_1128 = tpu.vector_load %arg7[%get3A_1127] {strides = array<i32>} : memref<2048xf32, #tpu.memory_space<vmem>>, vector<16xf32>,
    %add3A_1129 = arith.addf %add3A_1126, %get3A_1128 : vector<16xf32>
    %get3A_1130 = arith.constant 1712 : index
    %get3A_1131 = tpu.vector_load %arg7[%get3A_1130] {strides = array<i32>} : memref<2048xf32, #tpu.memory_space<vmem>>, vector<16xf32>,
    %add3A_1132 = arith.addf %add3A_1129, %get3A_1131 : vector<16xf32>
    %get3A_1133 = arith.constant 1840 : index
    %get3A_1134 = tpu.vector_load %arg7[%get3A_1133] {strides = array<i32>} : memref<2048xf32, #tpu.memory_space<vmem>>, vector<16xf32>,
    %add3A_1135 = arith.addf %add3A_1132, %get3A_1134 : vector<16xf32>
    %get3A_1136 = arith.constant 1968 : index
    %get3A_1137 = tpu.vector_load %arg7[%get3A_1136] {strides = array<i32>} : memref<2048xf32, #tpu.memory_space<vmem>>, vector<16xf32>,
    %add3A_1138 = arith.addf %add3A_1135, %get3A_1137 : vector<16xf32>
    %swap3A_1139 = arith.constant 48 : index
    %swap3A_1140 = tpu.vector_load %arg8[%swap3A_1139] {strides = array<i32>} : memref<128xf32, #tpu.memory_space<vmem>>, vector<16xf32>,
    tpu.vector_store %arg8[%swap3A_1139], %add3A_1138 {strides = array<i32>} : memref<128xf32, #tpu.memory_space<vmem>>, vector<16xf32>,
    %get3A_1141 = arith.constant 64 : index
    %get3A_1142 = tpu.vector_load %arg7[%get3A_1141] {strides = array<i32>} : memref<2048xf32, #tpu.memory_space<vmem>>, vector<16xf32>,
    %get3A_1143 = arith.constant 192 : index
    %get3A_1144 = tpu.vector_load %arg7[%get3A_1143] {strides = array<i32>} : memref<2048xf32, #tpu.memory_space<vmem>>, vector<16xf32>,
    %add3A_1145 = arith.addf %get3A_1142, %get3A_1144 : vector<16xf32>
    %get3A_1146 = arith.constant 320 : index
    %get3A_1147 = tpu.vector_load %arg7[%get3A_1146] {strides = array<i32>} : memref<2048xf32, #tpu.memory_space<vmem>>, vector<16xf32>,
    %add3A_1148 = arith.addf %add3A_1145, %get3A_1147 : vector<16xf32>
    %get3A_1149 = arith.constant 448 : index
    %get3A_1150 = tpu.vector_load %arg7[%get3A_1149] {strides = array<i32>} : memref<2048xf32, #tpu.memory_space<vmem>>, vector<16xf32>,
    %add3A_1151 = arith.addf %add3A_1148, %get3A_1150 : vector<16xf32>
    %get3A_1152 = arith.constant 576 : index
    %get3A_1153 = tpu.vector_load %arg7[%get3A_1152] {strides = array<i32>} : memref<2048xf32, #tpu.memory_space<vmem>>, vector<16xf32>,
    %add3A_1154 = arith.addf %add3A_1151, %get3A_1153 : vector<16xf32>
    %get3A_1155 = arith.constant 704 : index
    %get3A_1156 = tpu.vector_load %arg7[%get3A_1155] {strides = array<i32>} : memref<2048xf32, #tpu.memory_space<vmem>>, vector<16xf32>,
    %add3A_1157 = arith.addf %add3A_1154, %get3A_1156 : vector<16xf32>
    %get3A_1158 = arith.constant 832 : index
    %get3A_1159 = tpu.vector_load %arg7[%get3A_1158] {strides = array<i32>} : memref<2048xf32, #tpu.memory_space<vmem>>, vector<16xf32>,
    %add3A_1160 = arith.addf %add3A_1157, %get3A_1159 : vector<16xf32>
    %get3A_1161 = arith.constant 960 : index
    %get3A_1162 = tpu.vector_load %arg7[%get3A_1161] {strides = array<i32>} : memref<2048xf32, #tpu.memory_space<vmem>>, vector<16xf32>,
    %add3A_1163 = arith.addf %add3A_1160, %get3A_1162 : vector<16xf32>
    %get3A_1164 = arith.constant 1088 : index
    %get3A_1165 = tpu.vector_load %arg7[%get3A_1164] {strides = array<i32>} : memref<2048xf32, #tpu.memory_space<vmem>>, vector<16xf32>,
    %add3A_1166 = arith.addf %add3A_1163, %get3A_1165 : vector<16xf32>
    %get3A_1167 = arith.constant 1216 : index
    %get3A_1168 = tpu.vector_load %arg7[%get3A_1167] {strides = array<i32>} : memref<2048xf32, #tpu.memory_space<vmem>>, vector<16xf32>,
    %add3A_1169 = arith.addf %add3A_1166, %get3A_1168 : vector<16xf32>
    %get3A_1170 = arith.constant 1344 : index
    %get3A_1171 = tpu.vector_load %arg7[%get3A_1170] {strides = array<i32>} : memref<2048xf32, #tpu.memory_space<vmem>>, vector<16xf32>,
    %add3A_1172 = arith.addf %add3A_1169, %get3A_1171 : vector<16xf32>
    %get3A_1173 = arith.constant 1472 : index
    %get3A_1174 = tpu.vector_load %arg7[%get3A_1173] {strides = array<i32>} : memref<2048xf32, #tpu.memory_space<vmem>>, vector<16xf32>,
    %add3A_1175 = arith.addf %add3A_1172, %get3A_1174 : vector<16xf32>
    %get3A_1176 = arith.constant 1600 : index
    %get3A_1177 = tpu.vector_load %arg7[%get3A_1176] {strides = array<i32>} : memref<2048xf32, #tpu.memory_space<vmem>>, vector<16xf32>,
    %add3A_1178 = arith.addf %add3A_1175, %get3A_1177 : vector<16xf32>
    %get3A_1179 = arith.constant 1728 : index
    %get3A_1180 = tpu.vector_load %arg7[%get3A_1179] {strides = array<i32>} : memref<2048xf32, #tpu.memory_space<vmem>>, vector<16xf32>,
    %add3A_1181 = arith.addf %add3A_1178, %get3A_1180 : vector<16xf32>
    %get3A_1182 = arith.constant 1856 : index
    %get3A_1183 = tpu.vector_load %arg7[%get3A_1182] {strides = array<i32>} : memref<2048xf32, #tpu.memory_space<vmem>>, vector<16xf32>,
    %add3A_1184 = arith.addf %add3A_1181, %get3A_1183 : vector<16xf32>
    %get3A_1185 = arith.constant 1984 : index
    %get3A_1186 = tpu.vector_load %arg7[%get3A_1185] {strides = array<i32>} : memref<2048xf32, #tpu.memory_space<vmem>>, vector<16xf32>,
    %add3A_1187 = arith.addf %add3A_1184, %get3A_1186 : vector<16xf32>
    %swap3A_1188 = arith.constant 64 : index
    %swap3A_1189 = tpu.vector_load %arg8[%swap3A_1188] {strides = array<i32>} : memref<128xf32, #tpu.memory_space<vmem>>, vector<16xf32>,
    tpu.vector_store %arg8[%swap3A_1188], %add3A_1187 {strides = array<i32>} : memref<128xf32, #tpu.memory_space<vmem>>, vector<16xf32>,
    %get3A_1190 = arith.constant 80 : index
    %get3A_1191 = tpu.vector_load %arg7[%get3A_1190] {strides = array<i32>} : memref<2048xf32, #tpu.memory_space<vmem>>, vector<16xf32>,
    %get3A_1192 = arith.constant 208 : index
    %get3A_1193 = tpu.vector_load %arg7[%get3A_1192] {strides = array<i32>} : memref<2048xf32, #tpu.memory_space<vmem>>, vector<16xf32>,
    %add3A_1194 = arith.addf %get3A_1191, %get3A_1193 : vector<16xf32>
    %get3A_1195 = arith.constant 336 : index
    %get3A_1196 = tpu.vector_load %arg7[%get3A_1195] {strides = array<i32>} : memref<2048xf32, #tpu.memory_space<vmem>>, vector<16xf32>,
    %add3A_1197 = arith.addf %add3A_1194, %get3A_1196 : vector<16xf32>
    %get3A_1198 = arith.constant 464 : index
    %get3A_1199 = tpu.vector_load %arg7[%get3A_1198] {strides = array<i32>} : memref<2048xf32, #tpu.memory_space<vmem>>, vector<16xf32>,
    %add3A_1200 = arith.addf %add3A_1197, %get3A_1199 : vector<16xf32>
    %get3A_1201 = arith.constant 592 : index
    %get3A_1202 = tpu.vector_load %arg7[%get3A_1201] {strides = array<i32>} : memref<2048xf32, #tpu.memory_space<vmem>>, vector<16xf32>,
    %add3A_1203 = arith.addf %add3A_1200, %get3A_1202 : vector<16xf32>
    %get3A_1204 = arith.constant 720 : index
    %get3A_1205 = tpu.vector_load %arg7[%get3A_1204] {strides = array<i32>} : memref<2048xf32, #tpu.memory_space<vmem>>, vector<16xf32>,
    %add3A_1206 = arith.addf %add3A_1203, %get3A_1205 : vector<16xf32>
    %get3A_1207 = arith.constant 848 : index
    %get3A_1208 = tpu.vector_load %arg7[%get3A_1207] {strides = array<i32>} : memref<2048xf32, #tpu.memory_space<vmem>>, vector<16xf32>,
    %add3A_1209 = arith.addf %add3A_1206, %get3A_1208 : vector<16xf32>
    %get3A_1210 = arith.constant 976 : index
    %get3A_1211 = tpu.vector_load %arg7[%get3A_1210] {strides = array<i32>} : memref<2048xf32, #tpu.memory_space<vmem>>, vector<16xf32>,
    %add3A_1212 = arith.addf %add3A_1209, %get3A_1211 : vector<16xf32>
    %get3A_1213 = arith.constant 1104 : index
    %get3A_1214 = tpu.vector_load %arg7[%get3A_1213] {strides = array<i32>} : memref<2048xf32, #tpu.memory_space<vmem>>, vector<16xf32>,
    %add3A_1215 = arith.addf %add3A_1212, %get3A_1214 : vector<16xf32>
    %get3A_1216 = arith.constant 1232 : index
    %get3A_1217 = tpu.vector_load %arg7[%get3A_1216] {strides = array<i32>} : memref<2048xf32, #tpu.memory_space<vmem>>, vector<16xf32>,
    %add3A_1218 = arith.addf %add3A_1215, %get3A_1217 : vector<16xf32>
    %get3A_1219 = arith.constant 1360 : index
    %get3A_1220 = tpu.vector_load %arg7[%get3A_1219] {strides = array<i32>} : memref<2048xf32, #tpu.memory_space<vmem>>, vector<16xf32>,
    %add3A_1221 = arith.addf %add3A_1218, %get3A_1220 : vector<16xf32>
    %get3A_1222 = arith.constant 1488 : index
    %get3A_1223 = tpu.vector_load %arg7[%get3A_1222] {strides = array<i32>} : memref<2048xf32, #tpu.memory_space<vmem>>, vector<16xf32>,
    %add3A_1224 = arith.addf %add3A_1221, %get3A_1223 : vector<16xf32>
    %get3A_1225 = arith.constant 1616 : index
    %get3A_1226 = tpu.vector_load %arg7[%get3A_1225] {strides = array<i32>} : memref<2048xf32, #tpu.memory_space<vmem>>, vector<16xf32>,
    %add3A_1227 = arith.addf %add3A_1224, %get3A_1226 : vector<16xf32>
    %get3A_1228 = arith.constant 1744 : index
    %get3A_1229 = tpu.vector_load %arg7[%get3A_1228] {strides = array<i32>} : memref<2048xf32, #tpu.memory_space<vmem>>, vector<16xf32>,
    %add3A_1230 = arith.addf %add3A_1227, %get3A_1229 : vector<16xf32>
    %get3A_1231 = arith.constant 1872 : index
    %get3A_1232 = tpu.vector_load %arg7[%get3A_1231] {strides = array<i32>} : memref<2048xf32, #tpu.memory_space<vmem>>, vector<16xf32>,
    %add3A_1233 = arith.addf %add3A_1230, %get3A_1232 : vector<16xf32>
    %get3A_1234 = arith.constant 2000 : index
    %get3A_1235 = tpu.vector_load %arg7[%get3A_1234] {strides = array<i32>} : memref<2048xf32, #tpu.memory_space<vmem>>, vector<16xf32>,
    %add3A_1236 = arith.addf %add3A_1233, %get3A_1235 : vector<16xf32>
    %swap3A_1237 = arith.constant 80 : index
    %swap3A_1238 = tpu.vector_load %arg8[%swap3A_1237] {strides = array<i32>} : memref<128xf32, #tpu.memory_space<vmem>>, vector<16xf32>,
    tpu.vector_store %arg8[%swap3A_1237], %add3A_1236 {strides = array<i32>} : memref<128xf32, #tpu.memory_space<vmem>>, vector<16xf32>,
    %get3A_1239 = arith.constant 96 : index
    %get3A_1240 = tpu.vector_load %arg7[%get3A_1239] {strides = array<i32>} : memref<2048xf32, #tpu.memory_space<vmem>>, vector<16xf32>,
    %get3A_1241 = arith.constant 224 : index
    %get3A_1242 = tpu.vector_load %arg7[%get3A_1241] {strides = array<i32>} : memref<2048xf32, #tpu.memory_space<vmem>>, vector<16xf32>,
    %add3A_1243 = arith.addf %get3A_1240, %get3A_1242 : vector<16xf32>
    %get3A_1244 = arith.constant 352 : index
    %get3A_1245 = tpu.vector_load %arg7[%get3A_1244] {strides = array<i32>} : memref<2048xf32, #tpu.memory_space<vmem>>, vector<16xf32>,
    %add3A_1246 = arith.addf %add3A_1243, %get3A_1245 : vector<16xf32>
    %get3A_1247 = arith.constant 480 : index
    %get3A_1248 = tpu.vector_load %arg7[%get3A_1247] {strides = array<i32>} : memref<2048xf32, #tpu.memory_space<vmem>>, vector<16xf32>,
    %add3A_1249 = arith.addf %add3A_1246, %get3A_1248 : vector<16xf32>
    %get3A_1250 = arith.constant 608 : index
    %get3A_1251 = tpu.vector_load %arg7[%get3A_1250] {strides = array<i32>} : memref<2048xf32, #tpu.memory_space<vmem>>, vector<16xf32>,
    %add3A_1252 = arith.addf %add3A_1249, %get3A_1251 : vector<16xf32>
    %get3A_1253 = arith.constant 736 : index
    %get3A_1254 = tpu.vector_load %arg7[%get3A_1253] {strides = array<i32>} : memref<2048xf32, #tpu.memory_space<vmem>>, vector<16xf32>,
    %add3A_1255 = arith.addf %add3A_1252, %get3A_1254 : vector<16xf32>
    %get3A_1256 = arith.constant 864 : index
    %get3A_1257 = tpu.vector_load %arg7[%get3A_1256] {strides = array<i32>} : memref<2048xf32, #tpu.memory_space<vmem>>, vector<16xf32>,
    %add3A_1258 = arith.addf %add3A_1255, %get3A_1257 : vector<16xf32>
    %get3A_1259 = arith.constant 992 : index
    %get3A_1260 = tpu.vector_load %arg7[%get3A_1259] {strides = array<i32>} : memref<2048xf32, #tpu.memory_space<vmem>>, vector<16xf32>,
    %add3A_1261 = arith.addf %add3A_1258, %get3A_1260 : vector<16xf32>
    %get3A_1262 = arith.constant 1120 : index
    %get3A_1263 = tpu.vector_load %arg7[%get3A_1262] {strides = array<i32>} : memref<2048xf32, #tpu.memory_space<vmem>>, vector<16xf32>,
    %add3A_1264 = arith.addf %add3A_1261, %get3A_1263 : vector<16xf32>
    %get3A_1265 = arith.constant 1248 : index
    %get3A_1266 = tpu.vector_load %arg7[%get3A_1265] {strides = array<i32>} : memref<2048xf32, #tpu.memory_space<vmem>>, vector<16xf32>,
    %add3A_1267 = arith.addf %add3A_1264, %get3A_1266 : vector<16xf32>
    %get3A_1268 = arith.constant 1376 : index
    %get3A_1269 = tpu.vector_load %arg7[%get3A_1268] {strides = array<i32>} : memref<2048xf32, #tpu.memory_space<vmem>>, vector<16xf32>,
    %add3A_1270 = arith.addf %add3A_1267, %get3A_1269 : vector<16xf32>
    %get3A_1271 = arith.constant 1504 : index
    %get3A_1272 = tpu.vector_load %arg7[%get3A_1271] {strides = array<i32>} : memref<2048xf32, #tpu.memory_space<vmem>>, vector<16xf32>,
    %add3A_1273 = arith.addf %add3A_1270, %get3A_1272 : vector<16xf32>
    %get3A_1274 = arith.constant 1632 : index
    %get3A_1275 = tpu.vector_load %arg7[%get3A_1274] {strides = array<i32>} : memref<2048xf32, #tpu.memory_space<vmem>>, vector<16xf32>,
    %add3A_1276 = arith.addf %add3A_1273, %get3A_1275 : vector<16xf32>
    %get3A_1277 = arith.constant 1760 : index
    %get3A_1278 = tpu.vector_load %arg7[%get3A_1277] {strides = array<i32>} : memref<2048xf32, #tpu.memory_space<vmem>>, vector<16xf32>,
    %add3A_1279 = arith.addf %add3A_1276, %get3A_1278 : vector<16xf32>
    %get3A_1280 = arith.constant 1888 : index
    %get3A_1281 = tpu.vector_load %arg7[%get3A_1280] {strides = array<i32>} : memref<2048xf32, #tpu.memory_space<vmem>>, vector<16xf32>,
    %add3A_1282 = arith.addf %add3A_1279, %get3A_1281 : vector<16xf32>
    %get3A_1283 = arith.constant 2016 : index
    %get3A_1284 = tpu.vector_load %arg7[%get3A_1283] {strides = array<i32>} : memref<2048xf32, #tpu.memory_space<vmem>>, vector<16xf32>,
    %add3A_1285 = arith.addf %add3A_1282, %get3A_1284 : vector<16xf32>
    %swap3A_1286 = arith.constant 96 : index
    %swap3A_1287 = tpu.vector_load %arg8[%swap3A_1286] {strides = array<i32>} : memref<128xf32, #tpu.memory_space<vmem>>, vector<16xf32>,
    tpu.vector_store %arg8[%swap3A_1286], %add3A_1285 {strides = array<i32>} : memref<128xf32, #tpu.memory_space<vmem>>, vector<16xf32>,
    %get3A_1288 = arith.constant 112 : index
    %get3A_1289 = tpu.vector_load %arg7[%get3A_1288] {strides = array<i32>} : memref<2048xf32, #tpu.memory_space<vmem>>, vector<16xf32>,
    %get3A_1290 = arith.constant 240 : index
    %get3A_1291 = tpu.vector_load %arg7[%get3A_1290] {strides = array<i32>} : memref<2048xf32, #tpu.memory_space<vmem>>, vector<16xf32>,
    %add3A_1292 = arith.addf %get3A_1289, %get3A_1291 : vector<16xf32>
    %get3A_1293 = arith.constant 368 : index
    %get3A_1294 = tpu.vector_load %arg7[%get3A_1293] {strides = array<i32>} : memref<2048xf32, #tpu.memory_space<vmem>>, vector<16xf32>,
    %add3A_1295 = arith.addf %add3A_1292, %get3A_1294 : vector<16xf32>
    %get3A_1296 = arith.constant 496 : index
    %get3A_1297 = tpu.vector_load %arg7[%get3A_1296] {strides = array<i32>} : memref<2048xf32, #tpu.memory_space<vmem>>, vector<16xf32>,
    %add3A_1298 = arith.addf %add3A_1295, %get3A_1297 : vector<16xf32>
    %get3A_1299 = arith.constant 624 : index
    %get3A_1300 = tpu.vector_load %arg7[%get3A_1299] {strides = array<i32>} : memref<2048xf32, #tpu.memory_space<vmem>>, vector<16xf32>,
    %add3A_1301 = arith.addf %add3A_1298, %get3A_1300 : vector<16xf32>
    %get3A_1302 = arith.constant 752 : index
    %get3A_1303 = tpu.vector_load %arg7[%get3A_1302] {strides = array<i32>} : memref<2048xf32, #tpu.memory_space<vmem>>, vector<16xf32>,
    %add3A_1304 = arith.addf %add3A_1301, %get3A_1303 : vector<16xf32>
    %get3A_1305 = arith.constant 880 : index
    %get3A_1306 = tpu.vector_load %arg7[%get3A_1305] {strides = array<i32>} : memref<2048xf32, #tpu.memory_space<vmem>>, vector<16xf32>,
    %add3A_1307 = arith.addf %add3A_1304, %get3A_1306 : vector<16xf32>
    %get3A_1308 = arith.constant 1008 : index
    %get3A_1309 = tpu.vector_load %arg7[%get3A_1308] {strides = array<i32>} : memref<2048xf32, #tpu.memory_space<vmem>>, vector<16xf32>,
    %add3A_1310 = arith.addf %add3A_1307, %get3A_1309 : vector<16xf32>
    %get3A_1311 = arith.constant 1136 : index
    %get3A_1312 = tpu.vector_load %arg7[%get3A_1311] {strides = array<i32>} : memref<2048xf32, #tpu.memory_space<vmem>>, vector<16xf32>,
    %add3A_1313 = arith.addf %add3A_1310, %get3A_1312 : vector<16xf32>
    %get3A_1314 = arith.constant 1264 : index
    %get3A_1315 = tpu.vector_load %arg7[%get3A_1314] {strides = array<i32>} : memref<2048xf32, #tpu.memory_space<vmem>>, vector<16xf32>,
    %add3A_1316 = arith.addf %add3A_1313, %get3A_1315 : vector<16xf32>
    %get3A_1317 = arith.constant 1392 : index
    %get3A_1318 = tpu.vector_load %arg7[%get3A_1317] {strides = array<i32>} : memref<2048xf32, #tpu.memory_space<vmem>>, vector<16xf32>,
    %add3A_1319 = arith.addf %add3A_1316, %get3A_1318 : vector<16xf32>
    %get3A_1320 = arith.constant 1520 : index
    %get3A_1321 = tpu.vector_load %arg7[%get3A_1320] {strides = array<i32>} : memref<2048xf32, #tpu.memory_space<vmem>>, vector<16xf32>,
    %add3A_1322 = arith.addf %add3A_1319, %get3A_1321 : vector<16xf32>
    %get3A_1323 = arith.constant 1648 : index
    %get3A_1324 = tpu.vector_load %arg7[%get3A_1323] {strides = array<i32>} : memref<2048xf32, #tpu.memory_space<vmem>>, vector<16xf32>,
    %add3A_1325 = arith.addf %add3A_1322, %get3A_1324 : vector<16xf32>
    %get3A_1326 = arith.constant 1776 : index
    %get3A_1327 = tpu.vector_load %arg7[%get3A_1326] {strides = array<i32>} : memref<2048xf32, #tpu.memory_space<vmem>>, vector<16xf32>,
    %add3A_1328 = arith.addf %add3A_1325, %get3A_1327 : vector<16xf32>
    %get3A_1329 = arith.constant 1904 : index
    %get3A_1330 = tpu.vector_load %arg7[%get3A_1329] {strides = array<i32>} : memref<2048xf32, #tpu.memory_space<vmem>>, vector<16xf32>,
    %add3A_1331 = arith.addf %add3A_1328, %get3A_1330 : vector<16xf32>
    %get3A_1332 = arith.constant 2032 : index
    %get3A_1333 = tpu.vector_load %arg7[%get3A_1332] {strides = array<i32>} : memref<2048xf32, #tpu.memory_space<vmem>>, vector<16xf32>,
    %add3A_1334 = arith.addf %add3A_1331, %get3A_1333 : vector<16xf32>
    %swap3A_1335 = arith.constant 112 : index
    %swap3A_1336 = tpu.vector_load %arg8[%swap3A_1335] {strides = array<i32>} : memref<128xf32, #tpu.memory_space<vmem>>, vector<16xf32>,
    tpu.vector_store %arg8[%swap3A_1335], %add3A_1334 {strides = array<i32>} : memref<128xf32, #tpu.memory_space<vmem>>, vector<16xf32>,
    "tpu.region"() ({
      %run_scoped3A = tpu.sem_alloc : memref<!tpu.dma_semaphore, #tpu.memory_space<semaphore_mem>>
      %dma_start3A = arith.constant 0 : i32
      %dma_start3A_1337 = tpu.memref_slice %arg5[%add3A, %dma_start3A] : memref<32x128xf32, #tpu.memory_space<hbm>> -> memref<1x128xf32, #tpu.memory_space<hbm>>
      %dma_start3A_1338 = tpu.memref_squeeze %dma_start3A_1337 : memref<1x128xf32, #tpu.memory_space<hbm>> -> memref<128xf32, #tpu.memory_space<hbm>>
      %dma_start3A_1339 = arith.constant 0 : i32
      %dma_start3A_1340 = tpu.memref_slice %arg5[%add3A, %dma_start3A_1339] : memref<32x128xf32, #tpu.memory_space<hbm>> -> memref<1x128xf32, #tpu.memory_space<hbm>>
      %dma_start3A_1341 = tpu.memref_squeeze %dma_start3A_1340 : memref<1x128xf32, #tpu.memory_space<hbm>> -> memref<128xf32, #tpu.memory_space<hbm>>
      tpu.enqueue_dma source(%arg8 : memref<128xf32, #tpu.memory_space<vmem>>) target(%dma_start3A_1341 : memref<128xf32, #tpu.memory_space<hbm>>) target_semaphore(%run_scoped3A : memref<!tpu.dma_semaphore, #tpu.memory_space<semaphore_mem>>)
      %dma_wait3A = arith.constant 0 : i32
      %dma_wait3A_1342 = tpu.memref_slice %arg5[%add3A, %dma_wait3A] : memref<32x128xf32, #tpu.memory_space<hbm>> -> memref<1x128xf32, #tpu.memory_space<hbm>>
      %dma_wait3A_1343 = tpu.memref_squeeze %dma_wait3A_1342 : memref<1x128xf32, #tpu.memory_space<hbm>> -> memref<128xf32, #tpu.memory_space<hbm>>
      %dma_wait3A_1344 = arith.constant 0 : i32
      %dma_wait3A_1345 = tpu.memref_slice %arg5[%add3A, %dma_wait3A_1344] : memref<32x128xf32, #tpu.memory_space<hbm>> -> memref<1x128xf32, #tpu.memory_space<hbm>>
      %dma_wait3A_1346 = tpu.memref_squeeze %dma_wait3A_1345 : memref<1x128xf32, #tpu.memory_space<hbm>> -> memref<128xf32, #tpu.memory_space<hbm>>
      tpu.wait_dma2 semaphore(%run_scoped3A : memref<!tpu.dma_semaphore, #tpu.memory_space<semaphore_mem>>) src(%arg8 : memref<128xf32, #tpu.memory_space<vmem>>) dst(%dma_wait3A_1346 : memref<128xf32, #tpu.memory_space<hbm>>)
      tpu.yield
    }) : () -> ()
    return
  }
}

module attributes {stable_mosaic.version = 14 : i64} {
  func.func @_tc_weighted_sum(%arg0: i32, %arg1: memref<100x25600xf32, #tpu.memory_space<vmem>>, %arg2: memref<1x100xf32, #tpu.memory_space<vmem>>, %arg3: memref<1x1xf32, #tpu.memory_space<smem>>) attributes {dimension_semantics = [#tpu.dimension_semantics<arbitrary>], iteration_bounds = array<i64: 20>, scalar_prefetch = 0 : i64, scratch_operands = 0 : i64, tpu.core_type = #tpu.core_type<tc>, window_params = [{transform_indices = @transform_0, window_bounds = array<i64: 100, 25600>}, {pipeline_mode = #tpu.pipeline_mode<synchronous>, transform_indices = @transform_1, window_bounds = array<i64: 1, 100>}, {transform_indices = @transform_2, window_bounds = array<i64: 1, 1>}]} {
    %get3A = arith.constant 0 : index
    %get3A_0 = arith.constant 0 : index
    %get3A_1 = vector.load %arg2[%get3A, %get3A_0] : memref<1x100xf32, #tpu.memory_space<vmem>>, vector<1x100xf32>
    %get3A_2 = arith.constant 0 : index
    %get3A_3 = arith.constant 0 : index
    %get3A_4 = vector.load %arg1[%get3A_2, %get3A_3] : memref<100x25600xf32, #tpu.memory_space<vmem>>, vector<100x25600xf32>
    %dot_general3A = arith.constant dense<0.000000e+00> : vector<1x25600xf32>
    %dot_general3A_5 = tpu.matmul %get3A_1, %get3A_4, %dot_general3A {dimension_numbers = #tpu.dot_dimension_numbers<[1], [0], [0], [1], [0, 0, 1, 1], [], []>, transpose_lhs_hint = false} : vector<1x100xf32>, vector<100x25600xf32>, vector<1x25600xf32> -> vector<1x25600xf32>
    %mul3A = arith.constant 25600 : i32
    %mul3A_6 = arith.muli %arg0, %mul3A : i32
    %iota3A = tpu.iota {dimensions = array<i32: 1>} : vector<1x25600xi32>
    %add3A = vector.broadcast %mul3A_6 : i32 to vector<1x25600xi32>
    %add3A_7 = arith.addi %add3A, %iota3A : vector<1x25600xi32>
    %lt3A = arith.constant 500000 : i32
    %lt3A_8 = vector.broadcast %lt3A : i32 to vector<1x25600xi32>
    %lt3A_9 = arith.cmpi slt, %add3A_7, %lt3A_8 : vector<1x25600xi32>
    %jit3A = arith.constant 0.000000e+00 : f32
    %broadcast_in_dim3A = vector.broadcast %jit3A : f32 to vector<1x25600xf32>
    %select_n3A = arith.select %lt3A_9, %dot_general3A_5, %broadcast_in_dim3A : vector<1x25600xi1>, vector<1x25600xf32>
    %reduce_sum3A = vector.shape_cast %select_n3A : vector<1x25600xf32> to vector<1x1x25600xf32>
    %reduce_sum3A_10 = arith.constant dense<0.000000e+00> : vector<1xf32>
    %reduce_sum3A_11 = vector.multi_reduction <add>, %reduce_sum3A, %reduce_sum3A_10 [1, 2] : vector<1x1x25600xf32> to vector<1xf32>
    %reduce_sum3A_12 = vector.shape_cast %reduce_sum3A_11 : vector<1xf32> to vector<1x1x1xf32>
    %reduce_sum3A_13 = vector.extract %reduce_sum3A_12[0, 0, 0] : f32 from vector<1x1x1xf32>
    %eq3A = arith.constant 0 : i32
    %eq3A_14 = arith.cmpi eq, %arg0, %eq3A : i32
    %convert_element_type3A = arith.extui %eq3A_14 : i1 to i32
    %cond3A = arith.constant 0 : i32
    %cond3A_15 = arith.cmpi ne, %convert_element_type3A, %cond3A : i32
    scf.if %cond3A_15 {
      %swap3A = arith.constant 0.000000e+00 : f32
      %swap3A_30 = arith.constant 0 : index
      %swap3A_31 = arith.constant 0 : index
      %swap3A_32 = memref.load %arg3[%swap3A_30, %swap3A_31] : memref<1x1xf32, #tpu.memory_space<smem>>
      memref.store %swap3A, %arg3[%swap3A_30, %swap3A_31] : memref<1x1xf32, #tpu.memory_space<smem>>
    } else {
    }
    %get3A_16 = arith.constant 0 : index
    %get3A_17 = arith.constant 0 : index
    %get3A_18 = memref.load %arg3[%get3A_16, %get3A_17] : memref<1x1xf32, #tpu.memory_space<smem>>
    %add3A_19 = arith.addf %get3A_18, %reduce_sum3A_13 : f32
    %lt3A_20 = arith.constant 19 : i32
    %lt3A_21 = arith.cmpi slt, %arg0, %lt3A_20 : i32
    %convert_element_type3A_22 = arith.extui %lt3A_21 : i1 to i32
    %cond3A_23 = arith.constant 0 : i32
    %cond3A_24 = arith.cmpi ne, %convert_element_type3A_22, %cond3A_23 : i32
    scf.if %cond3A_24 {
      %swap3A = arith.constant 0 : index
      %swap3A_30 = arith.constant 0 : index
      %swap3A_31 = memref.load %arg3[%swap3A, %swap3A_30] : memref<1x1xf32, #tpu.memory_space<smem>>
      memref.store %add3A_19, %arg3[%swap3A, %swap3A_30] : memref<1x1xf32, #tpu.memory_space<smem>>
    } else {
    }
    %eq3A_25 = arith.constant 19 : i32
    %eq3A_26 = arith.cmpi eq, %arg0, %eq3A_25 : i32
    %convert_element_type3A_27 = arith.extui %eq3A_26 : i1 to i32
    %cond3A_28 = arith.constant 0 : i32
    %cond3A_29 = arith.cmpi ne, %convert_element_type3A_27, %cond3A_28 : i32
    scf.if %cond3A_29 {
      %mul3A_30 = arith.constant 2.000000e-06 : f32
      %mul3A_31 = arith.mulf %add3A_19, %mul3A_30 : f32
      %sub3A = arith.constant -3.25046349 : f32
      %sub3A_32 = arith.subf %sub3A, %mul3A_31 : f32
      %swap3A = arith.constant 0 : index
      %swap3A_33 = arith.constant 0 : index
      %swap3A_34 = memref.load %arg3[%swap3A, %swap3A_33] : memref<1x1xf32, #tpu.memory_space<smem>>
      memref.store %sub3A_32, %arg3[%swap3A, %swap3A_33] : memref<1x1xf32, #tpu.memory_space<smem>>
    } else {
    }
    return
  }
  func.func @transform_0(%arg0: i32) -> (i32, i32) {
    %c0_i32 = arith.constant 0 : i32
    %c0_i32_0 = arith.constant 0 : i32
    return %c0_i32, %arg0 : i32, i32
  }
  func.func @transform_1(%arg0: i32) -> (i32, i32) {
    %c0_i32 = arith.constant 0 : i32
    %c0_i32_0 = arith.constant 0 : i32
    %c0_i32_1 = arith.constant 0 : i32
    return %c0_i32, %c0_i32_0 : i32, i32
  }
  func.func @transform_2(%arg0: i32) -> (i32, i32) {
    %c0_i32 = arith.constant 0 : i32
    %c0_i32_0 = arith.constant 0 : i32
    %c0_i32_1 = arith.constant 0 : i32
    return %c0_i32, %c0_i32_0 : i32, i32
  }
}

module attributes {stable_mosaic.version = 14 : i64} {
  func.func @_tc_combine(%arg0: memref<1x1xf32, #tpu.memory_space<smem>>, %arg1: memref<32x128xf32, #tpu.memory_space<vmem>>, %arg2: memref<32x128xf32, #tpu.memory_space<vmem>>, %arg3: memref<1x1xf32, #tpu.memory_space<smem>>) attributes {dimension_semantics = [], scalar_prefetch = 0 : i64, scratch_operands = 0 : i64, tpu.core_type = #tpu.core_type<tc>} {
    %get3A = arith.constant 0 : index
    %get3A_0 = arith.constant 0 : index
    %get3A_1 = vector.load %arg1[%get3A, %get3A_0] : memref<32x128xf32, #tpu.memory_space<vmem>>, vector<32x128xf32>
    %reduce_sum3A = arith.constant dense<0.000000e+00> : vector<128xf32>
    %reduce_sum3A_2 = vector.multi_reduction <add>, %get3A_1, %reduce_sum3A [0] : vector<32x128xf32> to vector<128xf32>
    %broadcast_in_dim3A = vector.shape_cast %reduce_sum3A_2 : vector<128xf32> to vector<1x128xf32>
    %get3A_3 = arith.constant 0 : index
    %get3A_4 = arith.constant 0 : index
    %get3A_5 = vector.load %arg2[%get3A_3, %get3A_4] : memref<32x128xf32, #tpu.memory_space<vmem>>, vector<32x128xf32>
    %reduce_sum3A_6 = arith.constant dense<0.000000e+00> : vector<128xf32>
    %reduce_sum3A_7 = vector.multi_reduction <add>, %get3A_5, %reduce_sum3A_6 [0] : vector<32x128xf32> to vector<128xf32>
    %broadcast_in_dim3A_8 = vector.shape_cast %reduce_sum3A_7 : vector<128xf32> to vector<1x128xf32>
    %iota3A = tpu.iota {dimensions = array<i32: 1>} : vector<1x128xi32>
    %ge3A = arith.constant 1 : i32
    %ge3A_9 = vector.broadcast %ge3A : i32 to vector<1x128xi32>
    %ge3A_10 = arith.cmpi sge, %iota3A, %ge3A_9 : vector<1x128xi32>
    %le3A = arith.constant 100 : i32
    %le3A_11 = vector.broadcast %le3A : i32 to vector<1x128xi32>
    %le3A_12 = arith.cmpi sle, %iota3A, %le3A_11 : vector<1x128xi32>
    %and3A = arith.andi %ge3A_10, %le3A_12 : vector<1x128xi1>
    %jit3A = arith.constant 0.000000e+00 : f32
    %broadcast_in_dim3A_13 = vector.broadcast %jit3A : f32 to vector<1x128xf32>
    %select_n3A = arith.select %and3A, %broadcast_in_dim3A, %broadcast_in_dim3A_13 : vector<1x128xi1>, vector<1x128xf32>
    %jit3A_14 = arith.constant 0.000000e+00 : f32
    %broadcast_in_dim3A_15 = vector.broadcast %jit3A_14 : f32 to vector<1x128xf32>
    %select_n3A_16 = arith.select %and3A, %broadcast_in_dim3A_8, %broadcast_in_dim3A_15 : vector<1x128xi1>, vector<1x128xf32>
    %reduce_sum3A_17 = vector.shape_cast %select_n3A : vector<1x128xf32> to vector<1x1x128xf32>
    %reduce_sum3A_18 = arith.constant dense<0.000000e+00> : vector<1xf32>
    %reduce_sum3A_19 = vector.multi_reduction <add>, %reduce_sum3A_17, %reduce_sum3A_18 [1, 2] : vector<1x1x128xf32> to vector<1xf32>
    %reduce_sum3A_20 = vector.shape_cast %reduce_sum3A_19 : vector<1xf32> to vector<1x1x1xf32>
    %reduce_sum3A_21 = vector.extract %reduce_sum3A_20[0, 0, 0] : f32 from vector<1x1x1xf32>
    %max3A = arith.constant 9.99999996E-13 : f32
    %max3A_22 = arith.maximumf %reduce_sum3A_21, %max3A : f32
    %div3A = vector.broadcast %max3A_22 : f32 to vector<1x128xf32>
    %div3A_23 = arith.divf %select_n3A, %div3A : vector<1x128xf32>
    %reduce_sum3A_24 = vector.shape_cast %select_n3A_16 : vector<1x128xf32> to vector<1x1x128xf32>
    %reduce_sum3A_25 = arith.constant dense<0.000000e+00> : vector<1xf32>
    %reduce_sum3A_26 = vector.multi_reduction <add>, %reduce_sum3A_24, %reduce_sum3A_25 [1, 2] : vector<1x1x128xf32> to vector<1xf32>
    %reduce_sum3A_27 = vector.shape_cast %reduce_sum3A_26 : vector<1xf32> to vector<1x1x1xf32>
    %reduce_sum3A_28 = vector.extract %reduce_sum3A_27[0, 0, 0] : f32 from vector<1x1x1xf32>
    %max3A_29 = arith.constant 9.99999996E-13 : f32
    %max3A_30 = arith.maximumf %reduce_sum3A_28, %max3A_29 : f32
    %div3A_31 = vector.broadcast %max3A_30 : f32 to vector<1x128xf32>
    %div3A_32 = arith.divf %select_n3A_16, %div3A_31 : vector<1x128xf32>
    %gt3A = arith.constant 0.000000e+00 : f32
    %gt3A_33 = vector.broadcast %gt3A : f32 to vector<1x128xf32>
    %gt3A_34 = arith.cmpf ogt, %div3A_32, %gt3A_33 : vector<1x128xf32>
    %jit3A_35 = arith.constant 1.000000e+00 : f32
    %broadcast_in_dim3A_36 = vector.broadcast %jit3A_35 : f32 to vector<1x128xf32>
    %select_n3A_37 = arith.select %gt3A_34, %div3A_32, %broadcast_in_dim3A_36 : vector<1x128xi1>, vector<1x128xf32>
    %gt3A_38 = arith.constant 0.000000e+00 : f32
    %gt3A_39 = vector.broadcast %gt3A_38 : f32 to vector<1x128xf32>
    %gt3A_40 = arith.cmpf ogt, %div3A_32, %gt3A_39 : vector<1x128xf32>
    %log3A = math.log %select_n3A_37 : vector<1x128xf32>
    %mul3A = arith.mulf %div3A_32, %log3A : vector<1x128xf32>
    %jit3A_41 = arith.constant 0.000000e+00 : f32
    %broadcast_in_dim3A_42 = vector.broadcast %jit3A_41 : f32 to vector<1x128xf32>
    %select_n3A_43 = arith.select %gt3A_40, %mul3A, %broadcast_in_dim3A_42 : vector<1x128xi1>, vector<1x128xf32>
    %mul3A_44 = arith.mulf %div3A_32, %div3A_23 : vector<1x128xf32>
    %sub3A = arith.subf %select_n3A_43, %mul3A_44 : vector<1x128xf32>
    %reduce_sum3A_45 = vector.shape_cast %sub3A : vector<1x128xf32> to vector<1x1x128xf32>
    %reduce_sum3A_46 = arith.constant dense<0.000000e+00> : vector<1xf32>
    %reduce_sum3A_47 = vector.multi_reduction <add>, %reduce_sum3A_45, %reduce_sum3A_46 [1, 2] : vector<1x1x128xf32> to vector<1xf32>
    %reduce_sum3A_48 = vector.shape_cast %reduce_sum3A_47 : vector<1xf32> to vector<1x1x1xf32>
    %reduce_sum3A_49 = vector.extract %reduce_sum3A_48[0, 0, 0] : f32 from vector<1x1x1xf32>
    %div3A_50 = arith.constant 1.000000e+02 : f32
    %div3A_51 = arith.divf %reduce_sum3A_49, %div3A_50 : f32
    %get3A_52 = arith.constant 0 : index
    %get3A_53 = arith.constant 0 : index
    %get3A_54 = memref.load %arg0[%get3A_52, %get3A_53] : memref<1x1xf32, #tpu.memory_space<smem>>
    %add3A = arith.addf %get3A_54, %div3A_51 : f32
    %swap3A = arith.constant 0 : index
    %swap3A_55 = arith.constant 0 : index
    %swap3A_56 = memref.load %arg3[%swap3A, %swap3A_55] : memref<1x1xf32, #tpu.memory_space<smem>>
    memref.store %add3A, %arg3[%swap3A, %swap3A_55] : memref<1x1xf32, #tpu.memory_space<smem>>
    return
  }
}

</mosaic_0001>

<sc_bundles>
// kernel: kernel.5.cloned.1.call-start
scs
__scs_entry_jumppad:
0x0: {  	(pc) =	sbr.rel $0x88, $3  }
0x1: {  	(tag) =	ssettag $0x0;
	lr =	simm.s32 $0x1  }
0x2: {  	[smem:$0x3F9E] =	sst lr;
	_ =	strace $0xD0000000  }
0x3: {  	_ = 	snop  }
0x4: {  	_ = 	snop  }
0x5: {  	_ = 	snop  }
0x6: {  	_ = 	snop  }
0x7: {  	_ = 	snop  }
__scs_overlays_trampoline_lowered:
0x8: {  	[smem:$0x3FAD] =	sst s0  }
0x9: {  	[smem:$0x3FAE] =	sst s1  }
0xa: {  	[smem:$0x3FAF] =	sst s2  }
0xb: {  	[smem:$0x3FB0] =	sst s3  }
0xc: {  	[smem:$0x3FB1] =	sst s4  }
0xd: {  	[smem:$0x3FB2] =	sst s5  }
0xe: {  	[smem:$0x3FB3] =	sst s6  }
0xf: {  	[smem:$0x3FB4] =	sst s7  }
0x10: {  	[smem:$0x3FB5] =	sst s8  }
0x11: {  	[smem:$0x3FB6] =	sst s9;
	s0 =	simm.s32 @!p0 $0x0  }
0x12: {  	s1 =	sld [smem:$0x3F9C];
	s0 =	simm.s32 @p0 $0x1  }
0x13: {  	[smem:$0x3FB7] =	sst s0;
	s0 =	simm.s32 @!p1 $0x0  }
0x14: {  	s2 =	sld [smem:$0x3F9B];
	s0 =	simm.s32 @p1 $0x1  }
0x15: {  	[smem:$0x3FB8] =	sst s0;
	s0 =	simm.s32 @!p2 $0x0  }
0x16: {  	s3 =	sld [smem:$0x3FDB];
	s0 =	simm.s32 @p2 $0x1  }
0x17: {  	s4 =	simm.s32 $0x1BF5;
	[smem:$0x3FBA] =	sst s0  }
0x18: {  	s0 =	sld [smem:$0x3F9D];
	_ =	swait.ge [sflag:s4], $0x0  }
0x19: {  	s7 =	sld [smem:$0x3F9E]  }
0x1a: {  	s8 =	sadd.s32 $0xFFFFE003, lr  }
0x1b: {  	s9 =	sadd.s32 $0xFFFFFEF7, lr;
	s5 =	simm.s32 $0xFFFFFFFF;
	p2 =	slt.u32 s8, $0xFFFFF086  }
0x1c: {  	p1 =	slt.u32 s9, $0xF7A;
	s5 =	simm.s32 @!p2 $0x0  }
0x1d: {  	s5 =	simm.s32 @p1 $0x1;
	p0 =	seq.s32 s7, s2  }
0x1e: {  	s7 =	smul.u32 @!p0 $0xF7A, s2;
	p2 =	seq.s32 @!p0 s5, $0x0  }
0x1f: {  	s9 =	smul.u32 $0xF7A, s1;
	s8 =	simm.s32 @!p0 $0x1BF5;
	p2 =	por !p2, p0  }
0x20: {  	[sflag:s8] =	ssyncset.s32 @!p0 $0xFFFFF086;
	s6 =	sadd.s32 @!p0 s3, s7;
	s7 =	simm.s32 @!p0 $0x108  }
0x21: {  	s3 =	sadd.s32 s3, s9;
	s6 =	sadd.s32 @!p0 $0x88, s6;
	s7 =	simm.s32 @p2 $0x1082  }
0x22: {  	[simem:s7], [sflag:s8] =	dma.local @!p0 [hbm:s6], $0xF7A  }
0x23: {  	s9 =	sor.u32 $0xD0000000, s2;
	s6 =	simm.s32 $0x108;
	_ =	swait.ge @!p0 [sflag:s8], $0x0  }
0x24: {  	s3 =	sadd.s32 $0x88, s3;
	s6 =	simm.s32 @!p1 $0x1082;
	[sflag:s4] =	ssyncset.s32 $0xFFFFF086  }
0x25: {  	[simem:s6], [sflag:s4] =	dma.local [hbm:s3], $0xF7A  }
0x26: {  	[smem:$0x3F9E] =	sst s1;
	(tag) =	ssettag s2;
	_ =	strace s9  }
0x27: {  	s1 =	sld [smem:$0x3FAE]  }
0x28: {  	s2 =	sld [smem:$0x3FAF]  }
0x29: {  	s4 =	sld [smem:$0x3FB1]  }
0x2a: {  	p0 =	seq.s32 s5, $0x0;
	s5 =	sld [smem:$0x3FB2]  }
0x2b: {  	s6 =	sld [smem:$0x3FB3]  }
0x2c: {  	s7 =	sld [smem:$0x3FB4]  }
0x2d: {  	s3 =	simm.s32 $0x108;
	s8 =	sld [smem:$0x3FB5]  }
0x2e: {  	s3 =	simm.s32 @!p0 $0x1082;
	s9 =	sld [smem:$0x3FB6]  }
0x2f: {  	lr =	sadd.s32 s0, s3;
	s0 =	sld [smem:$0x3FAD]  }
0x30: {  	s3 =	sld [smem:$0x3FB0]  }
0x31: {  	[smem:$0x3FB9] =	sst s10  }
0x32: {  	s10 =	sld [smem:$0x3FB7];
	_ =	sdelay $0x3  }
0x33: {  	p0 =	seq.s32 s10, $0x1;
	s10 =	sld [smem:$0x3FB9];
	_ =	sdelay $0x3  }
0x34: {  	[smem:$0x3FB9] =	sst s10  }
0x35: {  	s10 =	sld [smem:$0x3FB8];
	_ =	sdelay $0x3  }
0x36: {  	p1 =	seq.s32 s10, $0x1;
	s10 =	sld [smem:$0x3FB9];
	_ =	sdelay $0x3  }
0x37: {  	[smem:$0x3FB9] =	sst s10  }
0x38: {  	s10 =	sld [smem:$0x3FBA]  }
0x39: {  	_ = 	snop;
	(pc) =	sbr.ind lr, $3  }
0x3a: {  	_ = 	snop  }
0x3b: {  	_ = 	snop  }
0x3c: {  	p2 =	seq.s32 s10, $0x1;
	s10 =	sld [smem:$0x3FB9]  }
0x3d: {  	_ =	shalt  }
0x3e: {  	_ =	shalt  }
0x3f: {  	_ =	shalt  }
0x40: {  	_ =	shalt  }
0x41: {  	_ =	shalt  }
0x42: {  	_ =	shalt  }
0x43: {  	_ =	shalt  }
0x44: {  	_ =	shalt  }
0x45: {  	_ =	shalt  }
0x46: {  	_ =	shalt  }
0x47: {  	_ =	shalt  }
0x48: {  	_ =	shalt  }
0x49: {  	_ =	shalt  }
0x4a: {  	_ =	shalt  }
0x4b: {  	_ =	shalt  }
0x4c: {  	_ =	shalt  }
0x4d: {  	_ =	shalt  }
0x4e: {  	_ =	shalt  }
0x4f: {  	_ =	shalt  }
0x50: {  	_ =	shalt  }
0x51: {  	_ =	shalt  }
0x52: {  	_ =	shalt  }
0x53: {  	_ =	shalt  }
0x54: {  	_ =	shalt  }
0x55: {  	_ =	shalt  }
0x56: {  	_ =	shalt  }
0x57: {  	_ =	shalt  }
0x58: {  	_ =	shalt  }
0x59: {  	_ =	shalt  }
0x5a: {  	_ =	shalt  }
0x5b: {  	_ =	shalt  }
0x5c: {  	_ =	shalt  }
0x5d: {  	_ =	shalt  }
0x5e: {  	_ =	shalt  }
0x5f: {  	_ =	shalt  }
0x60: {  	_ =	shalt  }
0x61: {  	_ =	shalt  }
0x62: {  	_ =	shalt  }
0x63: {  	_ =	shalt  }
0x64: {  	_ =	shalt  }
0x65: {  	_ =	shalt  }
0x66: {  	_ =	shalt  }
0x67: {  	_ =	shalt  }
0x68: {  	_ =	shalt  }
0x69: {  	_ =	shalt  }
0x6a: {  	_ =	shalt  }
0x6b: {  	_ =	shalt  }
0x6c: {  	_ =	shalt  }
0x6d: {  	_ =	shalt  }
0x6e: {  	_ =	shalt  }
0x6f: {  	_ =	shalt  }
0x70: {  	_ =	shalt  }
0x71: {  	_ =	shalt  }
0x72: {  	_ =	shalt  }
0x73: {  	_ =	shalt  }
0x74: {  	_ =	shalt  }
0x75: {  	_ =	shalt  }
0x76: {  	_ =	shalt  }
0x77: {  	_ =	shalt  }
0x78: {  	_ =	shalt  }
0x79: {  	_ =	shalt  }
0x7a: {  	_ =	shalt  }
0x7b: {  	_ =	shalt  }
0x7c: {  	_ =	shalt  }
0x7d: {  	_ =	shalt  }
0x7e: {  	_ =	shalt  }
0x7f: {  	_ =	shalt  }
0x80: {  	_ =	shalt  }
0x81: {  	_ =	shalt  }
0x82: {  	_ =	shalt  }
0x83: {  	_ =	shalt  }
0x84: {  	_ =	shalt  }
0x85: {  	_ =	shalt  }
0x86: {  	_ =	shalt  }
0x87: {  	_ =	shalt  }
.Lfunc_end0:
.L_simem_size_0:
called_computation_lowered:
.L_overlay_start_0:
0x88: {  	s2 =	sld [smem:$0x3FD9]  }
0x89: {  	s3 =	sld [smem:$0x3FFE];
	_ =	sdelay $0x1  }
0x8a: {  	s1 =	srdreg.scid  }
0x8b: {  	s0 =	sand.u32 $0x1, s1  }
0x8c: {  	s17 =	sshll.u32 s0, $0xA;
	s2 =	sadd.s32 s3, s2  }
0x8d: {  	s2 =	sadd.s32 s2, s17  }
0x8e: {  	[smem:$0x3FC5] =	sst s2  }
0x8f: {  	_ = 	snop  }
0x90: {  	s2 =	sld [smem:$0x3FC8]  }
0x91: {  	s18 =	sld [smem:$0x3FC7];
	(tm) =	ssettm $0x1  }
0x92: {  	s4 =	sld [smem:$0x3FFB];
	_ =	sdelay $0x3  }
0x93: {  	_ =	strace s4  }
0x94: {  	s4 =	sld [smem:$0x3FFC];
	_ =	sdelay $0x3  }
0x95: {  	_ =	strace s4  }
0x96: {  	s4 =	sld [smem:$0x3FFD];
	_ =	sdelay $0x3  }
0x97: {  	_ =	strace s4  }
0x98: {  	_ =	strace $0x8FFFFFFF  }
0x99: {  	s19 =	sld [smem:$0x3FDB];
	_ =	sdelay $0x1  }
0x9a: {  	s5 =	simm.s32 $_scs_section_size  }
0x9b: {  	s6 =	simm.s32 $_size__tile_overlayer_lowered;
	s7 =	simm.s32 $_tile_overlayer_lowered  }
0x9c: {  	s22 =	simm.s32 $0x1BFF;
	s21 =	sshll.u32 s7, $0x1;
	s4 =	sadd.s32 s5, s19  }
0x9d: {  	s8 =	simm.s32 $0x0;
	s20 =	sshll.u32 s6, $0x1;
	s6 =	sadd.s32 s21, s4  }
0x9e: {  	[timem:s8], [sflag:s22] =	dma.local [hbm:s6], s20  }
0x9f: {  	_ =	swait.ge [sflag:s22], s20  }
0xa0: {  	s5 =	ssub.s32 $0x0, s20;
	[sflag:s22] =	ssyncset.done $0x0  }
0xa1: {  	[sflag:s22] =	ssyncadd.s32 s5;
	_ =	sdelay $0x1  }
0xa2: {  	s23 =	simm.s32 $0x1B8B  }
0xa3: {  	_ =	swait.ge [sflag:s23], $0x1  }
0xa4: {  	[sflag:s23] =	ssyncset.done $0x0  }
0xa5: {  	s25 =	simm.s32 $0x1B8E;
	s24 =	sld [smem:$0x3FFE];
	[sflag:s23] =	ssyncadd.s32 $0xFFFFFFFF  }
0xa6: {  	s26 =	simm.s32 $execute0_lowered;
	[smem:$0x3FD2] =	sst s25  }
0xa7: {  	s6 =	sshll.u32 s26, $0x1;
	_ =	strace $0x80000046;
	[dreg:$0x1] =	wrdreg $0xFFFFFFFF  }
0xa8: {  	s28 =	simm.s32 $_size_execute0_lowered;
	s4 =	sadd.s32 s4, s6;
	[dreg:$0x0] =	wrdreg $0x0  }
0xa9: {  	s6 =	sshll.u32 s28, $0x1;
	[dreg:$0x2] =	wrdreg s4  }
0xaa: {  	[dreg:$0x3] =	wrdreg s6  }
0xab: {  	[dreg:$0x4] =	wrdreg $0xC0  }
0xac: {  	_ =	task [dreg:s8], $0x5FFFF  }
0xad: {  	[dreg:$0x1] =	wrdreg $0xFFFFFFFF  }
0xae: {  	[dreg:$0x0] =	wrdreg $0x60  }
0xaf: {  	[dreg:$0x2] =	wrdreg s2  }
0xb0: {  	[dreg:$0x3] =	wrdreg s18  }
0xb1: {  	[dreg:$0x4] =	wrdreg s24  }
0xb2: {  	[dreg:$0x5] =	wrdreg $0x9  }
0xb3: {  	_ =	task.clear_ibuf [dreg:s8], $0x6FFFF;
	_ =	strace $0x90000046  }
0xb4: {  	s29 =	simm.s32 $0x9;
	_ =	strace $0x80000048  }
0xb5: {  	_ =	swait.ge [sflag:s29], $0x1  }
0xb6: {  	[sflag:s29] =	ssyncadd.s32 $0xFFFFFFFF  }
0xb7: {  	_ =	strace $0x90000048  }
0xb8: {  	_ =	sfence  }
0xb9: {  	s30 =	sld [smem:$0x0];
	_ =	sdelay $0x2  }
0xba: {  	s31 =	sshll.u32 s1, $0xD;
	s1 =	sshrl.u32 s1, $0x2  }
0xbb: {  	s3 =	sand.u32 $0x4000, s31;
	s1 =	sadd.s32 s1, s30  }
0xbc: {  	s0 =	sor.u32 s3, s0;
	s1 =	sshll.u32 s1, $0x11  }
0xbd: {  	s0 =	sor.u32 s1, s0  }
0xbe: {  	s0 =	sadd.s32 $0x8F2B, s0  }
0xbf: {  	[sflag:s0] =	ssyncadd.remote.s32 $0x1  }
0xc0: {  	_ =	sfence.sel $0xFFFF  }
0xc1: {  	[dreg:$0x0] =	wrdreg $0xFFFFFFFF;
	(pc) =	sbr.abs _section_cstart, $3  }
0xc2: {  	[dreg:$0x1] =	wrdreg $0xFFFFFFFF  }
0xc3: {  	_ =	task.clear_ibuf [dreg:s8], $0x2FFFF;
	_ =	strace $0x9FFFFFFF  }
0xc4: {  	(tm) =	ssettm $0x7FFFFFFF  }
0xc5: {  	_ =	shalt  }
tec
execute0_lowered:
.L_overlay_start_1:
0x0: {  	(tag) =	ssettag $0x1  }
0x1: {  	s5 =	rddreg [dreg:$0x0]  }
0x2: {  	s8 =	rddreg [dreg:$0x1]  }
0x3: {  	s3 =	rddreg [dreg:$0x2]  }
0x4: {  	s0 =	rddreg [dreg:$0x3];
	s4 =	srdreg.scid  }
0x5: {  	s1 =	stileid.u32;
	s2 =	simm.s32 $0x0;
	s11 =	simm.s32 $0x3D80  }
0x6: {  	s12 =	simm.s32 $0x4580;
	s13 =	simm.s32 $0x1;
	s14 =	simm.s32 $0x0  }
0x7: {  	s4 =	sand.u32 $0x1, s4;
	s6 =	sshll.u32 s1, $0x1;
	[smem:$0x7FF] =	sst s2  }
0x8: {  	s6 =	sor.u32 s4, s6;
	_ =	strace $0x80000047;
	s4 =	ssub.s32 $0x2, s4  }
0x9: {  	s7 =	sshll.u32 s6, $0x4;
	s30 =	sshrl.u32 s4, $0x1;
	s31 =	smul.u32 $0x7A2, s6  }
0xa: {  	p0 =	seq.s32 s6, $0x1F;
	s9 =	sadd.s32 s7, s3;
	s3 =	simm.s32 $0x3C3  }
0xb: {  	s10 =	ssub.s32 s4, s30;
	s3 =	simm.s32 @!p0 $0x3D1;
	s4 =	sadd.s32 s5, s31  }
0xc: {  	v1 =	vlaneseq.u32;
	s5 =	sadd.s32 $0xEC9E, s5;
	s6 =	sadd.s32 $0xE00, s9;
	s7 =	sadd.s32 s8, s31  }
0xd: {  	v0 =	vimm.f32 $0.0e+00;
	v2 =	vimm.f32 $1.000000000e+00;
	v1 =	vmul.u32 $0x80, v1;
	s8 =	sadd.s32 $0xEC9E, s8;
	s9 =	sadd.s32 $0x1000, s9;
	s10 =	smax.u32 s10, $0x1  }
.LBB2_1:
0xe: {  	[tilespmem:$0x3D80] =	vst v0  }
0xf: {  	[tilespmem:$0x3D90] =	vst v0  }
0x10: {  	[tilespmem:$0x3DA0] =	vst v0  }
0x11: {  	[tilespmem:$0x3DB0] =	vst v0  }
0x12: {  	[tilespmem:$0x3DC0] =	vst v0  }
0x13: {  	[tilespmem:$0x3DD0] =	vst v0  }
0x14: {  	[tilespmem:$0x3DE0] =	vst v0  }
0x15: {  	[tilespmem:$0x3DF0] =	vst v0  }
0x16: {  	[tilespmem:$0x3E00] =	vst v0  }
0x17: {  	[tilespmem:$0x3E10] =	vst v0  }
0x18: {  	[tilespmem:$0x3E20] =	vst v0  }
0x19: {  	[tilespmem:$0x3E30] =	vst v0  }
0x1a: {  	[tilespmem:$0x3E40] =	vst v0  }
0x1b: {  	[tilespmem:$0x3E50] =	vst v0  }
0x1c: {  	[tilespmem:$0x3E60] =	vst v0  }
0x1d: {  	[tilespmem:$0x3E70] =	vst v0  }
0x1e: {  	[tilespmem:$0x3E80] =	vst v0  }
0x1f: {  	[tilespmem:$0x3E90] =	vst v0  }
0x20: {  	[tilespmem:$0x3EA0] =	vst v0  }
0x21: {  	[tilespmem:$0x3EB0] =	vst v0  }
0x22: {  	[tilespmem:$0x3EC0] =	vst v0  }
0x23: {  	[tilespmem:$0x3ED0] =	vst v0  }
0x24: {  	[tilespmem:$0x3EE0] =	vst v0  }
0x25: {  	[tilespmem:$0x3EF0] =	vst v0  }
0x26: {  	[tilespmem:$0x3F00] =	vst v0  }
0x27: {  	[tilespmem:$0x3F10] =	vst v0  }
0x28: {  	[tilespmem:$0x3F20] =	vst v0  }
0x29: {  	[tilespmem:$0x3F30] =	vst v0  }
0x2a: {  	[tilespmem:$0x3F40] =	vst v0  }
0x2b: {  	[tilespmem:$0x3F50] =	vst v0  }
0x2c: {  	[tilespmem:$0x3F60] =	vst v0  }
0x2d: {  	[tilespmem:$0x3F70] =	vst v0  }
0x2e: {  	[tilespmem:$0x3F80] =	vst v0  }
0x2f: {  	[tilespmem:$0x3F90] =	vst v0  }
0x30: {  	[tilespmem:$0x3FA0] =	vst v0  }
0x31: {  	[tilespmem:$0x3FB0] =	vst v0  }
0x32: {  	[tilespmem:$0x3FC0] =	vst v0  }
0x33: {  	[tilespmem:$0x3FD0] =	vst v0  }
0x34: {  	[tilespmem:$0x3FE0] =	vst v0  }
0x35: {  	[tilespmem:$0x3FF0] =	vst v0  }
0x36: {  	[tilespmem:$0x4000] =	vst v0  }
0x37: {  	[tilespmem:$0x4010] =	vst v0  }
0x38: {  	[tilespmem:$0x4020] =	vst v0  }
0x39: {  	[tilespmem:$0x4030] =	vst v0  }
0x3a: {  	[tilespmem:$0x4040] =	vst v0  }
0x3b: {  	[tilespmem:$0x4050] =	vst v0  }
0x3c: {  	[tilespmem:$0x4060] =	vst v0  }
0x3d: {  	[tilespmem:$0x4070] =	vst v0  }
0x3e: {  	[tilespmem:$0x4080] =	vst v0  }
0x3f: {  	[tilespmem:$0x4090] =	vst v0  }
0x40: {  	[tilespmem:$0x40A0] =	vst v0  }
0x41: {  	[tilespmem:$0x40B0] =	vst v0  }
0x42: {  	[tilespmem:$0x40C0] =	vst v0  }
0x43: {  	[tilespmem:$0x40D0] =	vst v0  }
0x44: {  	[tilespmem:$0x40E0] =	vst v0  }
0x45: {  	[tilespmem:$0x40F0] =	vst v0  }
0x46: {  	[tilespmem:$0x4100] =	vst v0  }
0x47: {  	[tilespmem:$0x4110] =	vst v0  }
0x48: {  	[tilespmem:$0x4120] =	vst v0  }
0x49: {  	[tilespmem:$0x4130] =	vst v0  }
0x4a: {  	[tilespmem:$0x4140] =	vst v0  }
0x4b: {  	[tilespmem:$0x4150] =	vst v0  }
0x4c: {  	[tilespmem:$0x4160] =	vst v0  }
0x4d: {  	[tilespmem:$0x4170] =	vst v0  }
0x4e: {  	[tilespmem:$0x4180] =	vst v0  }
0x4f: {  	[tilespmem:$0x4190] =	vst v0  }
0x50: {  	[tilespmem:$0x41A0] =	vst v0  }
0x51: {  	[tilespmem:$0x41B0] =	vst v0  }
0x52: {  	[tilespmem:$0x41C0] =	vst v0  }
0x53: {  	[tilespmem:$0x41D0] =	vst v0  }
0x54: {  	[tilespmem:$0x41E0] =	vst v0  }
0x55: {  	[tilespmem:$0x41F0] =	vst v0  }
0x56: {  	[tilespmem:$0x4200] =	vst v0  }
0x57: {  	[tilespmem:$0x4210] =	vst v0  }
0x58: {  	[tilespmem:$0x4220] =	vst v0  }
0x59: {  	[tilespmem:$0x4230] =	vst v0  }
0x5a: {  	[tilespmem:$0x4240] =	vst v0  }
0x5b: {  	[tilespmem:$0x4250] =	vst v0  }
0x5c: {  	[tilespmem:$0x4260] =	vst v0  }
0x5d: {  	[tilespmem:$0x4270] =	vst v0  }
0x5e: {  	[tilespmem:$0x4280] =	vst v0  }
0x5f: {  	[tilespmem:$0x4290] =	vst v0  }
0x60: {  	[tilespmem:$0x42A0] =	vst v0  }
0x61: {  	[tilespmem:$0x42B0] =	vst v0  }
0x62: {  	[tilespmem:$0x42C0] =	vst v0  }
0x63: {  	[tilespmem:$0x42D0] =	vst v0  }
0x64: {  	[tilespmem:$0x42E0] =	vst v0  }
0x65: {  	[tilespmem:$0x42F0] =	vst v0  }
0x66: {  	[tilespmem:$0x4300] =	vst v0  }
0x67: {  	[tilespmem:$0x4310] =	vst v0  }
0x68: {  	[tilespmem:$0x4320] =	vst v0  }
0x69: {  	[tilespmem:$0x4330] =	vst v0  }
0x6a: {  	[tilespmem:$0x4340] =	vst v0  }
0x6b: {  	[tilespmem:$0x4350] =	vst v0  }
0x6c: {  	[tilespmem:$0x4360] =	vst v0  }
0x6d: {  	[tilespmem:$0x4370] =	vst v0  }
0x6e: {  	[tilespmem:$0x4380] =	vst v0  }
0x6f: {  	[tilespmem:$0x4390] =	vst v0  }
0x70: {  	[tilespmem:$0x43A0] =	vst v0  }
0x71: {  	[tilespmem:$0x43B0] =	vst v0  }
0x72: {  	[tilespmem:$0x43C0] =	vst v0  }
0x73: {  	[tilespmem:$0x43D0] =	vst v0  }
0x74: {  	[tilespmem:$0x43E0] =	vst v0  }
0x75: {  	[tilespmem:$0x43F0] =	vst v0  }
0x76: {  	[tilespmem:$0x4400] =	vst v0  }
0x77: {  	[tilespmem:$0x4410] =	vst v0  }
0x78: {  	[tilespmem:$0x4420] =	vst v0  }
0x79: {  	[tilespmem:$0x4430] =	vst v0  }
0x7a: {  	[tilespmem:$0x4440] =	vst v0  }
0x7b: {  	[tilespmem:$0x4450] =	vst v0  }
0x7c: {  	[tilespmem:$0x4460] =	vst v0  }
0x7d: {  	[tilespmem:$0x4470] =	vst v0  }
0x7e: {  	[tilespmem:$0x4480] =	vst v0  }
0x7f: {  	[tilespmem:$0x4490] =	vst v0  }
0x80: {  	[tilespmem:$0x44A0] =	vst v0  }
0x81: {  	[tilespmem:$0x44B0] =	vst v0  }
0x82: {  	[tilespmem:$0x44C0] =	vst v0  }
0x83: {  	[tilespmem:$0x44D0] =	vst v0  }
0x84: {  	[tilespmem:$0x44E0] =	vst v0  }
0x85: {  	[tilespmem:$0x44F0] =	vst v0  }
0x86: {  	[tilespmem:$0x4500] =	vst v0  }
0x87: {  	[tilespmem:$0x4510] =	vst v0  }
0x88: {  	[tilespmem:$0x4520] =	vst v0  }
0x89: {  	[tilespmem:$0x4530] =	vst v0  }
0x8a: {  	[tilespmem:$0x4540] =	vst v0  }
0x8b: {  	[tilespmem:$0x4550] =	vst v0  }
0x8c: {  	[tilespmem:$0x4560] =	vst v0  }
0x8d: {  	[tilespmem:$0x4570] =	vst v0;
	s16 =	simm.s32 @p0 $0x0;
	s15 =	simm.s32 @p0 $0x1  }
0x8e: {  	[tilespmem:s16], [sflag:$0x1] =	stream.linear.gather @p0 [hbm4b:s5+s16], $0x3C30, $0x38;
	[tilespmem:$0x4600] =	vst v63  }
0x8f: {  	_ =	swait.ge @p0 [sflag:s15], $0x3C30  }
0x90: {  	[sflag:s15] =	ssyncset.done @p0 $0x0  }
0x91: {  	s18 =	simm.s32 @!p0 $0x0;
	p1 =	sne.s32 s3, $0x1;
	[sflag:s15] =	ssyncadd.s32 @p0 $0xFFFFC3D0  }
0x92: {  	[tilespmem:s18], [sflag:$0x1] =	stream.linear.gather @!p0 [hbm4b:s4+s18], $0x3D10, $0x38;
	[tilespmem:$0x4600] =	vst v63  }
.Ltmp0:
0x93: {  	s17 =	simm.s32 @!p0 $0x1;
	(pc) =	sbr.rel @!p1 .LBB2_3-.Ltmp0, $4  }
0x94: {  	_ =	swait.ge @!p0 [sflag:s17], $0x3D10  }
0x95: {  	[sflag:s17] =	ssyncset.done @!p0 $0x0  }
0x96: {  	[sflag:s17] =	ssyncadd.s32 @!p0 $0xFFFFC2F0  }
0x97: {  	s19 =	sadd.s32 $0xFFFFFFFF, s3;
	s20 =	simm.s32 $0x0;
	v3 =	vld [tilespmem:s2+$0x0]  }
.LBB2_2:
0x98: {  	p2 =	sne.s32 s19, $0x1;
	_ =	sdelay $0x3  }
0x99: {  	v3 =	vadd.s32 v1, v3;
	_ =	sdelay $0x1  }
.Ltmp1:
0x9a: {  	(pc) =	sbr.rel @p2 .LBB2_2-.Ltmp1, $3  }
0x9b: {  	_ =	sdelay $0x1  }
0x9c: {  	s20 =	sadd.s32 $0x10, s20;
	[tilespmem:v3+s11+$0x0] =	vst.idx.add.f32.msk $0xffff, v2  }
0x9d: {  	s19 =	sadd.s32 $0xFFFFFFFF, s19;
	v3 =	vld [tilespmem:s20+$0x0]  }
.LBB2_3:
0x9e: {  	_ =	sdelay $0x3  }
0x9f: {  	v3 =	vadd.s32 v1, v3;
	_ =	sdelay $0x4  }
0xa0: {  	[tilespmem:v3+s11+$0x0] =	vst.idx.add.f32.msk $0xffff, v2  }
0xa1: {  	v3 =	vld [tilespmem:$0x3D80]  }
0xa2: {  	v4 =	vld [tilespmem:$0x3E00]  }
0xa3: {  	v5 =	vld [tilespmem:$0x3E80]  }
0xa4: {  	v6 =	vld [tilespmem:$0x3F00]  }
0xa5: {  	v12 =	vld [tilespmem:$0x3F80]  }
0xa6: {  	v13 =	vld [tilespmem:$0x4000]  }
0xa7: {  	v14 =	vld [tilespmem:$0x4080]  }
0xa8: {  	v17 =	vld [tilespmem:$0x4100]  }
0xa9: {  	v20 =	vld [tilespmem:$0x4180]  }
0xaa: {  	v32 =	vld [tilespmem:$0x4200]  }
0xab: {  	v7 =	vld [tilespmem:$0x4280]  }
0xac: {  	v10 =	vld [tilespmem:$0x4300]  }
0xad: {  	v11 =	vld [tilespmem:$0x4380]  }
0xae: {  	v15 =	vld [tilespmem:$0x4400]  }
0xaf: {  	v16 =	vld [tilespmem:$0x4480]  }
0xb0: {  	v18 =	vld [tilespmem:$0x4500]  }
0xb1: {  	v8 =	vld [tilespmem:$0x3D90]  }
0xb2: {  	v22 =	vld [tilespmem:$0x3E90]  }
0xb3: {  	v23 =	vld [tilespmem:$0x3F10]  }
0xb4: {  	v24 =	vld [tilespmem:$0x3F90]  }
0xb5: {  	v25 =	vld [tilespmem:$0x4010]  }
0xb6: {  	v26 =	vld [tilespmem:$0x4090]  }
0xb7: {  	v27 =	vld [tilespmem:$0x4110]  }
0xb8: {  	v28 =	vld [tilespmem:$0x4190]  }
0xb9: {  	v29 =	vld [tilespmem:$0x4210]  }
0xba: {  	v30 =	vld [tilespmem:$0x4290]  }
0xbb: {  	v31 =	vld [tilespmem:$0x4310]  }
0xbc: {  	v34 =	vld [tilespmem:$0x4390]  }
0xbd: {  	v19 =	vld [tilespmem:$0x4410]  }
0xbe: {  	v21 =	vld [tilespmem:$0x4490]  }
0xbf: {  	v33 =	vld [tilespmem:$0x4510]  }
0xc0: {  	v36 =	vld [tilespmem:$0x3E20]  }
0xc1: {  	v37 =	vld [tilespmem:$0x3EA0]  }
0xc2: {  	v38 =	vld [tilespmem:$0x3F20]  }
0xc3: {  	v39 =	vld [tilespmem:$0x3FA0]  }
0xc4: {  	v40 =	vld [tilespmem:$0x4020]  }
0xc5: {  	v41 =	vld [tilespmem:$0x40A0]  }
0xc6: {  	v42 =	vld [tilespmem:$0x4120]  }
0xc7: {  	v43 =	vld [tilespmem:$0x41A0]  }
0xc8: {  	v44 =	vld [tilespmem:$0x4220]  }
0xc9: {  	v45 =	vld [tilespmem:$0x42A0]  }
0xca: {  	v46 =	vld [tilespmem:$0x4320]  }
0xcb: {  	v47 =	vld [tilespmem:$0x43A0]  }
0xcc: {  	v48 =	vld [tilespmem:$0x4420]  }
0xcd: {  	v49 =	vld [tilespmem:$0x44A0]  }
0xce: {  	v50 =	vld [tilespmem:$0x4520]  }
0xcf: {  	v51 =	vld [tilespmem:$0x3DB0]  }
0xd0: {  	v52 =	vld [tilespmem:$0x3E30]  }
0xd1: {  	v53 =	vld [tilespmem:$0x3EB0]  }
0xd2: {  	v54 =	vld [tilespmem:$0x3F30]  }
0xd3: {  	v55 =	vld [tilespmem:$0x3FB0]  }
0xd4: {  	v56 =	vld [tilespmem:$0x4030]  }
0xd5: {  	v57 =	vld [tilespmem:$0x40B0]  }
0xd6: {  	v58 =	vld [tilespmem:$0x4130]  }
0xd7: {  	v59 =	vld [tilespmem:$0x41B0]  }
0xd8: {  	v60 =	vld [tilespmem:$0x4230]  }
0xd9: {  	v61 =	vld [tilespmem:$0x42B0]  }
0xda: {  	v62 =	vld [tilespmem:$0x4330]  }
0xdb: {  	v63 =	vld [tilespmem:$0x43B0]  }
0xdc: {  	v9 =	vld [tilespmem:$0x44B0]  }
0xdd: {  	v35 =	vld [tilespmem:$0x4040]  }
0xde: {  	[tilespmem:$0x1FF60] =	vst v10;
	v10 =	vld [tilespmem:$0x3E10]  }
0xdf: {  	[tilespmem:$0x1FF70] =	vst v11;
	v11 =	vld [tilespmem:$0x3DA0]  }
0xe0: {  	[tilespmem:$0x1FF50] =	vst v7;
	v7 =	vld [tilespmem:$0x4430]  }
0xe1: {  	[tilespmem:$0x1FFC0] =	vst v18;
	v18 =	vld [tilespmem:$0x4530]  }
0xe2: {  	[tilespmem:$0x1FFA0] =	vst v16;
	v16 =	vld [tilespmem:$0x3DC0]  }
0xe3: {  	[tilespmem:$0x1FF80] =	vst v15;
	v15 =	vld [tilespmem:$0x3E40]  }
0xe4: {  	[tilespmem:$0x1FF90] =	vst v19;
	v19 =	vld [tilespmem:$0x3EC0]  }
0xe5: {  	[tilespmem:$0x1FFB0] =	vst v21;
	v21 =	vld [tilespmem:$0x3F40];
	v3 =	vadd.f32 v4, v3  }
0xe6: {  	[tilespmem:$0x1FFD0] =	vst v33;
	v33 =	vld [tilespmem:$0x3FC0];
	v51 =	vadd.f32 v52, v51  }
0xe7: {  	[tilespmem:$0x1FFE0] =	vst v35;
	v35 =	vld [tilespmem:$0x40C0];
	v3 =	vadd.f32 v5, v3  }
0xe8: {  	v4 =	vld [tilespmem:$0x4140];
	v51 =	vadd.f32 v53, v51  }
0xe9: {  	v3 =	vadd.f32 v6, v3;
	v6 =	vld [tilespmem:$0x43C0]  }
0xea: {  	v52 =	vadd.f32 v54, v51;
	v51 =	vld [tilespmem:$0x3E70]  }
0xeb: {  	v8 =	vadd.f32 v10, v8;
	v10 =	vld [tilespmem:$0x41C0]  }
0xec: {  	v5 =	vadd.f32 v36, v11;
	v11 =	vld [tilespmem:$0x4240]  }
0xed: {  	v36 =	vld [tilespmem:$0x40F0]  }
0xee: {  	v3 =	vadd.f32 v12, v3;
	v12 =	vld [tilespmem:$0x44C0]  }
0xef: {  	[tilespmem:$0x1FFF0] =	vst v35;
	v35 =	vadd.f32 v22, v8;
	v22 =	vld [tilespmem:$0x42C0]  }
0xf0: {  	v5 =	vadd.f32 v37, v5;
	v8 =	vld [tilespmem:$0x4340]  }
0xf1: {  	v13 =	vadd.f32 v13, v3;
	v3 =	vld [tilespmem:$0x4540]  }
0xf2: {  	v15 =	vadd.f32 v15, v16;
	v37 =	vadd.f32 v38, v5;
	v5 =	vld [tilespmem:$0x4440]  }
0xf3: {  	v23 =	vadd.f32 v23, v35;
	v35 =	vld [tilespmem:$0x4250]  }
0xf4: {  	v15 =	vadd.f32 v19, v15;
	v38 =	vld [tilespmem:$0x4450]  }
0xf5: {  	v23 =	vadd.f32 v24, v23;
	v24 =	vadd.f32 v55, v52;
	v55 =	vld [tilespmem:$0x3E50]  }
0xf6: {  	v53 =	vadd.f32 v39, v37;
	v37 =	vld [tilespmem:$0x4350]  }
0xf7: {  	v15 =	vadd.f32 v21, v15;
	v39 =	vld [tilespmem:$0x4550]  }
0xf8: {  	v13 =	vadd.f32 v14, v13;
	v52 =	vld [tilespmem:$0x1FFD0]  }
0xf9: {  	v15 =	vadd.f32 v33, v15;
	v33 =	vld [tilespmem:$0x1FFE0]  }
0xfa: {  	v13 =	vadd.f32 v17, v13;
	v17 =	vld [tilespmem:$0x3F50]  }
0xfb: {  	v23 =	vadd.f32 v25, v23;
	v25 =	vld [tilespmem:$0x3DD0]  }
0xfc: {  	v54 =	vadd.f32 v40, v53;
	v53 =	vld [tilespmem:$0x3EE0]  }
0xfd: {  	v24 =	vadd.f32 v56, v24;
	v56 =	vld [tilespmem:$0x3F60]  }
0xfe: {  	v40 =	vld [tilespmem:$0x4160]  }
0xff: {  	v13 =	vadd.f32 v20, v13;
	v20 =	vld [tilespmem:$0x4050]  }
0x100: {  	v23 =	vadd.f32 v26, v23;
	v26 =	vld [tilespmem:$0x3ED0]  }
0x101: {  	v14 =	vadd.f32 v41, v54;
	v24 =	vadd.f32 v57, v24;
	v54 =	vld [tilespmem:$0x3EF0]  }
0x102: {  	v41 =	vld [tilespmem:$0x1FFF0]  }
0x103: {  	v13 =	vadd.f32 v32, v13;
	v32 =	vld [tilespmem:$0x4150];
	v24 =	vadd.f32 v58, v24  }
0x104: {  	v23 =	vadd.f32 v27, v23;
	v27 =	vld [tilespmem:$0x3FD0];
	v14 =	vadd.f32 v42, v14  }
0x105: {  	v15 =	vadd.f32 v33, v15;
	v58 =	vld [tilespmem:$0x1FF50];
	v24 =	vadd.f32 v59, v24  }
0x106: {  	v42 =	vld [tilespmem:$0x4170];
	v55 =	vadd.f32 v55, v25;
	v14 =	vadd.f32 v43, v14  }
0x107: {  	v23 =	vadd.f32 v28, v23;
	v28 =	vld [tilespmem:$0x40D0];
	v24 =	vadd.f32 v60, v24  }
0x108: {  	v59 =	vld [tilespmem:$0x1FF60];
	v15 =	vadd.f32 v41, v15;
	v14 =	vadd.f32 v44, v14  }
0x109: {  	v43 =	vld [tilespmem:$0x41E0];
	v23 =	vadd.f32 v29, v23;
	v24 =	vadd.f32 v61, v24  }
0x10a: {  	v60 =	vld [tilespmem:$0x1FF70];
	v13 =	vadd.f32 v58, v13;
	v14 =	vadd.f32 v45, v14  }
0x10b: {  	v4 =	vadd.f32 v4, v15;
	v61 =	vld [tilespmem:$0x1FF80];
	v24 =	vadd.f32 v62, v24  }
0x10c: {  	v23 =	vadd.f32 v30, v23;
	v45 =	vld [tilespmem:$0x3E60];
	v14 =	vadd.f32 v46, v14  }
0x10d: {  	v13 =	vadd.f32 v59, v13;
	v24 =	vadd.f32 v63, v24;
	v63 =	vld [tilespmem:$0x3DE0]  }
0x10e: {  	v4 =	vadd.f32 v10, v4;
	v14 =	vadd.f32 v47, v14;
	v47 =	vld [tilespmem:$0x3DF0]  }
0x10f: {  	v29 =	vld [tilespmem:$0x41D0];
	v23 =	vadd.f32 v31, v23;
	v13 =	vadd.f32 v60, v13  }
0x110: {  	v44 =	vld [tilespmem:$0x1FFA0];
	v4 =	vadd.f32 v11, v4;
	v7 =	vadd.f32 v7, v24  }
0x111: {  	v58 =	vld [tilespmem:$0x3F70];
	v23 =	vadd.f32 v34, v23;
	v13 =	vadd.f32 v61, v13  }
0x112: {  	v62 =	vld [tilespmem:$0x1FF90];
	v4 =	vadd.f32 v22, v4;
	v7 =	vadd.f32 v9, v7  }
0x113: {  	v30 =	vld [tilespmem:$0x42D0];
	v57 =	vadd.f32 v45, v63;
	v24 =	vadd.f32 v51, v47  }
0x114: {  	v59 =	vld [tilespmem:$0x3FE0];
	v7 =	vadd.f32 v18, v7;
	v18 =	vadd.f32 v26, v55  }
0x115: {  	v60 =	vld [tilespmem:$0x3FF0];
	v14 =	vadd.f32 v48, v14;
	v9 =	vadd.f32 v53, v57  }
0x116: {  	v61 =	vld [tilespmem:$0x4060];
	v16 =	vadd.f32 v54, v24;
	v17 =	vadd.f32 v17, v18  }
0x117: {  	v23 =	vadd.f32 v62, v23;
	v62 =	vld [tilespmem:$0x4070];
	v9 =	vadd.f32 v56, v9  }
0x118: {  	v63 =	vld [tilespmem:$0x40E0];
	v16 =	vadd.f32 v58, v16;
	v17 =	vadd.f32 v27, v17  }
0x119: {  	v31 =	vld [tilespmem:$0x43D0];
	v13 =	vadd.f32 v44, v13;
	v9 =	vadd.f32 v59, v9  }
0x11a: {  	v46 =	vld [tilespmem:$0x1FFB0];
	v16 =	vadd.f32 v60, v16;
	v17 =	vadd.f32 v20, v17  }
0x11b: {  	v34 =	vld [tilespmem:$0x44D0];
	v4 =	vadd.f32 v8, v4;
	v9 =	vadd.f32 v61, v9  }
0x11c: {  	v48 =	vld [tilespmem:$0x1FFC0];
	v16 =	vadd.f32 v62, v16;
	v17 =	vadd.f32 v28, v17  }
0x11d: {  	v44 =	vld [tilespmem:$0x41F0];
	v14 =	vadd.f32 v49, v14;
	v9 =	vadd.f32 v63, v9  }
0x11e: {  	v45 =	vld [tilespmem:$0x4260];
	v16 =	vadd.f32 v36, v16;
	v17 =	vadd.f32 v32, v17  }
0x11f: {  	v23 =	vadd.f32 v46, v23;
	v46 =	vld [tilespmem:$0x4270];
	v9 =	vadd.f32 v40, v9  }
0x120: {  	v47 =	vld [tilespmem:$0x42E0];
	v16 =	vadd.f32 v42, v16;
	v17 =	vadd.f32 v29, v17  }
0x121: {  	v13 =	vadd.f32 v48, v13;
	v48 =	vld [tilespmem:$0x42F0];
	v9 =	vadd.f32 v43, v9  }
0x122: {  	v49 =	vld [tilespmem:$0x4360];
	v15 =	vadd.f32 v44, v16;
	v17 =	vadd.f32 v35, v17  }
0x123: {  	v14 =	vadd.f32 v50, v14;
	v50 =	vld [tilespmem:$0x4370];
	v9 =	vadd.f32 v45, v9  }
0x124: {  	v51 =	vld [tilespmem:$0x43E0];
	v10 =	vadd.f32 v46, v15;
	v17 =	vadd.f32 v30, v17  }
0x125: {  	v23 =	vadd.f32 v52, v23;
	v53 =	vld [tilespmem:$0x43F0];
	v52 =	vadd.f32 v47, v9  }
0x126: {  	v54 =	vld [tilespmem:$0x4460];
	v10 =	vadd.f32 v48, v10;
	v17 =	vadd.f32 v37, v17  }
0x127: {  	v4 =	vadd.f32 v6, v4;
	v56 =	vld [tilespmem:$0x4470];
	v55 =	vadd.f32 v49, v52  }
0x128: {  	v58 =	vld [tilespmem:$0x44E0];
	v10 =	vadd.f32 v50, v10;
	v57 =	vadd.f32 v31, v17  }
0x129: {  	v4 =	vadd.f32 v5, v4;
	v59 =	vld [tilespmem:$0x44F0];
	v5 =	vadd.f32 v51, v55  }
0x12a: {  	v61 =	vld [tilespmem:$0x4560];
	v9 =	vadd.f32 v53, v10;
	v60 =	vadd.f32 v38, v57  }
0x12b: {  	[tilespmem:$0x45A0] =	vst v14;
	v4 =	vadd.f32 v12, v4;
	v62 =	vld [tilespmem:$0x4570];
	v5 =	vadd.f32 v54, v5  }
0x12c: {  	[tilespmem:$0x45B0] =	vst v7;
	v8 =	vadd.f32 v56, v9;
	v63 =	vadd.f32 v34, v60  }
0x12d: {  	[tilespmem:$0x4580] =	vst v13;
	v3 =	vadd.f32 v3, v4;
	v4 =	vadd.f32 v58, v5  }
0x12e: {  	[tilespmem:$0x4590] =	vst v23;
	v6 =	vadd.f32 v59, v8;
	v5 =	vadd.f32 v39, v63  }
0x12f: {  	[tilespmem:$0x45C0] =	vst v3;
	v3 =	vadd.f32 v61, v4  }
0x130: {  	v4 =	vadd.f32 v62, v6;
	[tilespmem:$0x45D0] =	vst v5  }
0x131: {  	[tilespmem:$0x45E0] =	vst v3  }
0x132: {  	[tilespmem:$0x45F0] =	vst v4  }
0x133: {  	[hbm4b:s6+s2] =	stream.linear.scatter [tilespmem:s12], [sflag:$0x1], $0x80, $0x38;
	[tilespmem:$0x4600] =	vst v63  }
0x134: {  	_ =	swait.ge [sflag:s13], $0x80  }
0x135: {  	[sflag:s13] =	ssyncset.done $0x0  }
0x136: {  	[sflag:s13] =	ssyncadd.s32 $0xFFFFFF80  }
0x137: {  	[tilespmem:$0x3D80] =	vst v0  }
0x138: {  	[tilespmem:$0x3D90] =	vst v0  }
0x139: {  	[tilespmem:$0x3DA0] =	vst v0  }
0x13a: {  	[tilespmem:$0x3DB0] =	vst v0  }
0x13b: {  	[tilespmem:$0x3DC0] =	vst v0  }
0x13c: {  	[tilespmem:$0x3DD0] =	vst v0  }
0x13d: {  	[tilespmem:$0x3DE0] =	vst v0  }
0x13e: {  	[tilespmem:$0x3DF0] =	vst v0  }
0x13f: {  	[tilespmem:$0x3E00] =	vst v0  }
0x140: {  	[tilespmem:$0x3E10] =	vst v0  }
0x141: {  	[tilespmem:$0x3E20] =	vst v0  }
0x142: {  	[tilespmem:$0x3E30] =	vst v0  }
0x143: {  	[tilespmem:$0x3E40] =	vst v0  }
0x144: {  	[tilespmem:$0x3E50] =	vst v0  }
0x145: {  	[tilespmem:$0x3E60] =	vst v0  }
0x146: {  	[tilespmem:$0x3E70] =	vst v0  }
0x147: {  	[tilespmem:$0x3E80] =	vst v0  }
0x148: {  	[tilespmem:$0x3E90] =	vst v0  }
0x149: {  	[tilespmem:$0x3EA0] =	vst v0  }
0x14a: {  	[tilespmem:$0x3EB0] =	vst v0  }
0x14b: {  	[tilespmem:$0x3EC0] =	vst v0  }
0x14c: {  	[tilespmem:$0x3ED0] =	vst v0  }
0x14d: {  	[tilespmem:$0x3EE0] =	vst v0  }
0x14e: {  	[tilespmem:$0x3EF0] =	vst v0  }
0x14f: {  	[tilespmem:$0x3F00] =	vst v0  }
0x150: {  	[tilespmem:$0x3F10] =	vst v0  }
0x151: {  	[tilespmem:$0x3F20] =	vst v0  }
0x152: {  	[tilespmem:$0x3F30] =	vst v0  }
0x153: {  	[tilespmem:$0x3F40] =	vst v0  }
0x154: {  	[tilespmem:$0x3F50] =	vst v0  }
0x155: {  	[tilespmem:$0x3F60] =	vst v0  }
0x156: {  	[tilespmem:$0x3F70] =	vst v0  }
0x157: {  	[tilespmem:$0x3F80] =	vst v0  }
0x158: {  	[tilespmem:$0x3F90] =	vst v0  }
0x159: {  	[tilespmem:$0x3FA0] =	vst v0  }
0x15a: {  	[tilespmem:$0x3FB0] =	vst v0  }
0x15b: {  	[tilespmem:$0x3FC0] =	vst v0  }
0x15c: {  	[tilespmem:$0x3FD0] =	vst v0  }
0x15d: {  	[tilespmem:$0x3FE0] =	vst v0  }
0x15e: {  	[tilespmem:$0x3FF0] =	vst v0  }
0x15f: {  	[tilespmem:$0x4000] =	vst v0  }
0x160: {  	[tilespmem:$0x4010] =	vst v0  }
0x161: {  	[tilespmem:$0x4020] =	vst v0  }
0x162: {  	[tilespmem:$0x4030] =	vst v0  }
0x163: {  	[tilespmem:$0x4040] =	vst v0  }
0x164: {  	[tilespmem:$0x4050] =	vst v0  }
0x165: {  	[tilespmem:$0x4060] =	vst v0  }
0x166: {  	[tilespmem:$0x4070] =	vst v0  }
0x167: {  	[tilespmem:$0x4080] =	vst v0  }
0x168: {  	[tilespmem:$0x4090] =	vst v0  }
0x169: {  	[tilespmem:$0x40A0] =	vst v0  }
0x16a: {  	[tilespmem:$0x40B0] =	vst v0  }
0x16b: {  	[tilespmem:$0x40C0] =	vst v0  }
0x16c: {  	[tilespmem:$0x40D0] =	vst v0  }
0x16d: {  	[tilespmem:$0x40E0] =	vst v0  }
0x16e: {  	[tilespmem:$0x40F0] =	vst v0  }
0x16f: {  	[tilespmem:$0x4100] =	vst v0  }
0x170: {  	[tilespmem:$0x4110] =	vst v0  }
0x171: {  	[tilespmem:$0x4120] =	vst v0  }
0x172: {  	[tilespmem:$0x4130] =	vst v0  }
0x173: {  	[tilespmem:$0x4140] =	vst v0  }
0x174: {  	[tilespmem:$0x4150] =	vst v0  }
0x175: {  	[tilespmem:$0x4160] =	vst v0  }
0x176: {  	[tilespmem:$0x4170] =	vst v0  }
0x177: {  	[tilespmem:$0x4180] =	vst v0  }
0x178: {  	[tilespmem:$0x4190] =	vst v0  }
0x179: {  	[tilespmem:$0x41A0] =	vst v0  }
0x17a: {  	[tilespmem:$0x41B0] =	vst v0  }
0x17b: {  	[tilespmem:$0x41C0] =	vst v0  }
0x17c: {  	[tilespmem:$0x41D0] =	vst v0  }
0x17d: {  	[tilespmem:$0x41E0] =	vst v0  }
0x17e: {  	[tilespmem:$0x41F0] =	vst v0  }
0x17f: {  	[tilespmem:$0x4200] =	vst v0  }
0x180: {  	[tilespmem:$0x4210] =	vst v0  }
0x181: {  	[tilespmem:$0x4220] =	vst v0  }
0x182: {  	[tilespmem:$0x4230] =	vst v0  }
0x183: {  	[tilespmem:$0x4240] =	vst v0  }
0x184: {  	[tilespmem:$0x4250] =	vst v0  }
0x185: {  	[tilespmem:$0x4260] =	vst v0  }
0x186: {  	[tilespmem:$0x4270] =	vst v0  }
0x187: {  	[tilespmem:$0x4280] =	vst v0  }
0x188: {  	[tilespmem:$0x4290] =	vst v0  }
0x189: {  	[tilespmem:$0x42A0] =	vst v0  }
0x18a: {  	[tilespmem:$0x42B0] =	vst v0  }
0x18b: {  	[tilespmem:$0x42C0] =	vst v0  }
0x18c: {  	[tilespmem:$0x42D0] =	vst v0  }
0x18d: {  	[tilespmem:$0x42E0] =	vst v0  }
0x18e: {  	[tilespmem:$0x42F0] =	vst v0  }
0x18f: {  	[tilespmem:$0x4300] =	vst v0  }
0x190: {  	[tilespmem:$0x4310] =	vst v0  }
0x191: {  	[tilespmem:$0x4320] =	vst v0  }
0x192: {  	[tilespmem:$0x4330] =	vst v0  }
0x193: {  	[tilespmem:$0x4340] =	vst v0  }
0x194: {  	[tilespmem:$0x4350] =	vst v0  }
0x195: {  	[tilespmem:$0x4360] =	vst v0  }
0x196: {  	[tilespmem:$0x4370] =	vst v0  }
0x197: {  	[tilespmem:$0x4380] =	vst v0  }
0x198: {  	[tilespmem:$0x4390] =	vst v0  }
0x199: {  	[tilespmem:$0x43A0] =	vst v0  }
0x19a: {  	[tilespmem:$0x43B0] =	vst v0  }
0x19b: {  	[tilespmem:$0x43C0] =	vst v0  }
0x19c: {  	[tilespmem:$0x43D0] =	vst v0  }
0x19d: {  	[tilespmem:$0x43E0] =	vst v0  }
0x19e: {  	[tilespmem:$0x43F0] =	vst v0  }
0x19f: {  	[tilespmem:$0x4400] =	vst v0  }
0x1a0: {  	[tilespmem:$0x4410] =	vst v0  }
0x1a1: {  	[tilespmem:$0x4420] =	vst v0  }
0x1a2: {  	[tilespmem:$0x4430] =	vst v0  }
0x1a3: {  	[tilespmem:$0x4440] =	vst v0  }
0x1a4: {  	[tilespmem:$0x4450] =	vst v0  }
0x1a5: {  	[tilespmem:$0x4460] =	vst v0  }
0x1a6: {  	[tilespmem:$0x4470] =	vst v0  }
0x1a7: {  	[tilespmem:$0x4480] =	vst v0  }
0x1a8: {  	[tilespmem:$0x4490] =	vst v0  }
0x1a9: {  	[tilespmem:$0x44A0] =	vst v0  }
0x1aa: {  	[tilespmem:$0x44B0] =	vst v0  }
0x1ab: {  	[tilespmem:$0x44C0] =	vst v0  }
0x1ac: {  	[tilespmem:$0x44D0] =	vst v0  }
0x1ad: {  	[tilespmem:$0x44E0] =	vst v0  }
0x1ae: {  	[tilespmem:$0x44F0] =	vst v0  }
0x1af: {  	[tilespmem:$0x4500] =	vst v0  }
0x1b0: {  	[tilespmem:$0x4510] =	vst v0  }
0x1b1: {  	[tilespmem:$0x4520] =	vst v0  }
0x1b2: {  	[tilespmem:$0x4530] =	vst v0  }
0x1b3: {  	[tilespmem:$0x4540] =	vst v0  }
0x1b4: {  	[tilespmem:$0x4550] =	vst v0  }
0x1b5: {  	[tilespmem:$0x4560] =	vst v0  }
0x1b6: {  	[tilespmem:$0x4570] =	vst v0  }
0x1b7: {  	[tilespmem:s16], [sflag:$0x1] =	stream.linear.gather @p0 [hbm4b:s8+s16], $0x3C30, $0x38;
	[tilespmem:$0x4600] =	vst v63  }
0x1b8: {  	_ =	swait.ge @p0 [sflag:s15], $0x3C30  }
0x1b9: {  	[sflag:s15] =	ssyncset.done @p0 $0x0  }
0x1ba: {  	[sflag:s15] =	ssyncadd.s32 @p0 $0xFFFFC3D0  }
0x1bb: {  	[tilespmem:s18], [sflag:$0x1] =	stream.linear.gather @!p0 [hbm4b:s7+s18], $0x3D10, $0x38;
	[tilespmem:$0x4600] =	vst v63  }
.Ltmp2:
0x1bc: {  	_ = 	snop;
	(pc) =	sbr.rel @!p1 .LBB2_5-.Ltmp2, $4  }
0x1bd: {  	_ =	swait.ge @!p0 [sflag:s17], $0x3D10  }
0x1be: {  	[sflag:s17] =	ssyncset.done @!p0 $0x0  }
0x1bf: {  	s15 =	simm.s32 $0x0;
	[sflag:s17] =	ssyncadd.s32 @!p0 $0xFFFFC2F0  }
0x1c0: {  	s16 =	sadd.s32 $0xFFFFFFFF, s3;
	v3 =	vld [tilespmem:s15+$0x0]  }
.LBB2_4:
0x1c1: {  	p1 =	sne.s32 s16, $0x1;
	_ =	sdelay $0x3  }
0x1c2: {  	v3 =	vadd.s32 v1, v3;
	_ =	sdelay $0x1  }
.Ltmp3:
0x1c3: {  	(pc) =	sbr.rel @p1 .LBB2_4-.Ltmp3, $3  }
0x1c4: {  	_ =	sdelay $0x1  }
0x1c5: {  	s15 =	sadd.s32 $0x10, s15;
	[tilespmem:v3+s11+$0x0] =	vst.idx.add.f32.msk $0xffff, v2  }
0x1c6: {  	s16 =	sadd.s32 $0xFFFFFFFF, s16;
	v3 =	vld [tilespmem:s15+$0x0]  }
.LBB2_5:
0x1c7: {  	_ =	sdelay $0x3  }
0x1c8: {  	v3 =	vadd.s32 v1, v3;
	_ =	sdelay $0x4  }
0x1c9: {  	[tilespmem:v3+s11+$0x0] =	vst.idx.add.f32.msk $0xffff, v2  }
0x1ca: {  	v3 =	vld [tilespmem:$0x3D80]  }
0x1cb: {  	v4 =	vld [tilespmem:$0x3E00]  }
0x1cc: {  	v5 =	vld [tilespmem:$0x3E80]  }
0x1cd: {  	v6 =	vld [tilespmem:$0x3F00]  }
0x1ce: {  	v12 =	vld [tilespmem:$0x3F80]  }
0x1cf: {  	v13 =	vld [tilespmem:$0x4000]  }
0x1d0: {  	v14 =	vld [tilespmem:$0x4080]  }
0x1d1: {  	v17 =	vld [tilespmem:$0x4100]  }
0x1d2: {  	v20 =	vld [tilespmem:$0x4180]  }
0x1d3: {  	v32 =	vld [tilespmem:$0x4200]  }
0x1d4: {  	v7 =	vld [tilespmem:$0x4280]  }
0x1d5: {  	v10 =	vld [tilespmem:$0x4300]  }
0x1d6: {  	v11 =	vld [tilespmem:$0x4380]  }
0x1d7: {  	v15 =	vld [tilespmem:$0x4400]  }
0x1d8: {  	v16 =	vld [tilespmem:$0x4480]  }
0x1d9: {  	v18 =	vld [tilespmem:$0x4500]  }
0x1da: {  	v8 =	vld [tilespmem:$0x3D90]  }
0x1db: {  	v22 =	vld [tilespmem:$0x3E90]  }
0x1dc: {  	v23 =	vld [tilespmem:$0x3F10]  }
0x1dd: {  	v24 =	vld [tilespmem:$0x3F90]  }
0x1de: {  	v25 =	vld [tilespmem:$0x4010]  }
0x1df: {  	v26 =	vld [tilespmem:$0x4090]  }
0x1e0: {  	v27 =	vld [tilespmem:$0x4110]  }
0x1e1: {  	v28 =	vld [tilespmem:$0x4190]  }
0x1e2: {  	v29 =	vld [tilespmem:$0x4210]  }
0x1e3: {  	v30 =	vld [tilespmem:$0x4290]  }
0x1e4: {  	v31 =	vld [tilespmem:$0x4310]  }
0x1e5: {  	v34 =	vld [tilespmem:$0x4390]  }
0x1e6: {  	v19 =	vld [tilespmem:$0x4410]  }
0x1e7: {  	v21 =	vld [tilespmem:$0x4490]  }
0x1e8: {  	v33 =	vld [tilespmem:$0x4510]  }
0x1e9: {  	v36 =	vld [tilespmem:$0x3E20]  }
0x1ea: {  	v37 =	vld [tilespmem:$0x3EA0]  }
0x1eb: {  	v38 =	vld [tilespmem:$0x3F20]  }
0x1ec: {  	v39 =	vld [tilespmem:$0x3FA0]  }
0x1ed: {  	v40 =	vld [tilespmem:$0x4020]  }
0x1ee: {  	v41 =	vld [tilespmem:$0x40A0]  }
0x1ef: {  	v42 =	vld [tilespmem:$0x4120]  }
0x1f0: {  	v43 =	vld [tilespmem:$0x41A0]  }
0x1f1: {  	v44 =	vld [tilespmem:$0x4220]  }
0x1f2: {  	v45 =	vld [tilespmem:$0x42A0]  }
0x1f3: {  	v46 =	vld [tilespmem:$0x4320]  }
0x1f4: {  	v47 =	vld [tilespmem:$0x43A0]  }
0x1f5: {  	v48 =	vld [tilespmem:$0x4420]  }
0x1f6: {  	v49 =	vld [tilespmem:$0x44A0]  }
0x1f7: {  	v50 =	vld [tilespmem:$0x4520]  }
0x1f8: {  	v51 =	vld [tilespmem:$0x3DB0]  }
0x1f9: {  	v52 =	vld [tilespmem:$0x3E30]  }
0x1fa: {  	v53 =	vld [tilespmem:$0x3EB0]  }
0x1fb: {  	v54 =	vld [tilespmem:$0x3F30]  }
0x1fc: {  	v55 =	vld [tilespmem:$0x3FB0]  }
0x1fd: {  	v56 =	vld [tilespmem:$0x4030]  }
0x1fe: {  	v57 =	vld [tilespmem:$0x40B0]  }
0x1ff: {  	v58 =	vld [tilespmem:$0x4130]  }
0x200: {  	v59 =	vld [tilespmem:$0x41B0]  }
0x201: {  	v60 =	vld [tilespmem:$0x4230]  }
0x202: {  	v61 =	vld [tilespmem:$0x42B0]  }
0x203: {  	v62 =	vld [tilespmem:$0x4330]  }
0x204: {  	v63 =	vld [tilespmem:$0x43B0]  }
0x205: {  	v9 =	vld [tilespmem:$0x44B0]  }
0x206: {  	v35 =	vld [tilespmem:$0x4040]  }
0x207: {  	[tilespmem:$0x1FEB0] =	vst v10;
	v10 =	vld [tilespmem:$0x3E10]  }
0x208: {  	[tilespmem:$0x1FEC0] =	vst v11;
	v11 =	vld [tilespmem:$0x3DA0]  }
0x209: {  	[tilespmem:$0x1FEA0] =	vst v7;
	v7 =	vld [tilespmem:$0x4430]  }
0x20a: {  	[tilespmem:$0x1FF10] =	vst v18;
	v18 =	vld [tilespmem:$0x4530]  }
0x20b: {  	[tilespmem:$0x1FEF0] =	vst v16;
	v16 =	vld [tilespmem:$0x3DC0]  }
0x20c: {  	[tilespmem:$0x1FED0] =	vst v15;
	v15 =	vld [tilespmem:$0x3E40]  }
0x20d: {  	[tilespmem:$0x1FEE0] =	vst v19;
	v19 =	vld [tilespmem:$0x3EC0]  }
0x20e: {  	[tilespmem:$0x1FF00] =	vst v21;
	v21 =	vld [tilespmem:$0x3F40];
	v3 =	vadd.f32 v4, v3  }
0x20f: {  	[tilespmem:$0x1FF20] =	vst v33;
	v33 =	vld [tilespmem:$0x3FC0]  }
0x210: {  	[tilespmem:$0x1FF30] =	vst v35;
	v35 =	vld [tilespmem:$0x40C0];
	v3 =	vadd.f32 v5, v3  }
0x211: {  	v4 =	vld [tilespmem:$0x4140]  }
0x212: {  	v3 =	vadd.f32 v6, v3;
	v6 =	vld [tilespmem:$0x43C0]  }
0x213: {  	v8 =	vadd.f32 v10, v8;
	v10 =	vld [tilespmem:$0x41C0]  }
0x214: {  	v5 =	vadd.f32 v36, v11;
	v11 =	vld [tilespmem:$0x4240]  }
0x215: {  	v36 =	vld [tilespmem:$0x41E0]  }
0x216: {  	v3 =	vadd.f32 v12, v3;
	v12 =	vld [tilespmem:$0x44C0]  }
0x217: {  	[tilespmem:$0x1FF40] =	vst v35;
	v35 =	vadd.f32 v22, v8;
	v22 =	vld [tilespmem:$0x42C0]  }
0x218: {  	v5 =	vadd.f32 v37, v5;
	v8 =	vld [tilespmem:$0x4340]  }
0x219: {  	v51 =	vadd.f32 v52, v51;
	v13 =	vadd.f32 v13, v3;
	v3 =	vld [tilespmem:$0x4540]  }
0x21a: {  	v15 =	vadd.f32 v15, v16;
	v37 =	vadd.f32 v38, v5;
	v5 =	vld [tilespmem:$0x4440]  }
0x21b: {  	v23 =	vadd.f32 v23, v35;
	v35 =	vadd.f32 v53, v51;
	v53 =	vld [tilespmem:$0x3DD0]  }
0x21c: {  	v15 =	vadd.f32 v19, v15;
	v38 =	vld [tilespmem:$0x4450]  }
0x21d: {  	v51 =	vadd.f32 v54, v35;
	v35 =	vld [tilespmem:$0x4250]  }
0x21e: {  	v15 =	vadd.f32 v21, v15;
	v52 =	vadd.f32 v39, v37;
	v37 =	vld [tilespmem:$0x4350]  }
0x21f: {  	v13 =	vadd.f32 v14, v13;
	v39 =	vld [tilespmem:$0x4550]  }
0x220: {  	v15 =	vadd.f32 v33, v15;
	v33 =	vld [tilespmem:$0x4170]  }
0x221: {  	v13 =	vadd.f32 v17, v13;
	v17 =	vld [tilespmem:$0x3F50]  }
0x222: {  	v23 =	vadd.f32 v24, v23;
	v24 =	vadd.f32 v55, v51;
	v55 =	vld [tilespmem:$0x3E50]  }
0x223: {  	v51 =	vld [tilespmem:$0x3EE0]  }
0x224: {  	v54 =	vadd.f32 v40, v52;
	v52 =	vld [tilespmem:$0x3EF0]  }
0x225: {  	v23 =	vadd.f32 v25, v23;
	v40 =	vld [tilespmem:$0x41F0]  }
0x226: {  	v13 =	vadd.f32 v20, v13;
	v20 =	vld [tilespmem:$0x4050]  }
0x227: {  	v23 =	vadd.f32 v26, v23;
	v26 =	vld [tilespmem:$0x3ED0]  }
0x228: {  	v24 =	vadd.f32 v56, v24;
	v14 =	vadd.f32 v41, v54;
	v56 =	vld [tilespmem:$0x1FEA0]  }
0x229: {  	v54 =	vld [tilespmem:$0x3F60]  }
0x22a: {  	v41 =	vld [tilespmem:$0x4260];
	v24 =	vadd.f32 v57, v24;
	v14 =	vadd.f32 v42, v14  }
0x22b: {  	v13 =	vadd.f32 v32, v13;
	v32 =	vld [tilespmem:$0x4150];
	v23 =	vadd.f32 v27, v23  }
0x22c: {  	v27 =	vld [tilespmem:$0x3FD0];
	v24 =	vadd.f32 v58, v24;
	v14 =	vadd.f32 v43, v14  }
0x22d: {  	v57 =	vld [tilespmem:$0x1FEB0];
	v23 =	vadd.f32 v28, v23  }
0x22e: {  	v28 =	vld [tilespmem:$0x40D0];
	v24 =	vadd.f32 v59, v24;
	v14 =	vadd.f32 v44, v14  }
0x22f: {  	v58 =	vld [tilespmem:$0x1FEC0];
	v13 =	vadd.f32 v56, v13;
	v23 =	vadd.f32 v29, v23  }
0x230: {  	v56 =	vld [tilespmem:$0x3F70];
	v24 =	vadd.f32 v60, v24;
	v14 =	vadd.f32 v45, v14  }
0x231: {  	v59 =	vld [tilespmem:$0x1FED0];
	v23 =	vadd.f32 v30, v23  }
0x232: {  	v60 =	vld [tilespmem:$0x1FEE0];
	v24 =	vadd.f32 v61, v24;
	v14 =	vadd.f32 v46, v14  }
0x233: {  	v45 =	vld [tilespmem:$0x1FF00];
	v23 =	vadd.f32 v31, v23  }
0x234: {  	v46 =	vld [tilespmem:$0x3DF0];
	v24 =	vadd.f32 v62, v24;
	v14 =	vadd.f32 v47, v14  }
0x235: {  	v13 =	vadd.f32 v57, v13;
	v23 =	vadd.f32 v34, v23;
	v62 =	vld [tilespmem:$0x1FEF0]  }
0x236: {  	v24 =	vadd.f32 v63, v24;
	v14 =	vadd.f32 v48, v14;
	v48 =	vld [tilespmem:$0x3E70]  }
0x237: {  	v13 =	vadd.f32 v58, v13;
	v61 =	vld [tilespmem:$0x3DE0];
	v23 =	vadd.f32 v60, v23  }
0x238: {  	v53 =	vadd.f32 v55, v53;
	v63 =	vld [tilespmem:$0x3E60];
	v7 =	vadd.f32 v7, v24  }
0x239: {  	v57 =	vld [tilespmem:$0x3FE0];
	v13 =	vadd.f32 v59, v13;
	v23 =	vadd.f32 v45, v23  }
0x23a: {  	v47 =	vld [tilespmem:$0x1FF10];
	v14 =	vadd.f32 v49, v14;
	v7 =	vadd.f32 v9, v7  }
0x23b: {  	v58 =	vld [tilespmem:$0x3FF0];
	v13 =	vadd.f32 v62, v13;
	v24 =	vadd.f32 v48, v46  }
0x23c: {  	v49 =	vld [tilespmem:$0x1FF20];
	v7 =	vadd.f32 v18, v7;
	v18 =	vadd.f32 v26, v53  }
0x23d: {  	v59 =	vld [tilespmem:$0x4060];
	v14 =	vadd.f32 v50, v14;
	v55 =	vadd.f32 v63, v61  }
0x23e: {  	v62 =	vld [tilespmem:$0x1FF30];
	v16 =	vadd.f32 v52, v24;
	v17 =	vadd.f32 v17, v18  }
0x23f: {  	v60 =	vld [tilespmem:$0x4070];
	v13 =	vadd.f32 v47, v13;
	v9 =	vadd.f32 v51, v55  }
0x240: {  	v16 =	vadd.f32 v56, v16;
	v17 =	vadd.f32 v27, v17;
	v27 =	vld [tilespmem:$0x1FF40]  }
0x241: {  	v63 =	vld [tilespmem:$0x40F0];
	v23 =	vadd.f32 v49, v23;
	v9 =	vadd.f32 v54, v9  }
0x242: {  	v61 =	vld [tilespmem:$0x40E0];
	v16 =	vadd.f32 v58, v16;
	v17 =	vadd.f32 v20, v17  }
0x243: {  	v29 =	vld [tilespmem:$0x41D0];
	v15 =	vadd.f32 v62, v15;
	v9 =	vadd.f32 v57, v9  }
0x244: {  	v26 =	vld [tilespmem:$0x4160];
	v16 =	vadd.f32 v60, v16;
	v17 =	vadd.f32 v28, v17  }
0x245: {  	v42 =	vld [tilespmem:$0x4270];
	v9 =	vadd.f32 v59, v9;
	v15 =	vadd.f32 v27, v15  }
0x246: {  	v43 =	vld [tilespmem:$0x42E0];
	v16 =	vadd.f32 v63, v16;
	v17 =	vadd.f32 v32, v17  }
0x247: {  	v30 =	vld [tilespmem:$0x42D0];
	v9 =	vadd.f32 v61, v9;
	v4 =	vadd.f32 v4, v15  }
0x248: {  	v44 =	vld [tilespmem:$0x42F0];
	v16 =	vadd.f32 v33, v16;
	v17 =	vadd.f32 v29, v17  }
0x249: {  	v31 =	vld [tilespmem:$0x43D0];
	v9 =	vadd.f32 v26, v9;
	v4 =	vadd.f32 v10, v4  }
0x24a: {  	v34 =	vld [tilespmem:$0x44D0];
	v15 =	vadd.f32 v40, v16;
	v17 =	vadd.f32 v35, v17  }
0x24b: {  	v46 =	vld [tilespmem:$0x4370];
	v9 =	vadd.f32 v36, v9;
	v4 =	vadd.f32 v11, v4  }
0x24c: {  	v45 =	vld [tilespmem:$0x4360];
	v10 =	vadd.f32 v42, v15;
	v17 =	vadd.f32 v30, v17  }
0x24d: {  	v49 =	vld [tilespmem:$0x43F0];
	v9 =	vadd.f32 v41, v9;
	v4 =	vadd.f32 v22, v4  }
0x24e: {  	v47 =	vld [tilespmem:$0x43E0];
	v10 =	vadd.f32 v44, v10;
	v17 =	vadd.f32 v37, v17  }
0x24f: {  	v52 =	vld [tilespmem:$0x4470];
	v48 =	vadd.f32 v43, v9;
	v4 =	vadd.f32 v8, v4  }
0x250: {  	v50 =	vld [tilespmem:$0x4460];
	v10 =	vadd.f32 v46, v10;
	v53 =	vadd.f32 v31, v17  }
0x251: {  	v56 =	vld [tilespmem:$0x44F0];
	v51 =	vadd.f32 v45, v48;
	v4 =	vadd.f32 v6, v4  }
0x252: {  	v54 =	vld [tilespmem:$0x44E0];
	v9 =	vadd.f32 v49, v10;
	v57 =	vadd.f32 v38, v53  }
0x253: {  	v59 =	vld [tilespmem:$0x4570];
	v55 =	vadd.f32 v47, v51;
	v4 =	vadd.f32 v5, v4  }
0x254: {  	[tilespmem:$0x45A0] =	vst v14;
	v58 =	vld [tilespmem:$0x4560];
	v8 =	vadd.f32 v52, v9;
	v60 =	vadd.f32 v34, v57  }
0x255: {  	[tilespmem:$0x4580] =	vst v13;
	v5 =	vadd.f32 v50, v55;
	v4 =	vadd.f32 v12, v4  }
0x256: {  	[tilespmem:$0x45B0] =	vst v7;
	v6 =	vadd.f32 v56, v8;
	v62 =	vadd.f32 v39, v60  }
0x257: {  	[tilespmem:$0x4590] =	vst v23;
	v61 =	vadd.f32 v54, v5;
	v3 =	vadd.f32 v3, v4  }
0x258: {  	v63 =	vadd.f32 v59, v6;
	[tilespmem:$0x45D0] =	vst v62  }
0x259: {  	s14 =	sadd.s32 $0x1, s14;
	[tilespmem:$0x45C0] =	vst v3;
	v3 =	vadd.f32 v58, v61  }
0x25a: {  	p1 =	sne.s32 s14, s10;
	[tilespmem:$0x45F0] =	vst v63  }
.Ltmp4:
0x25b: {  	[tilespmem:$0x45E0] =	vst v3;
	(pc) =	sbr.rel @p1 .LBB2_1-.Ltmp4, $4  }
0x25c: {  	[hbm4b:s9+s2] =	stream.linear.scatter [tilespmem:s12], [sflag:$0x1], $0x80, $0x38;
	[tilespmem:$0x4600] =	vst v63  }
0x25d: {  	_ =	swait.ge [sflag:s13], $0x80  }
0x25e: {  	[sflag:s13] =	ssyncset.done $0x0  }
0x25f: {  	[sflag:s13] =	ssyncadd.s32 $0xFFFFFF80  }
0x260: {  	_ =	sfence.sel $0x180000  }
0x261: {  	[bflag:$0x0] =	sbarrier.arrive $0xFFFF  }
0x262: {  	p0 =	sne.s32 s1, $0x0;
	_ =	strace $0x90000047  }
0x263: {  	s0 =	sadd.s32 @!p0 $0x100000, s0;
	[bflag:$0x2] =	sbarrier.arrive $0xFFFF  }
0x264: {  	[sflag:s0] =	ssyncadd.tile.s32 @!p0 $0x1;
	_ =	shalt  }
.Lfunc_end2:
_tile_overlayer_lowered:
.L_overlay_start_2:
0x265: {  	(tag) =	ssettag $0x2  }
0x266: {  	s0 =	rddreg [dreg:$0x0];
	s2 =	stileid.u32  }
0x267: {  	s1 =	rddreg [dreg:$0x1];
	p0 =	sne.s32 s2, $0x0  }
0x268: {  	s3 =	rddreg [dreg:$0x2];
	[bflag:$0x3] =	sbarrier.arrive $0xFFFF;
	s2 =	simm.s32 @!p0 $0x1C01  }
0x269: {  	[timem:s3], [sflag:s2] =	dma.local @!p0 [hbm:s0], s1  }
0x26a: {  	s0 =	simm.s32 @!p0 $0x1  }
0x26b: {  	_ =	swait.ge @!p0 [sflag:s0], s1  }
0x26c: {  	s1 =	ssub.s32 @!p0 $0x0, s1;
	[sflag:s0] =	ssyncset.done @!p0 $0x0  }
0x26d: {  	[sflag:s0] =	ssyncadd.s32 @!p0 s1  }
0x26e: {  	[bflag:$0x3] =	sbarrier.arrive $0xFFFF  }
0x26f: {  	_ =	shalt  }

</sc_bundles>
